<compile_context>
chip_gen: v7x
topology: tpu7x:2x2x1
jax: 0.10.2.dev20260603
libtpu: 0.0.44.dev20260713+nightly
codegen_flags: <defaults>
</compile_context>

<pallas_src>
import functools

import jax
import jax.numpy as jnp
from jax import lax
from jax.experimental import pallas as pl
from jax.experimental.pallas import tpu as pltpu
from jax.experimental.pallas import tpu_sc as plsc

N_EXPERTS = 64
BLOCK_ROWS = 4096
HALF_D = 384

N_WORKERS = 32
CHUNK = 128


def _router_block(xa_ref, xb_ref, wt_ref, b_ref, scores_ref):
    logits = (jnp.dot(xa_ref[...], wt_ref[:HALF_D, :],
                      preferred_element_type=jnp.float32)
              + jnp.dot(xb_ref[...], wt_ref[HALF_D:, :],
                        preferred_element_type=jnp.float32)
              + b_ref[...])
    m = jnp.max(logits, axis=-1, keepdims=True)
    e = jnp.exp(logits - m)
    s = jnp.sum(e, axis=-1, keepdims=True)
    scores_ref[...] = e / s


def _tc_scores(x, W, b):
    n, d = x.shape
    e = W.shape[0]
    wt = W.T
    b2 = b.reshape(1, e)
    return pl.pallas_call(
        _router_block,
        grid=(n // BLOCK_ROWS,),
        in_specs=[
            pl.BlockSpec((BLOCK_ROWS, HALF_D), lambda i: (i, 0)),
            pl.BlockSpec((BLOCK_ROWS, HALF_D), lambda i: (i, 1)),
            pl.BlockSpec((d, e), lambda i: (0, 0)),
            pl.BlockSpec((1, e), lambda i: (0, 0)),
        ],
        out_specs=pl.BlockSpec((BLOCK_ROWS, e), lambda i: (i, 0)),
        out_shape=jax.ShapeDtypeStruct((n, e), jnp.float32),
        compiler_params=pltpu.CompilerParams(
            dimension_semantics=("parallel",)),
    )(x, x, wt, b2)


def _sc_top2_body(scores_hbm, tv_hbm, ti_hbm, buf, tvb, tib, sem):
    n = scores_hbm.shape[0]
    rows_per_w = n // N_WORKERS
    n_chunks = rows_per_w // CHUNK
    wid = lax.axis_index("s") * 2 + lax.axis_index("c")
    base = wid * rows_per_w

    lanes = lax.iota(jnp.int32, 16)
    zeros16 = jnp.zeros((16,), jnp.int32)
    ones16 = jnp.ones((16,), jnp.int32)

    def chunk_body(ci, _):
        row0 = base + ci * CHUNK
        pltpu.async_copy(scores_hbm.at[pl.ds(row0, CHUNK)], buf, sem).wait()

        def group_body(g, _):
            ridx = g * 16 + lanes
            v1 = jnp.full((16,), -1.0, jnp.float32)
            v2 = jnp.full((16,), -1.0, jnp.float32)
            i1 = jnp.zeros((16,), jnp.int32)
            i2 = jnp.zeros((16,), jnp.int32)
            for j in range(N_EXPERTS):
                v = plsc.load_gather(buf, [ridx, jnp.full((16,), j, jnp.int32)])
                is1 = v > v1
                is2 = jnp.logical_and(jnp.logical_not(is1), v > v2)
                v2 = jnp.where(is1, v1, jnp.where(is2, v, v2))
                i2 = jnp.where(is1, i1, jnp.where(is2, j, i2))
                v1 = jnp.where(is1, v, v1)
                i1 = jnp.where(is1, j, i1)
            plsc.store_scatter(tvb, [ridx, zeros16], v1)
            plsc.store_scatter(tvb, [ridx, ones16], v2)
            plsc.store_scatter(tib, [ridx, zeros16], i1)
            plsc.store_scatter(tib, [ridx, ones16], i2)
            return 0

        lax.fori_loop(0, CHUNK // 16, group_body, 0)
        pltpu.sync_copy(tvb, tv_hbm.at[pl.ds(row0, CHUNK)])
        pltpu.sync_copy(tib, ti_hbm.at[pl.ds(row0, CHUNK)])
        return 0

    lax.fori_loop(0, n_chunks, chunk_body, 0)


def _sc_top2(scores):
    n = scores.shape[0]
    mesh = plsc.VectorSubcoreMesh(core_axis_name="c", subcore_axis_name="s")
    fn = functools.partial(
        pl.kernel, mesh=mesh,
        out_type=[
            jax.ShapeDtypeStruct((n, 2), jnp.float32),
            jax.ShapeDtypeStruct((n, 2), jnp.int32),
        ],
        scratch_types=[
            pltpu.VMEM((CHUNK, N_EXPERTS), jnp.float32),
            pltpu.VMEM((CHUNK, 2), jnp.float32),
            pltpu.VMEM((CHUNK, 2), jnp.int32),
            pltpu.SemaphoreType.DMA,
        ],
        compiler_params=pltpu.CompilerParams(needs_layout_passes=False),
    )(_sc_top2_body)
    return fn(scores)


@jax.jit
def kernel(x, W, b):
    scores = _tc_scores(x, W, b)
    tv, ti = _sc_top2(scores)
    return tv, ti, scores

# --- scband reference (transcript-rebuilt; emitter-appended) ---
"""Pipeline reference for scband-linker-90975997264413 (READ-ONLY COPY).

The authoritative reference and input builder live on the scoring server;
editing this copy changes nothing except your own understanding.
"""

import jax, jax.numpy as jnp
import numpy as np

CHOICES = 2

def setup_inputs(seed: int = 0) -> dict:
    key = jax.random.key(seed)
    k_x, k_w, k_b = jax.random.split(key, 3)
    N, D, E = 32768, 768, 64
    x = jax.random.normal(k_x, (N, D), dtype=jnp.float32)
    # nn.Linear(input_dim=768, out_features=64): weight [E, D], bias [E]
    bound = 1.0 / np.sqrt(D)
    W = jax.random.uniform(k_w, (E, D), dtype=jnp.float32, minval=-bound, maxval=bound)
    b = jax.random.uniform(k_b, (E,), dtype=jnp.float32, minval=-bound, maxval=bound)
    return {"x": x, "W": W, "b": b}

def reference(x, W, b):
    # logits = self.router(x)
    logits = x @ W.T + b
    # scores = softmax(logits, dim=-1)
    scores = jax.nn.softmax(logits, axis=-1)
    # choices_scores, choices_indices = torch.topk(scores, self.choices, dim=-1)
    choices_scores, choices_indices = jax.lax.top_k(scores, CHOICES)
    return (choices_scores, choices_indices, scores)

if __name__ == "__main__":
    import jax
    _d = setup_inputs()
    print(jax.jit(kernel)(*tuple(_d.values())))

</pallas_src>

<mosaic_0001>
#map = affine_map<(d0, d1) -> (0, 0)>
module attributes {stable_mosaic.version = 14 : i64} {
  func.func @_sc_top2_body(%arg0: i32, %arg1: i32, %arg2: memref<32768x64xf32, #tpu.memory_space<hbm>>, %arg3: memref<32768x2xf32, #tpu.memory_space<hbm>>, %arg4: memref<32768x2xi32, #tpu.memory_space<hbm>>, %arg5: memref<128x64xf32, #tpu.memory_space<vmem>>, %arg6: memref<128x2xf32, #tpu.memory_space<vmem>>, %arg7: memref<128x2xi32, #tpu.memory_space<vmem>>, %arg8: memref<!tpu.dma_semaphore, #tpu.memory_space<semaphore_mem>>) attributes {dimension_semantics = [#tpu.dimension_semantics<core_parallel>, #tpu.dimension_semantics<subcore_parallel>], iteration_bounds = array<i64: 2, 16>, scalar_prefetch = 0 : i64, scratch_operands = 4 : i64, tpu.core_type = #tpu.core_type<sc_vector_subcore>, window_params = [{transform_indices = #map}, {transform_indices = #map}, {transform_indices = #map}]} {
    %mul3A = arith.constant 2 : i32
    %mul3A_0 = arith.muli %arg1, %mul3A : i32
    %add3A = arith.addi %mul3A_0, %arg0 : i32
    %mul3A_1 = arith.constant 1024 : i32
    %mul3A_2 = arith.muli %add3A, %mul3A_1 : i32
    %iota3A = tpu.iota {dimensions = array<i32: 0>} : vector<16xi32>
    %broadcast_in_dim3A = arith.constant 0 : i32
    %broadcast_in_dim3A_3 = vector.broadcast %broadcast_in_dim3A : i32 to vector<16xi32>
    %broadcast_in_dim3A_4 = arith.constant 1 : i32
    %broadcast_in_dim3A_5 = vector.broadcast %broadcast_in_dim3A_4 : i32 to vector<16xi32>
    %scan3A = arith.constant 0 : i32
    %scan3A_6 = arith.constant 0 : i32
    %scan3A_7 = arith.constant 8 : i32
    %scan3A_8 = arith.addi %scan3A_6, %scan3A_7 : i32
    %scan3A_9 = arith.constant 1 : i32
    %scan3A_10 = scf.for %scan3A_12 = %scan3A_6 to %scan3A_8 step %scan3A_9 iter_args(%scan3A_13 = %scan3A) -> (i32)  : i32 {
      %mul3A_14 = arith.constant 128 : i32
      %mul3A_15 = arith.muli %scan3A_12, %mul3A_14 : i32
      %add3A_16 = arith.addi %mul3A_2, %mul3A_15 : i32
      %dma_start3A = arith.constant 0 : i32
      %dma_start3A_17 = tpu.memref_slice %arg2[%add3A_16, %dma_start3A] : memref<32768x64xf32, #tpu.memory_space<hbm>> -> memref<128x64xf32, #tpu.memory_space<hbm>>
      %dma_start3A_18 = arith.constant 0 : i32
      %dma_start3A_19 = tpu.memref_slice %arg2[%add3A_16, %dma_start3A_18] : memref<32768x64xf32, #tpu.memory_space<hbm>> -> memref<128x64xf32, #tpu.memory_space<hbm>>
      tpu.enqueue_dma source(%dma_start3A_19 : memref<128x64xf32, #tpu.memory_space<hbm>>) target(%arg5 : memref<128x64xf32, #tpu.memory_space<vmem>>) target_semaphore(%arg8 : memref<!tpu.dma_semaphore, #tpu.memory_space<semaphore_mem>>)
      %dma_wait3A = arith.constant 0 : i32
      %dma_wait3A_20 = tpu.memref_slice %arg2[%add3A_16, %dma_wait3A] : memref<32768x64xf32, #tpu.memory_space<hbm>> -> memref<128x64xf32, #tpu.memory_space<hbm>>
      %dma_wait3A_21 = arith.constant 0 : i32
      %dma_wait3A_22 = tpu.memref_slice %arg2[%add3A_16, %dma_wait3A_21] : memref<32768x64xf32, #tpu.memory_space<hbm>> -> memref<128x64xf32, #tpu.memory_space<hbm>>
      tpu.wait_dma2 semaphore(%arg8 : memref<!tpu.dma_semaphore, #tpu.memory_space<semaphore_mem>>) src(%dma_wait3A_22 : memref<128x64xf32, #tpu.memory_space<hbm>>) dst(%arg5 : memref<128x64xf32, #tpu.memory_space<vmem>>)
      %scan3A_23 = arith.constant 0 : i32
      %scan3A_24 = arith.constant 0 : i32
      %scan3A_25 = arith.constant 8 : i32
      %scan3A_26 = arith.addi %scan3A_24, %scan3A_25 : i32
      %scan3A_27 = arith.constant 1 : i32
      %scan3A_28 = scf.for %scan3A_31 = %scan3A_24 to %scan3A_26 step %scan3A_27 iter_args(%scan3A_32 = %scan3A_23) -> (i32)  : i32 {
        %mul3A_33 = arith.constant 16 : i32
        %mul3A_34 = arith.muli %scan3A_31, %mul3A_33 : i32
        %add3A_35 = vector.broadcast %mul3A_34 : i32 to vector<16xi32>
        %add3A_36 = arith.addi %add3A_35, %iota3A : vector<16xi32>
        %broadcast_in_dim3A_37 = arith.constant -1.000000e+00 : f32
        %broadcast_in_dim3A_38 = vector.broadcast %broadcast_in_dim3A_37 : f32 to vector<16xf32>
        %broadcast_in_dim3A_39 = arith.constant -1.000000e+00 : f32
        %broadcast_in_dim3A_40 = vector.broadcast %broadcast_in_dim3A_39 : f32 to vector<16xf32>
        %broadcast_in_dim3A_41 = arith.constant 0 : i32
        %broadcast_in_dim3A_42 = vector.broadcast %broadcast_in_dim3A_41 : i32 to vector<16xi32>
        %broadcast_in_dim3A_43 = arith.constant 0 : i32
        %broadcast_in_dim3A_44 = vector.broadcast %broadcast_in_dim3A_43 : i32 to vector<16xi32>
        %broadcast_in_dim3A_45 = arith.constant 0 : i32
        %broadcast_in_dim3A_46 = vector.broadcast %broadcast_in_dim3A_45 : i32 to vector<16xi32>
        %gather3A = tpu.vector_load_idx %arg5[%add3A_36, %broadcast_in_dim3A_46] : memref<128x64xf32, #tpu.memory_space<vmem>>[vector<16xi32>, vector<16xi32>], vector<16xf32>,
        %gt3A = arith.cmpf ogt, %gather3A, %broadcast_in_dim3A_38 : vector<16xf32>
        %not3A = arith.constant dense<true> : vector<16xi1>
        %not3A_47 = arith.xori %gt3A, %not3A : vector<16xi1>
        %gt3A_48 = arith.cmpf ogt, %gather3A, %broadcast_in_dim3A_40 : vector<16xf32>
        %and3A = arith.andi %not3A_47, %gt3A_48 : vector<16xi1>
        %select_n3A = arith.select %and3A, %gather3A, %broadcast_in_dim3A_40 : vector<16xi1>, vector<16xf32>
        %select_n3A_49 = arith.select %gt3A, %broadcast_in_dim3A_38, %select_n3A : vector<16xi1>, vector<16xf32>
        %jit3A = arith.constant 0 : i32
        %broadcast_in_dim3A_50 = vector.broadcast %jit3A : i32 to vector<16xi32>
        %select_n3A_51 = arith.select %and3A, %broadcast_in_dim3A_50, %broadcast_in_dim3A_44 : vector<16xi1>, vector<16xi32>
        %select_n3A_52 = arith.select %gt3A, %broadcast_in_dim3A_42, %select_n3A_51 : vector<16xi1>, vector<16xi32>
        %select_n3A_53 = arith.select %gt3A, %gather3A, %broadcast_in_dim3A_38 : vector<16xi1>, vector<16xf32>
        %jit3A_54 = arith.constant 0 : i32
        %broadcast_in_dim3A_55 = vector.broadcast %jit3A_54 : i32 to vector<16xi32>
        %select_n3A_56 = arith.select %gt3A, %broadcast_in_dim3A_55, %broadcast_in_dim3A_42 : vector<16xi1>, vector<16xi32>
        %broadcast_in_dim3A_57 = arith.constant 1 : i32
        %broadcast_in_dim3A_58 = vector.broadcast %broadcast_in_dim3A_57 : i32 to vector<16xi32>
        %gather3A_59 = tpu.vector_load_idx %arg5[%add3A_36, %broadcast_in_dim3A_58] : memref<128x64xf32, #tpu.memory_space<vmem>>[vector<16xi32>, vector<16xi32>], vector<16xf32>,
        %gt3A_60 = arith.cmpf ogt, %gather3A_59, %select_n3A_53 : vector<16xf32>
        %not3A_61 = arith.constant dense<true> : vector<16xi1>
        %not3A_62 = arith.xori %gt3A_60, %not3A_61 : vector<16xi1>
        %gt3A_63 = arith.cmpf ogt, %gather3A_59, %select_n3A_49 : vector<16xf32>
        %and3A_64 = arith.andi %not3A_62, %gt3A_63 : vector<16xi1>
        %select_n3A_65 = arith.select %and3A_64, %gather3A_59, %select_n3A_49 : vector<16xi1>, vector<16xf32>
        %select_n3A_66 = arith.select %gt3A_60, %select_n3A_53, %select_n3A_65 : vector<16xi1>, vector<16xf32>
        %jit3A_67 = arith.constant 1 : i32
        %broadcast_in_dim3A_68 = vector.broadcast %jit3A_67 : i32 to vector<16xi32>
        %select_n3A_69 = arith.select %and3A_64, %broadcast_in_dim3A_68, %select_n3A_52 : vector<16xi1>, vector<16xi32>
        %select_n3A_70 = arith.select %gt3A_60, %select_n3A_56, %select_n3A_69 : vector<16xi1>, vector<16xi32>
        %select_n3A_71 = arith.select %gt3A_60, %gather3A_59, %select_n3A_53 : vector<16xi1>, vector<16xf32>
        %jit3A_72 = arith.constant 1 : i32
        %broadcast_in_dim3A_73 = vector.broadcast %jit3A_72 : i32 to vector<16xi32>
        %select_n3A_74 = arith.select %gt3A_60, %broadcast_in_dim3A_73, %select_n3A_56 : vector<16xi1>, vector<16xi32>
        %broadcast_in_dim3A_75 = arith.constant 2 : i32
        %broadcast_in_dim3A_76 = vector.broadcast %broadcast_in_dim3A_75 : i32 to vector<16xi32>
        %gather3A_77 = tpu.vector_load_idx %arg5[%add3A_36, %broadcast_in_dim3A_76] : memref<128x64xf32, #tpu.memory_space<vmem>>[vector<16xi32>, vector<16xi32>], vector<16xf32>,
        %gt3A_78 = arith.cmpf ogt, %gather3A_77, %select_n3A_71 : vector<16xf32>
        %not3A_79 = arith.constant dense<true> : vector<16xi1>
        %not3A_80 = arith.xori %gt3A_78, %not3A_79 : vector<16xi1>
        %gt3A_81 = arith.cmpf ogt, %gather3A_77, %select_n3A_66 : vector<16xf32>
        %and3A_82 = arith.andi %not3A_80, %gt3A_81 : vector<16xi1>
        %select_n3A_83 = arith.select %and3A_82, %gather3A_77, %select_n3A_66 : vector<16xi1>, vector<16xf32>
        %select_n3A_84 = arith.select %gt3A_78, %select_n3A_71, %select_n3A_83 : vector<16xi1>, vector<16xf32>
        %jit3A_85 = arith.constant 2 : i32
        %broadcast_in_dim3A_86 = vector.broadcast %jit3A_85 : i32 to vector<16xi32>
        %select_n3A_87 = arith.select %and3A_82, %broadcast_in_dim3A_86, %select_n3A_70 : vector<16xi1>, vector<16xi32>
        %select_n3A_88 = arith.select %gt3A_78, %select_n3A_74, %select_n3A_87 : vector<16xi1>, vector<16xi32>
        %select_n3A_89 = arith.select %gt3A_78, %gather3A_77, %select_n3A_71 : vector<16xi1>, vector<16xf32>
        %jit3A_90 = arith.constant 2 : i32
        %broadcast_in_dim3A_91 = vector.broadcast %jit3A_90 : i32 to vector<16xi32>
        %select_n3A_92 = arith.select %gt3A_78, %broadcast_in_dim3A_91, %select_n3A_74 : vector<16xi1>, vector<16xi32>
        %broadcast_in_dim3A_93 = arith.constant 3 : i32
        %broadcast_in_dim3A_94 = vector.broadcast %broadcast_in_dim3A_93 : i32 to vector<16xi32>
        %gather3A_95 = tpu.vector_load_idx %arg5[%add3A_36, %broadcast_in_dim3A_94] : memref<128x64xf32, #tpu.memory_space<vmem>>[vector<16xi32>, vector<16xi32>], vector<16xf32>,
        %gt3A_96 = arith.cmpf ogt, %gather3A_95, %select_n3A_89 : vector<16xf32>
        %not3A_97 = arith.constant dense<true> : vector<16xi1>
        %not3A_98 = arith.xori %gt3A_96, %not3A_97 : vector<16xi1>
        %gt3A_99 = arith.cmpf ogt, %gather3A_95, %select_n3A_84 : vector<16xf32>
        %and3A_100 = arith.andi %not3A_98, %gt3A_99 : vector<16xi1>
        %select_n3A_101 = arith.select %and3A_100, %gather3A_95, %select_n3A_84 : vector<16xi1>, vector<16xf32>
        %select_n3A_102 = arith.select %gt3A_96, %select_n3A_89, %select_n3A_101 : vector<16xi1>, vector<16xf32>
        %jit3A_103 = arith.constant 3 : i32
        %broadcast_in_dim3A_104 = vector.broadcast %jit3A_103 : i32 to vector<16xi32>
        %select_n3A_105 = arith.select %and3A_100, %broadcast_in_dim3A_104, %select_n3A_88 : vector<16xi1>, vector<16xi32>
        %select_n3A_106 = arith.select %gt3A_96, %select_n3A_92, %select_n3A_105 : vector<16xi1>, vector<16xi32>
        %select_n3A_107 = arith.select %gt3A_96, %gather3A_95, %select_n3A_89 : vector<16xi1>, vector<16xf32>
        %jit3A_108 = arith.constant 3 : i32
        %broadcast_in_dim3A_109 = vector.broadcast %jit3A_108 : i32 to vector<16xi32>
        %select_n3A_110 = arith.select %gt3A_96, %broadcast_in_dim3A_109, %select_n3A_92 : vector<16xi1>, vector<16xi32>
        %broadcast_in_dim3A_111 = arith.constant 4 : i32
        %broadcast_in_dim3A_112 = vector.broadcast %broadcast_in_dim3A_111 : i32 to vector<16xi32>
        %gather3A_113 = tpu.vector_load_idx %arg5[%add3A_36, %broadcast_in_dim3A_112] : memref<128x64xf32, #tpu.memory_space<vmem>>[vector<16xi32>, vector<16xi32>], vector<16xf32>,
        %gt3A_114 = arith.cmpf ogt, %gather3A_113, %select_n3A_107 : vector<16xf32>
        %not3A_115 = arith.constant dense<true> : vector<16xi1>
        %not3A_116 = arith.xori %gt3A_114, %not3A_115 : vector<16xi1>
        %gt3A_117 = arith.cmpf ogt, %gather3A_113, %select_n3A_102 : vector<16xf32>
        %and3A_118 = arith.andi %not3A_116, %gt3A_117 : vector<16xi1>
        %select_n3A_119 = arith.select %and3A_118, %gather3A_113, %select_n3A_102 : vector<16xi1>, vector<16xf32>
        %select_n3A_120 = arith.select %gt3A_114, %select_n3A_107, %select_n3A_119 : vector<16xi1>, vector<16xf32>
        %jit3A_121 = arith.constant 4 : i32
        %broadcast_in_dim3A_122 = vector.broadcast %jit3A_121 : i32 to vector<16xi32>
        %select_n3A_123 = arith.select %and3A_118, %broadcast_in_dim3A_122, %select_n3A_106 : vector<16xi1>, vector<16xi32>
        %select_n3A_124 = arith.select %gt3A_114, %select_n3A_110, %select_n3A_123 : vector<16xi1>, vector<16xi32>
        %select_n3A_125 = arith.select %gt3A_114, %gather3A_113, %select_n3A_107 : vector<16xi1>, vector<16xf32>
        %jit3A_126 = arith.constant 4 : i32
        %broadcast_in_dim3A_127 = vector.broadcast %jit3A_126 : i32 to vector<16xi32>
        %select_n3A_128 = arith.select %gt3A_114, %broadcast_in_dim3A_127, %select_n3A_110 : vector<16xi1>, vector<16xi32>
        %broadcast_in_dim3A_129 = arith.constant 5 : i32
        %broadcast_in_dim3A_130 = vector.broadcast %broadcast_in_dim3A_129 : i32 to vector<16xi32>
        %gather3A_131 = tpu.vector_load_idx %arg5[%add3A_36, %broadcast_in_dim3A_130] : memref<128x64xf32, #tpu.memory_space<vmem>>[vector<16xi32>, vector<16xi32>], vector<16xf32>,
        %gt3A_132 = arith.cmpf ogt, %gather3A_131, %select_n3A_125 : vector<16xf32>
        %not3A_133 = arith.constant dense<true> : vector<16xi1>
        %not3A_134 = arith.xori %gt3A_132, %not3A_133 : vector<16xi1>
        %gt3A_135 = arith.cmpf ogt, %gather3A_131, %select_n3A_120 : vector<16xf32>
        %and3A_136 = arith.andi %not3A_134, %gt3A_135 : vector<16xi1>
        %select_n3A_137 = arith.select %and3A_136, %gather3A_131, %select_n3A_120 : vector<16xi1>, vector<16xf32>
        %select_n3A_138 = arith.select %gt3A_132, %select_n3A_125, %select_n3A_137 : vector<16xi1>, vector<16xf32>
        %jit3A_139 = arith.constant 5 : i32
        %broadcast_in_dim3A_140 = vector.broadcast %jit3A_139 : i32 to vector<16xi32>
        %select_n3A_141 = arith.select %and3A_136, %broadcast_in_dim3A_140, %select_n3A_124 : vector<16xi1>, vector<16xi32>
        %select_n3A_142 = arith.select %gt3A_132, %select_n3A_128, %select_n3A_141 : vector<16xi1>, vector<16xi32>
        %select_n3A_143 = arith.select %gt3A_132, %gather3A_131, %select_n3A_125 : vector<16xi1>, vector<16xf32>
        %jit3A_144 = arith.constant 5 : i32
        %broadcast_in_dim3A_145 = vector.broadcast %jit3A_144 : i32 to vector<16xi32>
        %select_n3A_146 = arith.select %gt3A_132, %broadcast_in_dim3A_145, %select_n3A_128 : vector<16xi1>, vector<16xi32>
        %broadcast_in_dim3A_147 = arith.constant 6 : i32
        %broadcast_in_dim3A_148 = vector.broadcast %broadcast_in_dim3A_147 : i32 to vector<16xi32>
        %gather3A_149 = tpu.vector_load_idx %arg5[%add3A_36, %broadcast_in_dim3A_148] : memref<128x64xf32, #tpu.memory_space<vmem>>[vector<16xi32>, vector<16xi32>], vector<16xf32>,
        %gt3A_150 = arith.cmpf ogt, %gather3A_149, %select_n3A_143 : vector<16xf32>
        %not3A_151 = arith.constant dense<true> : vector<16xi1>
        %not3A_152 = arith.xori %gt3A_150, %not3A_151 : vector<16xi1>
        %gt3A_153 = arith.cmpf ogt, %gather3A_149, %select_n3A_138 : vector<16xf32>
        %and3A_154 = arith.andi %not3A_152, %gt3A_153 : vector<16xi1>
        %select_n3A_155 = arith.select %and3A_154, %gather3A_149, %select_n3A_138 : vector<16xi1>, vector<16xf32>
        %select_n3A_156 = arith.select %gt3A_150, %select_n3A_143, %select_n3A_155 : vector<16xi1>, vector<16xf32>
        %jit3A_157 = arith.constant 6 : i32
        %broadcast_in_dim3A_158 = vector.broadcast %jit3A_157 : i32 to vector<16xi32>
        %select_n3A_159 = arith.select %and3A_154, %broadcast_in_dim3A_158, %select_n3A_142 : vector<16xi1>, vector<16xi32>
        %select_n3A_160 = arith.select %gt3A_150, %select_n3A_146, %select_n3A_159 : vector<16xi1>, vector<16xi32>
        %select_n3A_161 = arith.select %gt3A_150, %gather3A_149, %select_n3A_143 : vector<16xi1>, vector<16xf32>
        %jit3A_162 = arith.constant 6 : i32
        %broadcast_in_dim3A_163 = vector.broadcast %jit3A_162 : i32 to vector<16xi32>
        %select_n3A_164 = arith.select %gt3A_150, %broadcast_in_dim3A_163, %select_n3A_146 : vector<16xi1>, vector<16xi32>
        %broadcast_in_dim3A_165 = arith.constant 7 : i32
        %broadcast_in_dim3A_166 = vector.broadcast %broadcast_in_dim3A_165 : i32 to vector<16xi32>
        %gather3A_167 = tpu.vector_load_idx %arg5[%add3A_36, %broadcast_in_dim3A_166] : memref<128x64xf32, #tpu.memory_space<vmem>>[vector<16xi32>, vector<16xi32>], vector<16xf32>,
        %gt3A_168 = arith.cmpf ogt, %gather3A_167, %select_n3A_161 : vector<16xf32>
        %not3A_169 = arith.constant dense<true> : vector<16xi1>
        %not3A_170 = arith.xori %gt3A_168, %not3A_169 : vector<16xi1>
        %gt3A_171 = arith.cmpf ogt, %gather3A_167, %select_n3A_156 : vector<16xf32>
        %and3A_172 = arith.andi %not3A_170, %gt3A_171 : vector<16xi1>
        %select_n3A_173 = arith.select %and3A_172, %gather3A_167, %select_n3A_156 : vector<16xi1>, vector<16xf32>
        %select_n3A_174 = arith.select %gt3A_168, %select_n3A_161, %select_n3A_173 : vector<16xi1>, vector<16xf32>
        %jit3A_175 = arith.constant 7 : i32
        %broadcast_in_dim3A_176 = vector.broadcast %jit3A_175 : i32 to vector<16xi32>
        %select_n3A_177 = arith.select %and3A_172, %broadcast_in_dim3A_176, %select_n3A_160 : vector<16xi1>, vector<16xi32>
        %select_n3A_178 = arith.select %gt3A_168, %select_n3A_164, %select_n3A_177 : vector<16xi1>, vector<16xi32>
        %select_n3A_179 = arith.select %gt3A_168, %gather3A_167, %select_n3A_161 : vector<16xi1>, vector<16xf32>
        %jit3A_180 = arith.constant 7 : i32
        %broadcast_in_dim3A_181 = vector.broadcast %jit3A_180 : i32 to vector<16xi32>
        %select_n3A_182 = arith.select %gt3A_168, %broadcast_in_dim3A_181, %select_n3A_164 : vector<16xi1>, vector<16xi32>
        %broadcast_in_dim3A_183 = arith.constant 8 : i32
        %broadcast_in_dim3A_184 = vector.broadcast %broadcast_in_dim3A_183 : i32 to vector<16xi32>
        %gather3A_185 = tpu.vector_load_idx %arg5[%add3A_36, %broadcast_in_dim3A_184] : memref<128x64xf32, #tpu.memory_space<vmem>>[vector<16xi32>, vector<16xi32>], vector<16xf32>,
        %gt3A_186 = arith.cmpf ogt, %gather3A_185, %select_n3A_179 : vector<16xf32>
        %not3A_187 = arith.constant dense<true> : vector<16xi1>
        %not3A_188 = arith.xori %gt3A_186, %not3A_187 : vector<16xi1>
        %gt3A_189 = arith.cmpf ogt, %gather3A_185, %select_n3A_174 : vector<16xf32>
        %and3A_190 = arith.andi %not3A_188, %gt3A_189 : vector<16xi1>
        %select_n3A_191 = arith.select %and3A_190, %gather3A_185, %select_n3A_174 : vector<16xi1>, vector<16xf32>
        %select_n3A_192 = arith.select %gt3A_186, %select_n3A_179, %select_n3A_191 : vector<16xi1>, vector<16xf32>
        %jit3A_193 = arith.constant 8 : i32
        %broadcast_in_dim3A_194 = vector.broadcast %jit3A_193 : i32 to vector<16xi32>
        %select_n3A_195 = arith.select %and3A_190, %broadcast_in_dim3A_194, %select_n3A_178 : vector<16xi1>, vector<16xi32>
        %select_n3A_196 = arith.select %gt3A_186, %select_n3A_182, %select_n3A_195 : vector<16xi1>, vector<16xi32>
        %select_n3A_197 = arith.select %gt3A_186, %gather3A_185, %select_n3A_179 : vector<16xi1>, vector<16xf32>
        %jit3A_198 = arith.constant 8 : i32
        %broadcast_in_dim3A_199 = vector.broadcast %jit3A_198 : i32 to vector<16xi32>
        %select_n3A_200 = arith.select %gt3A_186, %broadcast_in_dim3A_199, %select_n3A_182 : vector<16xi1>, vector<16xi32>
        %broadcast_in_dim3A_201 = arith.constant 9 : i32
        %broadcast_in_dim3A_202 = vector.broadcast %broadcast_in_dim3A_201 : i32 to vector<16xi32>
        %gather3A_203 = tpu.vector_load_idx %arg5[%add3A_36, %broadcast_in_dim3A_202] : memref<128x64xf32, #tpu.memory_space<vmem>>[vector<16xi32>, vector<16xi32>], vector<16xf32>,
        %gt3A_204 = arith.cmpf ogt, %gather3A_203, %select_n3A_197 : vector<16xf32>
        %not3A_205 = arith.constant dense<true> : vector<16xi1>
        %not3A_206 = arith.xori %gt3A_204, %not3A_205 : vector<16xi1>
        %gt3A_207 = arith.cmpf ogt, %gather3A_203, %select_n3A_192 : vector<16xf32>
        %and3A_208 = arith.andi %not3A_206, %gt3A_207 : vector<16xi1>
        %select_n3A_209 = arith.select %and3A_208, %gather3A_203, %select_n3A_192 : vector<16xi1>, vector<16xf32>
        %select_n3A_210 = arith.select %gt3A_204, %select_n3A_197, %select_n3A_209 : vector<16xi1>, vector<16xf32>
        %jit3A_211 = arith.constant 9 : i32
        %broadcast_in_dim3A_212 = vector.broadcast %jit3A_211 : i32 to vector<16xi32>
        %select_n3A_213 = arith.select %and3A_208, %broadcast_in_dim3A_212, %select_n3A_196 : vector<16xi1>, vector<16xi32>
        %select_n3A_214 = arith.select %gt3A_204, %select_n3A_200, %select_n3A_213 : vector<16xi1>, vector<16xi32>
        %select_n3A_215 = arith.select %gt3A_204, %gather3A_203, %select_n3A_197 : vector<16xi1>, vector<16xf32>
        %jit3A_216 = arith.constant 9 : i32
        %broadcast_in_dim3A_217 = vector.broadcast %jit3A_216 : i32 to vector<16xi32>
        %select_n3A_218 = arith.select %gt3A_204, %broadcast_in_dim3A_217, %select_n3A_200 : vector<16xi1>, vector<16xi32>
        %broadcast_in_dim3A_219 = arith.constant 10 : i32
        %broadcast_in_dim3A_220 = vector.broadcast %broadcast_in_dim3A_219 : i32 to vector<16xi32>
        %gather3A_221 = tpu.vector_load_idx %arg5[%add3A_36, %broadcast_in_dim3A_220] : memref<128x64xf32, #tpu.memory_space<vmem>>[vector<16xi32>, vector<16xi32>], vector<16xf32>,
        %gt3A_222 = arith.cmpf ogt, %gather3A_221, %select_n3A_215 : vector<16xf32>
        %not3A_223 = arith.constant dense<true> : vector<16xi1>
        %not3A_224 = arith.xori %gt3A_222, %not3A_223 : vector<16xi1>
        %gt3A_225 = arith.cmpf ogt, %gather3A_221, %select_n3A_210 : vector<16xf32>
        %and3A_226 = arith.andi %not3A_224, %gt3A_225 : vector<16xi1>
        %select_n3A_227 = arith.select %and3A_226, %gather3A_221, %select_n3A_210 : vector<16xi1>, vector<16xf32>
        %select_n3A_228 = arith.select %gt3A_222, %select_n3A_215, %select_n3A_227 : vector<16xi1>, vector<16xf32>
        %jit3A_229 = arith.constant 10 : i32
        %broadcast_in_dim3A_230 = vector.broadcast %jit3A_229 : i32 to vector<16xi32>
        %select_n3A_231 = arith.select %and3A_226, %broadcast_in_dim3A_230, %select_n3A_214 : vector<16xi1>, vector<16xi32>
        %select_n3A_232 = arith.select %gt3A_222, %select_n3A_218, %select_n3A_231 : vector<16xi1>, vector<16xi32>
        %select_n3A_233 = arith.select %gt3A_222, %gather3A_221, %select_n3A_215 : vector<16xi1>, vector<16xf32>
        %jit3A_234 = arith.constant 10 : i32
        %broadcast_in_dim3A_235 = vector.broadcast %jit3A_234 : i32 to vector<16xi32>
        %select_n3A_236 = arith.select %gt3A_222, %broadcast_in_dim3A_235, %select_n3A_218 : vector<16xi1>, vector<16xi32>
        %broadcast_in_dim3A_237 = arith.constant 11 : i32
        %broadcast_in_dim3A_238 = vector.broadcast %broadcast_in_dim3A_237 : i32 to vector<16xi32>
        %gather3A_239 = tpu.vector_load_idx %arg5[%add3A_36, %broadcast_in_dim3A_238] : memref<128x64xf32, #tpu.memory_space<vmem>>[vector<16xi32>, vector<16xi32>], vector<16xf32>,
        %gt3A_240 = arith.cmpf ogt, %gather3A_239, %select_n3A_233 : vector<16xf32>
        %not3A_241 = arith.constant dense<true> : vector<16xi1>
        %not3A_242 = arith.xori %gt3A_240, %not3A_241 : vector<16xi1>
        %gt3A_243 = arith.cmpf ogt, %gather3A_239, %select_n3A_228 : vector<16xf32>
        %and3A_244 = arith.andi %not3A_242, %gt3A_243 : vector<16xi1>
        %select_n3A_245 = arith.select %and3A_244, %gather3A_239, %select_n3A_228 : vector<16xi1>, vector<16xf32>
        %select_n3A_246 = arith.select %gt3A_240, %select_n3A_233, %select_n3A_245 : vector<16xi1>, vector<16xf32>
        %jit3A_247 = arith.constant 11 : i32
        %broadcast_in_dim3A_248 = vector.broadcast %jit3A_247 : i32 to vector<16xi32>
        %select_n3A_249 = arith.select %and3A_244, %broadcast_in_dim3A_248, %select_n3A_232 : vector<16xi1>, vector<16xi32>
        %select_n3A_250 = arith.select %gt3A_240, %select_n3A_236, %select_n3A_249 : vector<16xi1>, vector<16xi32>
        %select_n3A_251 = arith.select %gt3A_240, %gather3A_239, %select_n3A_233 : vector<16xi1>, vector<16xf32>
        %jit3A_252 = arith.constant 11 : i32
        %broadcast_in_dim3A_253 = vector.broadcast %jit3A_252 : i32 to vector<16xi32>
        %select_n3A_254 = arith.select %gt3A_240, %broadcast_in_dim3A_253, %select_n3A_236 : vector<16xi1>, vector<16xi32>
        %broadcast_in_dim3A_255 = arith.constant 12 : i32
        %broadcast_in_dim3A_256 = vector.broadcast %broadcast_in_dim3A_255 : i32 to vector<16xi32>
        %gather3A_257 = tpu.vector_load_idx %arg5[%add3A_36, %broadcast_in_dim3A_256] : memref<128x64xf32, #tpu.memory_space<vmem>>[vector<16xi32>, vector<16xi32>], vector<16xf32>,
        %gt3A_258 = arith.cmpf ogt, %gather3A_257, %select_n3A_251 : vector<16xf32>
        %not3A_259 = arith.constant dense<true> : vector<16xi1>
        %not3A_260 = arith.xori %gt3A_258, %not3A_259 : vector<16xi1>
        %gt3A_261 = arith.cmpf ogt, %gather3A_257, %select_n3A_246 : vector<16xf32>
        %and3A_262 = arith.andi %not3A_260, %gt3A_261 : vector<16xi1>
        %select_n3A_263 = arith.select %and3A_262, %gather3A_257, %select_n3A_246 : vector<16xi1>, vector<16xf32>
        %select_n3A_264 = arith.select %gt3A_258, %select_n3A_251, %select_n3A_263 : vector<16xi1>, vector<16xf32>
        %jit3A_265 = arith.constant 12 : i32
        %broadcast_in_dim3A_266 = vector.broadcast %jit3A_265 : i32 to vector<16xi32>
        %select_n3A_267 = arith.select %and3A_262, %broadcast_in_dim3A_266, %select_n3A_250 : vector<16xi1>, vector<16xi32>
        %select_n3A_268 = arith.select %gt3A_258, %select_n3A_254, %select_n3A_267 : vector<16xi1>, vector<16xi32>
        %select_n3A_269 = arith.select %gt3A_258, %gather3A_257, %select_n3A_251 : vector<16xi1>, vector<16xf32>
        %jit3A_270 = arith.constant 12 : i32
        %broadcast_in_dim3A_271 = vector.broadcast %jit3A_270 : i32 to vector<16xi32>
        %select_n3A_272 = arith.select %gt3A_258, %broadcast_in_dim3A_271, %select_n3A_254 : vector<16xi1>, vector<16xi32>
        %broadcast_in_dim3A_273 = arith.constant 13 : i32
        %broadcast_in_dim3A_274 = vector.broadcast %broadcast_in_dim3A_273 : i32 to vector<16xi32>
        %gather3A_275 = tpu.vector_load_idx %arg5[%add3A_36, %broadcast_in_dim3A_274] : memref<128x64xf32, #tpu.memory_space<vmem>>[vector<16xi32>, vector<16xi32>], vector<16xf32>,
        %gt3A_276 = arith.cmpf ogt, %gather3A_275, %select_n3A_269 : vector<16xf32>
        %not3A_277 = arith.constant dense<true> : vector<16xi1>
        %not3A_278 = arith.xori %gt3A_276, %not3A_277 : vector<16xi1>
        %gt3A_279 = arith.cmpf ogt, %gather3A_275, %select_n3A_264 : vector<16xf32>
        %and3A_280 = arith.andi %not3A_278, %gt3A_279 : vector<16xi1>
        %select_n3A_281 = arith.select %and3A_280, %gather3A_275, %select_n3A_264 : vector<16xi1>, vector<16xf32>
        %select_n3A_282 = arith.select %gt3A_276, %select_n3A_269, %select_n3A_281 : vector<16xi1>, vector<16xf32>
        %jit3A_283 = arith.constant 13 : i32
        %broadcast_in_dim3A_284 = vector.broadcast %jit3A_283 : i32 to vector<16xi32>
        %select_n3A_285 = arith.select %and3A_280, %broadcast_in_dim3A_284, %select_n3A_268 : vector<16xi1>, vector<16xi32>
        %select_n3A_286 = arith.select %gt3A_276, %select_n3A_272, %select_n3A_285 : vector<16xi1>, vector<16xi32>
        %select_n3A_287 = arith.select %gt3A_276, %gather3A_275, %select_n3A_269 : vector<16xi1>, vector<16xf32>
        %jit3A_288 = arith.constant 13 : i32
        %broadcast_in_dim3A_289 = vector.broadcast %jit3A_288 : i32 to vector<16xi32>
        %select_n3A_290 = arith.select %gt3A_276, %broadcast_in_dim3A_289, %select_n3A_272 : vector<16xi1>, vector<16xi32>
        %broadcast_in_dim3A_291 = arith.constant 14 : i32
        %broadcast_in_dim3A_292 = vector.broadcast %broadcast_in_dim3A_291 : i32 to vector<16xi32>
        %gather3A_293 = tpu.vector_load_idx %arg5[%add3A_36, %broadcast_in_dim3A_292] : memref<128x64xf32, #tpu.memory_space<vmem>>[vector<16xi32>, vector<16xi32>], vector<16xf32>,
        %gt3A_294 = arith.cmpf ogt, %gather3A_293, %select_n3A_287 : vector<16xf32>
        %not3A_295 = arith.constant dense<true> : vector<16xi1>
        %not3A_296 = arith.xori %gt3A_294, %not3A_295 : vector<16xi1>
        %gt3A_297 = arith.cmpf ogt, %gather3A_293, %select_n3A_282 : vector<16xf32>
        %and3A_298 = arith.andi %not3A_296, %gt3A_297 : vector<16xi1>
        %select_n3A_299 = arith.select %and3A_298, %gather3A_293, %select_n3A_282 : vector<16xi1>, vector<16xf32>
        %select_n3A_300 = arith.select %gt3A_294, %select_n3A_287, %select_n3A_299 : vector<16xi1>, vector<16xf32>
        %jit3A_301 = arith.constant 14 : i32
        %broadcast_in_dim3A_302 = vector.broadcast %jit3A_301 : i32 to vector<16xi32>
        %select_n3A_303 = arith.select %and3A_298, %broadcast_in_dim3A_302, %select_n3A_286 : vector<16xi1>, vector<16xi32>
        %select_n3A_304 = arith.select %gt3A_294, %select_n3A_290, %select_n3A_303 : vector<16xi1>, vector<16xi32>
        %select_n3A_305 = arith.select %gt3A_294, %gather3A_293, %select_n3A_287 : vector<16xi1>, vector<16xf32>
        %jit3A_306 = arith.constant 14 : i32
        %broadcast_in_dim3A_307 = vector.broadcast %jit3A_306 : i32 to vector<16xi32>
        %select_n3A_308 = arith.select %gt3A_294, %broadcast_in_dim3A_307, %select_n3A_290 : vector<16xi1>, vector<16xi32>
        %broadcast_in_dim3A_309 = arith.constant 15 : i32
        %broadcast_in_dim3A_310 = vector.broadcast %broadcast_in_dim3A_309 : i32 to vector<16xi32>
        %gather3A_311 = tpu.vector_load_idx %arg5[%add3A_36, %broadcast_in_dim3A_310] : memref<128x64xf32, #tpu.memory_space<vmem>>[vector<16xi32>, vector<16xi32>], vector<16xf32>,
        %gt3A_312 = arith.cmpf ogt, %gather3A_311, %select_n3A_305 : vector<16xf32>
        %not3A_313 = arith.constant dense<true> : vector<16xi1>
        %not3A_314 = arith.xori %gt3A_312, %not3A_313 : vector<16xi1>
        %gt3A_315 = arith.cmpf ogt, %gather3A_311, %select_n3A_300 : vector<16xf32>
        %and3A_316 = arith.andi %not3A_314, %gt3A_315 : vector<16xi1>
        %select_n3A_317 = arith.select %and3A_316, %gather3A_311, %select_n3A_300 : vector<16xi1>, vector<16xf32>
        %select_n3A_318 = arith.select %gt3A_312, %select_n3A_305, %select_n3A_317 : vector<16xi1>, vector<16xf32>
        %jit3A_319 = arith.constant 15 : i32
        %broadcast_in_dim3A_320 = vector.broadcast %jit3A_319 : i32 to vector<16xi32>
        %select_n3A_321 = arith.select %and3A_316, %broadcast_in_dim3A_320, %select_n3A_304 : vector<16xi1>, vector<16xi32>
        %select_n3A_322 = arith.select %gt3A_312, %select_n3A_308, %select_n3A_321 : vector<16xi1>, vector<16xi32>
        %select_n3A_323 = arith.select %gt3A_312, %gather3A_311, %select_n3A_305 : vector<16xi1>, vector<16xf32>
        %jit3A_324 = arith.constant 15 : i32
        %broadcast_in_dim3A_325 = vector.broadcast %jit3A_324 : i32 to vector<16xi32>
        %select_n3A_326 = arith.select %gt3A_312, %broadcast_in_dim3A_325, %select_n3A_308 : vector<16xi1>, vector<16xi32>
        %broadcast_in_dim3A_327 = arith.constant 16 : i32
        %broadcast_in_dim3A_328 = vector.broadcast %broadcast_in_dim3A_327 : i32 to vector<16xi32>
        %gather3A_329 = tpu.vector_load_idx %arg5[%add3A_36, %broadcast_in_dim3A_328] : memref<128x64xf32, #tpu.memory_space<vmem>>[vector<16xi32>, vector<16xi32>], vector<16xf32>,
        %gt3A_330 = arith.cmpf ogt, %gather3A_329, %select_n3A_323 : vector<16xf32>
        %not3A_331 = arith.constant dense<true> : vector<16xi1>
        %not3A_332 = arith.xori %gt3A_330, %not3A_331 : vector<16xi1>
        %gt3A_333 = arith.cmpf ogt, %gather3A_329, %select_n3A_318 : vector<16xf32>
        %and3A_334 = arith.andi %not3A_332, %gt3A_333 : vector<16xi1>
        %select_n3A_335 = arith.select %and3A_334, %gather3A_329, %select_n3A_318 : vector<16xi1>, vector<16xf32>
        %select_n3A_336 = arith.select %gt3A_330, %select_n3A_323, %select_n3A_335 : vector<16xi1>, vector<16xf32>
        %jit3A_337 = arith.constant 16 : i32
        %broadcast_in_dim3A_338 = vector.broadcast %jit3A_337 : i32 to vector<16xi32>
        %select_n3A_339 = arith.select %and3A_334, %broadcast_in_dim3A_338, %select_n3A_322 : vector<16xi1>, vector<16xi32>
        %select_n3A_340 = arith.select %gt3A_330, %select_n3A_326, %select_n3A_339 : vector<16xi1>, vector<16xi32>
        %select_n3A_341 = arith.select %gt3A_330, %gather3A_329, %select_n3A_323 : vector<16xi1>, vector<16xf32>
        %jit3A_342 = arith.constant 16 : i32
        %broadcast_in_dim3A_343 = vector.broadcast %jit3A_342 : i32 to vector<16xi32>
        %select_n3A_344 = arith.select %gt3A_330, %broadcast_in_dim3A_343, %select_n3A_326 : vector<16xi1>, vector<16xi32>
        %broadcast_in_dim3A_345 = arith.constant 17 : i32
        %broadcast_in_dim3A_346 = vector.broadcast %broadcast_in_dim3A_345 : i32 to vector<16xi32>
        %gather3A_347 = tpu.vector_load_idx %arg5[%add3A_36, %broadcast_in_dim3A_346] : memref<128x64xf32, #tpu.memory_space<vmem>>[vector<16xi32>, vector<16xi32>], vector<16xf32>,
        %gt3A_348 = arith.cmpf ogt, %gather3A_347, %select_n3A_341 : vector<16xf32>
        %not3A_349 = arith.constant dense<true> : vector<16xi1>
        %not3A_350 = arith.xori %gt3A_348, %not3A_349 : vector<16xi1>
        %gt3A_351 = arith.cmpf ogt, %gather3A_347, %select_n3A_336 : vector<16xf32>
        %and3A_352 = arith.andi %not3A_350, %gt3A_351 : vector<16xi1>
        %select_n3A_353 = arith.select %and3A_352, %gather3A_347, %select_n3A_336 : vector<16xi1>, vector<16xf32>
        %select_n3A_354 = arith.select %gt3A_348, %select_n3A_341, %select_n3A_353 : vector<16xi1>, vector<16xf32>
        %jit3A_355 = arith.constant 17 : i32
        %broadcast_in_dim3A_356 = vector.broadcast %jit3A_355 : i32 to vector<16xi32>
        %select_n3A_357 = arith.select %and3A_352, %broadcast_in_dim3A_356, %select_n3A_340 : vector<16xi1>, vector<16xi32>
        %select_n3A_358 = arith.select %gt3A_348, %select_n3A_344, %select_n3A_357 : vector<16xi1>, vector<16xi32>
        %select_n3A_359 = arith.select %gt3A_348, %gather3A_347, %select_n3A_341 : vector<16xi1>, vector<16xf32>
        %jit3A_360 = arith.constant 17 : i32
        %broadcast_in_dim3A_361 = vector.broadcast %jit3A_360 : i32 to vector<16xi32>
        %select_n3A_362 = arith.select %gt3A_348, %broadcast_in_dim3A_361, %select_n3A_344 : vector<16xi1>, vector<16xi32>
        %broadcast_in_dim3A_363 = arith.constant 18 : i32
        %broadcast_in_dim3A_364 = vector.broadcast %broadcast_in_dim3A_363 : i32 to vector<16xi32>
        %gather3A_365 = tpu.vector_load_idx %arg5[%add3A_36, %broadcast_in_dim3A_364] : memref<128x64xf32, #tpu.memory_space<vmem>>[vector<16xi32>, vector<16xi32>], vector<16xf32>,
        %gt3A_366 = arith.cmpf ogt, %gather3A_365, %select_n3A_359 : vector<16xf32>
        %not3A_367 = arith.constant dense<true> : vector<16xi1>
        %not3A_368 = arith.xori %gt3A_366, %not3A_367 : vector<16xi1>
        %gt3A_369 = arith.cmpf ogt, %gather3A_365, %select_n3A_354 : vector<16xf32>
        %and3A_370 = arith.andi %not3A_368, %gt3A_369 : vector<16xi1>
        %select_n3A_371 = arith.select %and3A_370, %gather3A_365, %select_n3A_354 : vector<16xi1>, vector<16xf32>
        %select_n3A_372 = arith.select %gt3A_366, %select_n3A_359, %select_n3A_371 : vector<16xi1>, vector<16xf32>
        %jit3A_373 = arith.constant 18 : i32
        %broadcast_in_dim3A_374 = vector.broadcast %jit3A_373 : i32 to vector<16xi32>
        %select_n3A_375 = arith.select %and3A_370, %broadcast_in_dim3A_374, %select_n3A_358 : vector<16xi1>, vector<16xi32>
        %select_n3A_376 = arith.select %gt3A_366, %select_n3A_362, %select_n3A_375 : vector<16xi1>, vector<16xi32>
        %select_n3A_377 = arith.select %gt3A_366, %gather3A_365, %select_n3A_359 : vector<16xi1>, vector<16xf32>
        %jit3A_378 = arith.constant 18 : i32
        %broadcast_in_dim3A_379 = vector.broadcast %jit3A_378 : i32 to vector<16xi32>
        %select_n3A_380 = arith.select %gt3A_366, %broadcast_in_dim3A_379, %select_n3A_362 : vector<16xi1>, vector<16xi32>
        %broadcast_in_dim3A_381 = arith.constant 19 : i32
        %broadcast_in_dim3A_382 = vector.broadcast %broadcast_in_dim3A_381 : i32 to vector<16xi32>
        %gather3A_383 = tpu.vector_load_idx %arg5[%add3A_36, %broadcast_in_dim3A_382] : memref<128x64xf32, #tpu.memory_space<vmem>>[vector<16xi32>, vector<16xi32>], vector<16xf32>,
        %gt3A_384 = arith.cmpf ogt, %gather3A_383, %select_n3A_377 : vector<16xf32>
        %not3A_385 = arith.constant dense<true> : vector<16xi1>
        %not3A_386 = arith.xori %gt3A_384, %not3A_385 : vector<16xi1>
        %gt3A_387 = arith.cmpf ogt, %gather3A_383, %select_n3A_372 : vector<16xf32>
        %and3A_388 = arith.andi %not3A_386, %gt3A_387 : vector<16xi1>
        %select_n3A_389 = arith.select %and3A_388, %gather3A_383, %select_n3A_372 : vector<16xi1>, vector<16xf32>
        %select_n3A_390 = arith.select %gt3A_384, %select_n3A_377, %select_n3A_389 : vector<16xi1>, vector<16xf32>
        %jit3A_391 = arith.constant 19 : i32
        %broadcast_in_dim3A_392 = vector.broadcast %jit3A_391 : i32 to vector<16xi32>
        %select_n3A_393 = arith.select %and3A_388, %broadcast_in_dim3A_392, %select_n3A_376 : vector<16xi1>, vector<16xi32>
        %select_n3A_394 = arith.select %gt3A_384, %select_n3A_380, %select_n3A_393 : vector<16xi1>, vector<16xi32>
        %select_n3A_395 = arith.select %gt3A_384, %gather3A_383, %select_n3A_377 : vector<16xi1>, vector<16xf32>
        %jit3A_396 = arith.constant 19 : i32
        %broadcast_in_dim3A_397 = vector.broadcast %jit3A_396 : i32 to vector<16xi32>
        %select_n3A_398 = arith.select %gt3A_384, %broadcast_in_dim3A_397, %select_n3A_380 : vector<16xi1>, vector<16xi32>
        %broadcast_in_dim3A_399 = arith.constant 20 : i32
        %broadcast_in_dim3A_400 = vector.broadcast %broadcast_in_dim3A_399 : i32 to vector<16xi32>
        %gather3A_401 = tpu.vector_load_idx %arg5[%add3A_36, %broadcast_in_dim3A_400] : memref<128x64xf32, #tpu.memory_space<vmem>>[vector<16xi32>, vector<16xi32>], vector<16xf32>,
        %gt3A_402 = arith.cmpf ogt, %gather3A_401, %select_n3A_395 : vector<16xf32>
        %not3A_403 = arith.constant dense<true> : vector<16xi1>
        %not3A_404 = arith.xori %gt3A_402, %not3A_403 : vector<16xi1>
        %gt3A_405 = arith.cmpf ogt, %gather3A_401, %select_n3A_390 : vector<16xf32>
        %and3A_406 = arith.andi %not3A_404, %gt3A_405 : vector<16xi1>
        %select_n3A_407 = arith.select %and3A_406, %gather3A_401, %select_n3A_390 : vector<16xi1>, vector<16xf32>
        %select_n3A_408 = arith.select %gt3A_402, %select_n3A_395, %select_n3A_407 : vector<16xi1>, vector<16xf32>
        %jit3A_409 = arith.constant 20 : i32
        %broadcast_in_dim3A_410 = vector.broadcast %jit3A_409 : i32 to vector<16xi32>
        %select_n3A_411 = arith.select %and3A_406, %broadcast_in_dim3A_410, %select_n3A_394 : vector<16xi1>, vector<16xi32>
        %select_n3A_412 = arith.select %gt3A_402, %select_n3A_398, %select_n3A_411 : vector<16xi1>, vector<16xi32>
        %select_n3A_413 = arith.select %gt3A_402, %gather3A_401, %select_n3A_395 : vector<16xi1>, vector<16xf32>
        %jit3A_414 = arith.constant 20 : i32
        %broadcast_in_dim3A_415 = vector.broadcast %jit3A_414 : i32 to vector<16xi32>
        %select_n3A_416 = arith.select %gt3A_402, %broadcast_in_dim3A_415, %select_n3A_398 : vector<16xi1>, vector<16xi32>
        %broadcast_in_dim3A_417 = arith.constant 21 : i32
        %broadcast_in_dim3A_418 = vector.broadcast %broadcast_in_dim3A_417 : i32 to vector<16xi32>
        %gather3A_419 = tpu.vector_load_idx %arg5[%add3A_36, %broadcast_in_dim3A_418] : memref<128x64xf32, #tpu.memory_space<vmem>>[vector<16xi32>, vector<16xi32>], vector<16xf32>,
        %gt3A_420 = arith.cmpf ogt, %gather3A_419, %select_n3A_413 : vector<16xf32>
        %not3A_421 = arith.constant dense<true> : vector<16xi1>
        %not3A_422 = arith.xori %gt3A_420, %not3A_421 : vector<16xi1>
        %gt3A_423 = arith.cmpf ogt, %gather3A_419, %select_n3A_408 : vector<16xf32>
        %and3A_424 = arith.andi %not3A_422, %gt3A_423 : vector<16xi1>
        %select_n3A_425 = arith.select %and3A_424, %gather3A_419, %select_n3A_408 : vector<16xi1>, vector<16xf32>
        %select_n3A_426 = arith.select %gt3A_420, %select_n3A_413, %select_n3A_425 : vector<16xi1>, vector<16xf32>
        %jit3A_427 = arith.constant 21 : i32
        %broadcast_in_dim3A_428 = vector.broadcast %jit3A_427 : i32 to vector<16xi32>
        %select_n3A_429 = arith.select %and3A_424, %broadcast_in_dim3A_428, %select_n3A_412 : vector<16xi1>, vector<16xi32>
        %select_n3A_430 = arith.select %gt3A_420, %select_n3A_416, %select_n3A_429 : vector<16xi1>, vector<16xi32>
        %select_n3A_431 = arith.select %gt3A_420, %gather3A_419, %select_n3A_413 : vector<16xi1>, vector<16xf32>
        %jit3A_432 = arith.constant 21 : i32
        %broadcast_in_dim3A_433 = vector.broadcast %jit3A_432 : i32 to vector<16xi32>
        %select_n3A_434 = arith.select %gt3A_420, %broadcast_in_dim3A_433, %select_n3A_416 : vector<16xi1>, vector<16xi32>
        %broadcast_in_dim3A_435 = arith.constant 22 : i32
        %broadcast_in_dim3A_436 = vector.broadcast %broadcast_in_dim3A_435 : i32 to vector<16xi32>
        %gather3A_437 = tpu.vector_load_idx %arg5[%add3A_36, %broadcast_in_dim3A_436] : memref<128x64xf32, #tpu.memory_space<vmem>>[vector<16xi32>, vector<16xi32>], vector<16xf32>,
        %gt3A_438 = arith.cmpf ogt, %gather3A_437, %select_n3A_431 : vector<16xf32>
        %not3A_439 = arith.constant dense<true> : vector<16xi1>
        %not3A_440 = arith.xori %gt3A_438, %not3A_439 : vector<16xi1>
        %gt3A_441 = arith.cmpf ogt, %gather3A_437, %select_n3A_426 : vector<16xf32>
        %and3A_442 = arith.andi %not3A_440, %gt3A_441 : vector<16xi1>
        %select_n3A_443 = arith.select %and3A_442, %gather3A_437, %select_n3A_426 : vector<16xi1>, vector<16xf32>
        %select_n3A_444 = arith.select %gt3A_438, %select_n3A_431, %select_n3A_443 : vector<16xi1>, vector<16xf32>
        %jit3A_445 = arith.constant 22 : i32
        %broadcast_in_dim3A_446 = vector.broadcast %jit3A_445 : i32 to vector<16xi32>
        %select_n3A_447 = arith.select %and3A_442, %broadcast_in_dim3A_446, %select_n3A_430 : vector<16xi1>, vector<16xi32>
        %select_n3A_448 = arith.select %gt3A_438, %select_n3A_434, %select_n3A_447 : vector<16xi1>, vector<16xi32>
        %select_n3A_449 = arith.select %gt3A_438, %gather3A_437, %select_n3A_431 : vector<16xi1>, vector<16xf32>
        %jit3A_450 = arith.constant 22 : i32
        %broadcast_in_dim3A_451 = vector.broadcast %jit3A_450 : i32 to vector<16xi32>
        %select_n3A_452 = arith.select %gt3A_438, %broadcast_in_dim3A_451, %select_n3A_434 : vector<16xi1>, vector<16xi32>
        %broadcast_in_dim3A_453 = arith.constant 23 : i32
        %broadcast_in_dim3A_454 = vector.broadcast %broadcast_in_dim3A_453 : i32 to vector<16xi32>
        %gather3A_455 = tpu.vector_load_idx %arg5[%add3A_36, %broadcast_in_dim3A_454] : memref<128x64xf32, #tpu.memory_space<vmem>>[vector<16xi32>, vector<16xi32>], vector<16xf32>,
        %gt3A_456 = arith.cmpf ogt, %gather3A_455, %select_n3A_449 : vector<16xf32>
        %not3A_457 = arith.constant dense<true> : vector<16xi1>
        %not3A_458 = arith.xori %gt3A_456, %not3A_457 : vector<16xi1>
        %gt3A_459 = arith.cmpf ogt, %gather3A_455, %select_n3A_444 : vector<16xf32>
        %and3A_460 = arith.andi %not3A_458, %gt3A_459 : vector<16xi1>
        %select_n3A_461 = arith.select %and3A_460, %gather3A_455, %select_n3A_444 : vector<16xi1>, vector<16xf32>
        %select_n3A_462 = arith.select %gt3A_456, %select_n3A_449, %select_n3A_461 : vector<16xi1>, vector<16xf32>
        %jit3A_463 = arith.constant 23 : i32
        %broadcast_in_dim3A_464 = vector.broadcast %jit3A_463 : i32 to vector<16xi32>
        %select_n3A_465 = arith.select %and3A_460, %broadcast_in_dim3A_464, %select_n3A_448 : vector<16xi1>, vector<16xi32>
        %select_n3A_466 = arith.select %gt3A_456, %select_n3A_452, %select_n3A_465 : vector<16xi1>, vector<16xi32>
        %select_n3A_467 = arith.select %gt3A_456, %gather3A_455, %select_n3A_449 : vector<16xi1>, vector<16xf32>
        %jit3A_468 = arith.constant 23 : i32
        %broadcast_in_dim3A_469 = vector.broadcast %jit3A_468 : i32 to vector<16xi32>
        %select_n3A_470 = arith.select %gt3A_456, %broadcast_in_dim3A_469, %select_n3A_452 : vector<16xi1>, vector<16xi32>
        %broadcast_in_dim3A_471 = arith.constant 24 : i32
        %broadcast_in_dim3A_472 = vector.broadcast %broadcast_in_dim3A_471 : i32 to vector<16xi32>
        %gather3A_473 = tpu.vector_load_idx %arg5[%add3A_36, %broadcast_in_dim3A_472] : memref<128x64xf32, #tpu.memory_space<vmem>>[vector<16xi32>, vector<16xi32>], vector<16xf32>,
        %gt3A_474 = arith.cmpf ogt, %gather3A_473, %select_n3A_467 : vector<16xf32>
        %not3A_475 = arith.constant dense<true> : vector<16xi1>
        %not3A_476 = arith.xori %gt3A_474, %not3A_475 : vector<16xi1>
        %gt3A_477 = arith.cmpf ogt, %gather3A_473, %select_n3A_462 : vector<16xf32>
        %and3A_478 = arith.andi %not3A_476, %gt3A_477 : vector<16xi1>
        %select_n3A_479 = arith.select %and3A_478, %gather3A_473, %select_n3A_462 : vector<16xi1>, vector<16xf32>
        %select_n3A_480 = arith.select %gt3A_474, %select_n3A_467, %select_n3A_479 : vector<16xi1>, vector<16xf32>
        %jit3A_481 = arith.constant 24 : i32
        %broadcast_in_dim3A_482 = vector.broadcast %jit3A_481 : i32 to vector<16xi32>
        %select_n3A_483 = arith.select %and3A_478, %broadcast_in_dim3A_482, %select_n3A_466 : vector<16xi1>, vector<16xi32>
        %select_n3A_484 = arith.select %gt3A_474, %select_n3A_470, %select_n3A_483 : vector<16xi1>, vector<16xi32>
        %select_n3A_485 = arith.select %gt3A_474, %gather3A_473, %select_n3A_467 : vector<16xi1>, vector<16xf32>
        %jit3A_486 = arith.constant 24 : i32
        %broadcast_in_dim3A_487 = vector.broadcast %jit3A_486 : i32 to vector<16xi32>
        %select_n3A_488 = arith.select %gt3A_474, %broadcast_in_dim3A_487, %select_n3A_470 : vector<16xi1>, vector<16xi32>
        %broadcast_in_dim3A_489 = arith.constant 25 : i32
        %broadcast_in_dim3A_490 = vector.broadcast %broadcast_in_dim3A_489 : i32 to vector<16xi32>
        %gather3A_491 = tpu.vector_load_idx %arg5[%add3A_36, %broadcast_in_dim3A_490] : memref<128x64xf32, #tpu.memory_space<vmem>>[vector<16xi32>, vector<16xi32>], vector<16xf32>,
        %gt3A_492 = arith.cmpf ogt, %gather3A_491, %select_n3A_485 : vector<16xf32>
        %not3A_493 = arith.constant dense<true> : vector<16xi1>
        %not3A_494 = arith.xori %gt3A_492, %not3A_493 : vector<16xi1>
        %gt3A_495 = arith.cmpf ogt, %gather3A_491, %select_n3A_480 : vector<16xf32>
        %and3A_496 = arith.andi %not3A_494, %gt3A_495 : vector<16xi1>
        %select_n3A_497 = arith.select %and3A_496, %gather3A_491, %select_n3A_480 : vector<16xi1>, vector<16xf32>
        %select_n3A_498 = arith.select %gt3A_492, %select_n3A_485, %select_n3A_497 : vector<16xi1>, vector<16xf32>
        %jit3A_499 = arith.constant 25 : i32
        %broadcast_in_dim3A_500 = vector.broadcast %jit3A_499 : i32 to vector<16xi32>
        %select_n3A_501 = arith.select %and3A_496, %broadcast_in_dim3A_500, %select_n3A_484 : vector<16xi1>, vector<16xi32>
        %select_n3A_502 = arith.select %gt3A_492, %select_n3A_488, %select_n3A_501 : vector<16xi1>, vector<16xi32>
        %select_n3A_503 = arith.select %gt3A_492, %gather3A_491, %select_n3A_485 : vector<16xi1>, vector<16xf32>
        %jit3A_504 = arith.constant 25 : i32
        %broadcast_in_dim3A_505 = vector.broadcast %jit3A_504 : i32 to vector<16xi32>
        %select_n3A_506 = arith.select %gt3A_492, %broadcast_in_dim3A_505, %select_n3A_488 : vector<16xi1>, vector<16xi32>
        %broadcast_in_dim3A_507 = arith.constant 26 : i32
        %broadcast_in_dim3A_508 = vector.broadcast %broadcast_in_dim3A_507 : i32 to vector<16xi32>
        %gather3A_509 = tpu.vector_load_idx %arg5[%add3A_36, %broadcast_in_dim3A_508] : memref<128x64xf32, #tpu.memory_space<vmem>>[vector<16xi32>, vector<16xi32>], vector<16xf32>,
        %gt3A_510 = arith.cmpf ogt, %gather3A_509, %select_n3A_503 : vector<16xf32>
        %not3A_511 = arith.constant dense<true> : vector<16xi1>
        %not3A_512 = arith.xori %gt3A_510, %not3A_511 : vector<16xi1>
        %gt3A_513 = arith.cmpf ogt, %gather3A_509, %select_n3A_498 : vector<16xf32>
        %and3A_514 = arith.andi %not3A_512, %gt3A_513 : vector<16xi1>
        %select_n3A_515 = arith.select %and3A_514, %gather3A_509, %select_n3A_498 : vector<16xi1>, vector<16xf32>
        %select_n3A_516 = arith.select %gt3A_510, %select_n3A_503, %select_n3A_515 : vector<16xi1>, vector<16xf32>
        %jit3A_517 = arith.constant 26 : i32
        %broadcast_in_dim3A_518 = vector.broadcast %jit3A_517 : i32 to vector<16xi32>
        %select_n3A_519 = arith.select %and3A_514, %broadcast_in_dim3A_518, %select_n3A_502 : vector<16xi1>, vector<16xi32>
        %select_n3A_520 = arith.select %gt3A_510, %select_n3A_506, %select_n3A_519 : vector<16xi1>, vector<16xi32>
        %select_n3A_521 = arith.select %gt3A_510, %gather3A_509, %select_n3A_503 : vector<16xi1>, vector<16xf32>
        %jit3A_522 = arith.constant 26 : i32
        %broadcast_in_dim3A_523 = vector.broadcast %jit3A_522 : i32 to vector<16xi32>
        %select_n3A_524 = arith.select %gt3A_510, %broadcast_in_dim3A_523, %select_n3A_506 : vector<16xi1>, vector<16xi32>
        %broadcast_in_dim3A_525 = arith.constant 27 : i32
        %broadcast_in_dim3A_526 = vector.broadcast %broadcast_in_dim3A_525 : i32 to vector<16xi32>
        %gather3A_527 = tpu.vector_load_idx %arg5[%add3A_36, %broadcast_in_dim3A_526] : memref<128x64xf32, #tpu.memory_space<vmem>>[vector<16xi32>, vector<16xi32>], vector<16xf32>,
        %gt3A_528 = arith.cmpf ogt, %gather3A_527, %select_n3A_521 : vector<16xf32>
        %not3A_529 = arith.constant dense<true> : vector<16xi1>
        %not3A_530 = arith.xori %gt3A_528, %not3A_529 : vector<16xi1>
        %gt3A_531 = arith.cmpf ogt, %gather3A_527, %select_n3A_516 : vector<16xf32>
        %and3A_532 = arith.andi %not3A_530, %gt3A_531 : vector<16xi1>
        %select_n3A_533 = arith.select %and3A_532, %gather3A_527, %select_n3A_516 : vector<16xi1>, vector<16xf32>
        %select_n3A_534 = arith.select %gt3A_528, %select_n3A_521, %select_n3A_533 : vector<16xi1>, vector<16xf32>
        %jit3A_535 = arith.constant 27 : i32
        %broadcast_in_dim3A_536 = vector.broadcast %jit3A_535 : i32 to vector<16xi32>
        %select_n3A_537 = arith.select %and3A_532, %broadcast_in_dim3A_536, %select_n3A_520 : vector<16xi1>, vector<16xi32>
        %select_n3A_538 = arith.select %gt3A_528, %select_n3A_524, %select_n3A_537 : vector<16xi1>, vector<16xi32>
        %select_n3A_539 = arith.select %gt3A_528, %gather3A_527, %select_n3A_521 : vector<16xi1>, vector<16xf32>
        %jit3A_540 = arith.constant 27 : i32
        %broadcast_in_dim3A_541 = vector.broadcast %jit3A_540 : i32 to vector<16xi32>
        %select_n3A_542 = arith.select %gt3A_528, %broadcast_in_dim3A_541, %select_n3A_524 : vector<16xi1>, vector<16xi32>
        %broadcast_in_dim3A_543 = arith.constant 28 : i32
        %broadcast_in_dim3A_544 = vector.broadcast %broadcast_in_dim3A_543 : i32 to vector<16xi32>
        %gather3A_545 = tpu.vector_load_idx %arg5[%add3A_36, %broadcast_in_dim3A_544] : memref<128x64xf32, #tpu.memory_space<vmem>>[vector<16xi32>, vector<16xi32>], vector<16xf32>,
        %gt3A_546 = arith.cmpf ogt, %gather3A_545, %select_n3A_539 : vector<16xf32>
        %not3A_547 = arith.constant dense<true> : vector<16xi1>
        %not3A_548 = arith.xori %gt3A_546, %not3A_547 : vector<16xi1>
        %gt3A_549 = arith.cmpf ogt, %gather3A_545, %select_n3A_534 : vector<16xf32>
        %and3A_550 = arith.andi %not3A_548, %gt3A_549 : vector<16xi1>
        %select_n3A_551 = arith.select %and3A_550, %gather3A_545, %select_n3A_534 : vector<16xi1>, vector<16xf32>
        %select_n3A_552 = arith.select %gt3A_546, %select_n3A_539, %select_n3A_551 : vector<16xi1>, vector<16xf32>
        %jit3A_553 = arith.constant 28 : i32
        %broadcast_in_dim3A_554 = vector.broadcast %jit3A_553 : i32 to vector<16xi32>
        %select_n3A_555 = arith.select %and3A_550, %broadcast_in_dim3A_554, %select_n3A_538 : vector<16xi1>, vector<16xi32>
        %select_n3A_556 = arith.select %gt3A_546, %select_n3A_542, %select_n3A_555 : vector<16xi1>, vector<16xi32>
        %select_n3A_557 = arith.select %gt3A_546, %gather3A_545, %select_n3A_539 : vector<16xi1>, vector<16xf32>
        %jit3A_558 = arith.constant 28 : i32
        %broadcast_in_dim3A_559 = vector.broadcast %jit3A_558 : i32 to vector<16xi32>
        %select_n3A_560 = arith.select %gt3A_546, %broadcast_in_dim3A_559, %select_n3A_542 : vector<16xi1>, vector<16xi32>
        %broadcast_in_dim3A_561 = arith.constant 29 : i32
        %broadcast_in_dim3A_562 = vector.broadcast %broadcast_in_dim3A_561 : i32 to vector<16xi32>
        %gather3A_563 = tpu.vector_load_idx %arg5[%add3A_36, %broadcast_in_dim3A_562] : memref<128x64xf32, #tpu.memory_space<vmem>>[vector<16xi32>, vector<16xi32>], vector<16xf32>,
        %gt3A_564 = arith.cmpf ogt, %gather3A_563, %select_n3A_557 : vector<16xf32>
        %not3A_565 = arith.constant dense<true> : vector<16xi1>
        %not3A_566 = arith.xori %gt3A_564, %not3A_565 : vector<16xi1>
        %gt3A_567 = arith.cmpf ogt, %gather3A_563, %select_n3A_552 : vector<16xf32>
        %and3A_568 = arith.andi %not3A_566, %gt3A_567 : vector<16xi1>
        %select_n3A_569 = arith.select %and3A_568, %gather3A_563, %select_n3A_552 : vector<16xi1>, vector<16xf32>
        %select_n3A_570 = arith.select %gt3A_564, %select_n3A_557, %select_n3A_569 : vector<16xi1>, vector<16xf32>
        %jit3A_571 = arith.constant 29 : i32
        %broadcast_in_dim3A_572 = vector.broadcast %jit3A_571 : i32 to vector<16xi32>
        %select_n3A_573 = arith.select %and3A_568, %broadcast_in_dim3A_572, %select_n3A_556 : vector<16xi1>, vector<16xi32>
        %select_n3A_574 = arith.select %gt3A_564, %select_n3A_560, %select_n3A_573 : vector<16xi1>, vector<16xi32>
        %select_n3A_575 = arith.select %gt3A_564, %gather3A_563, %select_n3A_557 : vector<16xi1>, vector<16xf32>
        %jit3A_576 = arith.constant 29 : i32
        %broadcast_in_dim3A_577 = vector.broadcast %jit3A_576 : i32 to vector<16xi32>
        %select_n3A_578 = arith.select %gt3A_564, %broadcast_in_dim3A_577, %select_n3A_560 : vector<16xi1>, vector<16xi32>
        %broadcast_in_dim3A_579 = arith.constant 30 : i32
        %broadcast_in_dim3A_580 = vector.broadcast %broadcast_in_dim3A_579 : i32 to vector<16xi32>
        %gather3A_581 = tpu.vector_load_idx %arg5[%add3A_36, %broadcast_in_dim3A_580] : memref<128x64xf32, #tpu.memory_space<vmem>>[vector<16xi32>, vector<16xi32>], vector<16xf32>,
        %gt3A_582 = arith.cmpf ogt, %gather3A_581, %select_n3A_575 : vector<16xf32>
        %not3A_583 = arith.constant dense<true> : vector<16xi1>
        %not3A_584 = arith.xori %gt3A_582, %not3A_583 : vector<16xi1>
        %gt3A_585 = arith.cmpf ogt, %gather3A_581, %select_n3A_570 : vector<16xf32>
        %and3A_586 = arith.andi %not3A_584, %gt3A_585 : vector<16xi1>
        %select_n3A_587 = arith.select %and3A_586, %gather3A_581, %select_n3A_570 : vector<16xi1>, vector<16xf32>
        %select_n3A_588 = arith.select %gt3A_582, %select_n3A_575, %select_n3A_587 : vector<16xi1>, vector<16xf32>
        %jit3A_589 = arith.constant 30 : i32
        %broadcast_in_dim3A_590 = vector.broadcast %jit3A_589 : i32 to vector<16xi32>
        %select_n3A_591 = arith.select %and3A_586, %broadcast_in_dim3A_590, %select_n3A_574 : vector<16xi1>, vector<16xi32>
        %select_n3A_592 = arith.select %gt3A_582, %select_n3A_578, %select_n3A_591 : vector<16xi1>, vector<16xi32>
        %select_n3A_593 = arith.select %gt3A_582, %gather3A_581, %select_n3A_575 : vector<16xi1>, vector<16xf32>
        %jit3A_594 = arith.constant 30 : i32
        %broadcast_in_dim3A_595 = vector.broadcast %jit3A_594 : i32 to vector<16xi32>
        %select_n3A_596 = arith.select %gt3A_582, %broadcast_in_dim3A_595, %select_n3A_578 : vector<16xi1>, vector<16xi32>
        %broadcast_in_dim3A_597 = arith.constant 31 : i32
        %broadcast_in_dim3A_598 = vector.broadcast %broadcast_in_dim3A_597 : i32 to vector<16xi32>
        %gather3A_599 = tpu.vector_load_idx %arg5[%add3A_36, %broadcast_in_dim3A_598] : memref<128x64xf32, #tpu.memory_space<vmem>>[vector<16xi32>, vector<16xi32>], vector<16xf32>,
        %gt3A_600 = arith.cmpf ogt, %gather3A_599, %select_n3A_593 : vector<16xf32>
        %not3A_601 = arith.constant dense<true> : vector<16xi1>
        %not3A_602 = arith.xori %gt3A_600, %not3A_601 : vector<16xi1>
        %gt3A_603 = arith.cmpf ogt, %gather3A_599, %select_n3A_588 : vector<16xf32>
        %and3A_604 = arith.andi %not3A_602, %gt3A_603 : vector<16xi1>
        %select_n3A_605 = arith.select %and3A_604, %gather3A_599, %select_n3A_588 : vector<16xi1>, vector<16xf32>
        %select_n3A_606 = arith.select %gt3A_600, %select_n3A_593, %select_n3A_605 : vector<16xi1>, vector<16xf32>
        %jit3A_607 = arith.constant 31 : i32
        %broadcast_in_dim3A_608 = vector.broadcast %jit3A_607 : i32 to vector<16xi32>
        %select_n3A_609 = arith.select %and3A_604, %broadcast_in_dim3A_608, %select_n3A_592 : vector<16xi1>, vector<16xi32>
        %select_n3A_610 = arith.select %gt3A_600, %select_n3A_596, %select_n3A_609 : vector<16xi1>, vector<16xi32>
        %select_n3A_611 = arith.select %gt3A_600, %gather3A_599, %select_n3A_593 : vector<16xi1>, vector<16xf32>
        %jit3A_612 = arith.constant 31 : i32
        %broadcast_in_dim3A_613 = vector.broadcast %jit3A_612 : i32 to vector<16xi32>
        %select_n3A_614 = arith.select %gt3A_600, %broadcast_in_dim3A_613, %select_n3A_596 : vector<16xi1>, vector<16xi32>
        %broadcast_in_dim3A_615 = arith.constant 32 : i32
        %broadcast_in_dim3A_616 = vector.broadcast %broadcast_in_dim3A_615 : i32 to vector<16xi32>
        %gather3A_617 = tpu.vector_load_idx %arg5[%add3A_36, %broadcast_in_dim3A_616] : memref<128x64xf32, #tpu.memory_space<vmem>>[vector<16xi32>, vector<16xi32>], vector<16xf32>,
        %gt3A_618 = arith.cmpf ogt, %gather3A_617, %select_n3A_611 : vector<16xf32>
        %not3A_619 = arith.constant dense<true> : vector<16xi1>
        %not3A_620 = arith.xori %gt3A_618, %not3A_619 : vector<16xi1>
        %gt3A_621 = arith.cmpf ogt, %gather3A_617, %select_n3A_606 : vector<16xf32>
        %and3A_622 = arith.andi %not3A_620, %gt3A_621 : vector<16xi1>
        %select_n3A_623 = arith.select %and3A_622, %gather3A_617, %select_n3A_606 : vector<16xi1>, vector<16xf32>
        %select_n3A_624 = arith.select %gt3A_618, %select_n3A_611, %select_n3A_623 : vector<16xi1>, vector<16xf32>
        %jit3A_625 = arith.constant 32 : i32
        %broadcast_in_dim3A_626 = vector.broadcast %jit3A_625 : i32 to vector<16xi32>
        %select_n3A_627 = arith.select %and3A_622, %broadcast_in_dim3A_626, %select_n3A_610 : vector<16xi1>, vector<16xi32>
        %select_n3A_628 = arith.select %gt3A_618, %select_n3A_614, %select_n3A_627 : vector<16xi1>, vector<16xi32>
        %select_n3A_629 = arith.select %gt3A_618, %gather3A_617, %select_n3A_611 : vector<16xi1>, vector<16xf32>
        %jit3A_630 = arith.constant 32 : i32
        %broadcast_in_dim3A_631 = vector.broadcast %jit3A_630 : i32 to vector<16xi32>
        %select_n3A_632 = arith.select %gt3A_618, %broadcast_in_dim3A_631, %select_n3A_614 : vector<16xi1>, vector<16xi32>
        %broadcast_in_dim3A_633 = arith.constant 33 : i32
        %broadcast_in_dim3A_634 = vector.broadcast %broadcast_in_dim3A_633 : i32 to vector<16xi32>
        %gather3A_635 = tpu.vector_load_idx %arg5[%add3A_36, %broadcast_in_dim3A_634] : memref<128x64xf32, #tpu.memory_space<vmem>>[vector<16xi32>, vector<16xi32>], vector<16xf32>,
        %gt3A_636 = arith.cmpf ogt, %gather3A_635, %select_n3A_629 : vector<16xf32>
        %not3A_637 = arith.constant dense<true> : vector<16xi1>
        %not3A_638 = arith.xori %gt3A_636, %not3A_637 : vector<16xi1>
        %gt3A_639 = arith.cmpf ogt, %gather3A_635, %select_n3A_624 : vector<16xf32>
        %and3A_640 = arith.andi %not3A_638, %gt3A_639 : vector<16xi1>
        %select_n3A_641 = arith.select %and3A_640, %gather3A_635, %select_n3A_624 : vector<16xi1>, vector<16xf32>
        %select_n3A_642 = arith.select %gt3A_636, %select_n3A_629, %select_n3A_641 : vector<16xi1>, vector<16xf32>
        %jit3A_643 = arith.constant 33 : i32
        %broadcast_in_dim3A_644 = vector.broadcast %jit3A_643 : i32 to vector<16xi32>
        %select_n3A_645 = arith.select %and3A_640, %broadcast_in_dim3A_644, %select_n3A_628 : vector<16xi1>, vector<16xi32>
        %select_n3A_646 = arith.select %gt3A_636, %select_n3A_632, %select_n3A_645 : vector<16xi1>, vector<16xi32>
        %select_n3A_647 = arith.select %gt3A_636, %gather3A_635, %select_n3A_629 : vector<16xi1>, vector<16xf32>
        %jit3A_648 = arith.constant 33 : i32
        %broadcast_in_dim3A_649 = vector.broadcast %jit3A_648 : i32 to vector<16xi32>
        %select_n3A_650 = arith.select %gt3A_636, %broadcast_in_dim3A_649, %select_n3A_632 : vector<16xi1>, vector<16xi32>
        %broadcast_in_dim3A_651 = arith.constant 34 : i32
        %broadcast_in_dim3A_652 = vector.broadcast %broadcast_in_dim3A_651 : i32 to vector<16xi32>
        %gather3A_653 = tpu.vector_load_idx %arg5[%add3A_36, %broadcast_in_dim3A_652] : memref<128x64xf32, #tpu.memory_space<vmem>>[vector<16xi32>, vector<16xi32>], vector<16xf32>,
        %gt3A_654 = arith.cmpf ogt, %gather3A_653, %select_n3A_647 : vector<16xf32>
        %not3A_655 = arith.constant dense<true> : vector<16xi1>
        %not3A_656 = arith.xori %gt3A_654, %not3A_655 : vector<16xi1>
        %gt3A_657 = arith.cmpf ogt, %gather3A_653, %select_n3A_642 : vector<16xf32>
        %and3A_658 = arith.andi %not3A_656, %gt3A_657 : vector<16xi1>
        %select_n3A_659 = arith.select %and3A_658, %gather3A_653, %select_n3A_642 : vector<16xi1>, vector<16xf32>
        %select_n3A_660 = arith.select %gt3A_654, %select_n3A_647, %select_n3A_659 : vector<16xi1>, vector<16xf32>
        %jit3A_661 = arith.constant 34 : i32
        %broadcast_in_dim3A_662 = vector.broadcast %jit3A_661 : i32 to vector<16xi32>
        %select_n3A_663 = arith.select %and3A_658, %broadcast_in_dim3A_662, %select_n3A_646 : vector<16xi1>, vector<16xi32>
        %select_n3A_664 = arith.select %gt3A_654, %select_n3A_650, %select_n3A_663 : vector<16xi1>, vector<16xi32>
        %select_n3A_665 = arith.select %gt3A_654, %gather3A_653, %select_n3A_647 : vector<16xi1>, vector<16xf32>
        %jit3A_666 = arith.constant 34 : i32
        %broadcast_in_dim3A_667 = vector.broadcast %jit3A_666 : i32 to vector<16xi32>
        %select_n3A_668 = arith.select %gt3A_654, %broadcast_in_dim3A_667, %select_n3A_650 : vector<16xi1>, vector<16xi32>
        %broadcast_in_dim3A_669 = arith.constant 35 : i32
        %broadcast_in_dim3A_670 = vector.broadcast %broadcast_in_dim3A_669 : i32 to vector<16xi32>
        %gather3A_671 = tpu.vector_load_idx %arg5[%add3A_36, %broadcast_in_dim3A_670] : memref<128x64xf32, #tpu.memory_space<vmem>>[vector<16xi32>, vector<16xi32>], vector<16xf32>,
        %gt3A_672 = arith.cmpf ogt, %gather3A_671, %select_n3A_665 : vector<16xf32>
        %not3A_673 = arith.constant dense<true> : vector<16xi1>
        %not3A_674 = arith.xori %gt3A_672, %not3A_673 : vector<16xi1>
        %gt3A_675 = arith.cmpf ogt, %gather3A_671, %select_n3A_660 : vector<16xf32>
        %and3A_676 = arith.andi %not3A_674, %gt3A_675 : vector<16xi1>
        %select_n3A_677 = arith.select %and3A_676, %gather3A_671, %select_n3A_660 : vector<16xi1>, vector<16xf32>
        %select_n3A_678 = arith.select %gt3A_672, %select_n3A_665, %select_n3A_677 : vector<16xi1>, vector<16xf32>
        %jit3A_679 = arith.constant 35 : i32
        %broadcast_in_dim3A_680 = vector.broadcast %jit3A_679 : i32 to vector<16xi32>
        %select_n3A_681 = arith.select %and3A_676, %broadcast_in_dim3A_680, %select_n3A_664 : vector<16xi1>, vector<16xi32>
        %select_n3A_682 = arith.select %gt3A_672, %select_n3A_668, %select_n3A_681 : vector<16xi1>, vector<16xi32>
        %select_n3A_683 = arith.select %gt3A_672, %gather3A_671, %select_n3A_665 : vector<16xi1>, vector<16xf32>
        %jit3A_684 = arith.constant 35 : i32
        %broadcast_in_dim3A_685 = vector.broadcast %jit3A_684 : i32 to vector<16xi32>
        %select_n3A_686 = arith.select %gt3A_672, %broadcast_in_dim3A_685, %select_n3A_668 : vector<16xi1>, vector<16xi32>
        %broadcast_in_dim3A_687 = arith.constant 36 : i32
        %broadcast_in_dim3A_688 = vector.broadcast %broadcast_in_dim3A_687 : i32 to vector<16xi32>
        %gather3A_689 = tpu.vector_load_idx %arg5[%add3A_36, %broadcast_in_dim3A_688] : memref<128x64xf32, #tpu.memory_space<vmem>>[vector<16xi32>, vector<16xi32>], vector<16xf32>,
        %gt3A_690 = arith.cmpf ogt, %gather3A_689, %select_n3A_683 : vector<16xf32>
        %not3A_691 = arith.constant dense<true> : vector<16xi1>
        %not3A_692 = arith.xori %gt3A_690, %not3A_691 : vector<16xi1>
        %gt3A_693 = arith.cmpf ogt, %gather3A_689, %select_n3A_678 : vector<16xf32>
        %and3A_694 = arith.andi %not3A_692, %gt3A_693 : vector<16xi1>
        %select_n3A_695 = arith.select %and3A_694, %gather3A_689, %select_n3A_678 : vector<16xi1>, vector<16xf32>
        %select_n3A_696 = arith.select %gt3A_690, %select_n3A_683, %select_n3A_695 : vector<16xi1>, vector<16xf32>
        %jit3A_697 = arith.constant 36 : i32
        %broadcast_in_dim3A_698 = vector.broadcast %jit3A_697 : i32 to vector<16xi32>
        %select_n3A_699 = arith.select %and3A_694, %broadcast_in_dim3A_698, %select_n3A_682 : vector<16xi1>, vector<16xi32>
        %select_n3A_700 = arith.select %gt3A_690, %select_n3A_686, %select_n3A_699 : vector<16xi1>, vector<16xi32>
        %select_n3A_701 = arith.select %gt3A_690, %gather3A_689, %select_n3A_683 : vector<16xi1>, vector<16xf32>
        %jit3A_702 = arith.constant 36 : i32
        %broadcast_in_dim3A_703 = vector.broadcast %jit3A_702 : i32 to vector<16xi32>
        %select_n3A_704 = arith.select %gt3A_690, %broadcast_in_dim3A_703, %select_n3A_686 : vector<16xi1>, vector<16xi32>
        %broadcast_in_dim3A_705 = arith.constant 37 : i32
        %broadcast_in_dim3A_706 = vector.broadcast %broadcast_in_dim3A_705 : i32 to vector<16xi32>
        %gather3A_707 = tpu.vector_load_idx %arg5[%add3A_36, %broadcast_in_dim3A_706] : memref<128x64xf32, #tpu.memory_space<vmem>>[vector<16xi32>, vector<16xi32>], vector<16xf32>,
        %gt3A_708 = arith.cmpf ogt, %gather3A_707, %select_n3A_701 : vector<16xf32>
        %not3A_709 = arith.constant dense<true> : vector<16xi1>
        %not3A_710 = arith.xori %gt3A_708, %not3A_709 : vector<16xi1>
        %gt3A_711 = arith.cmpf ogt, %gather3A_707, %select_n3A_696 : vector<16xf32>
        %and3A_712 = arith.andi %not3A_710, %gt3A_711 : vector<16xi1>
        %select_n3A_713 = arith.select %and3A_712, %gather3A_707, %select_n3A_696 : vector<16xi1>, vector<16xf32>
        %select_n3A_714 = arith.select %gt3A_708, %select_n3A_701, %select_n3A_713 : vector<16xi1>, vector<16xf32>
        %jit3A_715 = arith.constant 37 : i32
        %broadcast_in_dim3A_716 = vector.broadcast %jit3A_715 : i32 to vector<16xi32>
        %select_n3A_717 = arith.select %and3A_712, %broadcast_in_dim3A_716, %select_n3A_700 : vector<16xi1>, vector<16xi32>
        %select_n3A_718 = arith.select %gt3A_708, %select_n3A_704, %select_n3A_717 : vector<16xi1>, vector<16xi32>
        %select_n3A_719 = arith.select %gt3A_708, %gather3A_707, %select_n3A_701 : vector<16xi1>, vector<16xf32>
        %jit3A_720 = arith.constant 37 : i32
        %broadcast_in_dim3A_721 = vector.broadcast %jit3A_720 : i32 to vector<16xi32>
        %select_n3A_722 = arith.select %gt3A_708, %broadcast_in_dim3A_721, %select_n3A_704 : vector<16xi1>, vector<16xi32>
        %broadcast_in_dim3A_723 = arith.constant 38 : i32
        %broadcast_in_dim3A_724 = vector.broadcast %broadcast_in_dim3A_723 : i32 to vector<16xi32>
        %gather3A_725 = tpu.vector_load_idx %arg5[%add3A_36, %broadcast_in_dim3A_724] : memref<128x64xf32, #tpu.memory_space<vmem>>[vector<16xi32>, vector<16xi32>], vector<16xf32>,
        %gt3A_726 = arith.cmpf ogt, %gather3A_725, %select_n3A_719 : vector<16xf32>
        %not3A_727 = arith.constant dense<true> : vector<16xi1>
        %not3A_728 = arith.xori %gt3A_726, %not3A_727 : vector<16xi1>
        %gt3A_729 = arith.cmpf ogt, %gather3A_725, %select_n3A_714 : vector<16xf32>
        %and3A_730 = arith.andi %not3A_728, %gt3A_729 : vector<16xi1>
        %select_n3A_731 = arith.select %and3A_730, %gather3A_725, %select_n3A_714 : vector<16xi1>, vector<16xf32>
        %select_n3A_732 = arith.select %gt3A_726, %select_n3A_719, %select_n3A_731 : vector<16xi1>, vector<16xf32>
        %jit3A_733 = arith.constant 38 : i32
        %broadcast_in_dim3A_734 = vector.broadcast %jit3A_733 : i32 to vector<16xi32>
        %select_n3A_735 = arith.select %and3A_730, %broadcast_in_dim3A_734, %select_n3A_718 : vector<16xi1>, vector<16xi32>
        %select_n3A_736 = arith.select %gt3A_726, %select_n3A_722, %select_n3A_735 : vector<16xi1>, vector<16xi32>
        %select_n3A_737 = arith.select %gt3A_726, %gather3A_725, %select_n3A_719 : vector<16xi1>, vector<16xf32>
        %jit3A_738 = arith.constant 38 : i32
        %broadcast_in_dim3A_739 = vector.broadcast %jit3A_738 : i32 to vector<16xi32>
        %select_n3A_740 = arith.select %gt3A_726, %broadcast_in_dim3A_739, %select_n3A_722 : vector<16xi1>, vector<16xi32>
        %broadcast_in_dim3A_741 = arith.constant 39 : i32
        %broadcast_in_dim3A_742 = vector.broadcast %broadcast_in_dim3A_741 : i32 to vector<16xi32>
        %gather3A_743 = tpu.vector_load_idx %arg5[%add3A_36, %broadcast_in_dim3A_742] : memref<128x64xf32, #tpu.memory_space<vmem>>[vector<16xi32>, vector<16xi32>], vector<16xf32>,
        %gt3A_744 = arith.cmpf ogt, %gather3A_743, %select_n3A_737 : vector<16xf32>
        %not3A_745 = arith.constant dense<true> : vector<16xi1>
        %not3A_746 = arith.xori %gt3A_744, %not3A_745 : vector<16xi1>
        %gt3A_747 = arith.cmpf ogt, %gather3A_743, %select_n3A_732 : vector<16xf32>
        %and3A_748 = arith.andi %not3A_746, %gt3A_747 : vector<16xi1>
        %select_n3A_749 = arith.select %and3A_748, %gather3A_743, %select_n3A_732 : vector<16xi1>, vector<16xf32>
        %select_n3A_750 = arith.select %gt3A_744, %select_n3A_737, %select_n3A_749 : vector<16xi1>, vector<16xf32>
        %jit3A_751 = arith.constant 39 : i32
        %broadcast_in_dim3A_752 = vector.broadcast %jit3A_751 : i32 to vector<16xi32>
        %select_n3A_753 = arith.select %and3A_748, %broadcast_in_dim3A_752, %select_n3A_736 : vector<16xi1>, vector<16xi32>
        %select_n3A_754 = arith.select %gt3A_744, %select_n3A_740, %select_n3A_753 : vector<16xi1>, vector<16xi32>
        %select_n3A_755 = arith.select %gt3A_744, %gather3A_743, %select_n3A_737 : vector<16xi1>, vector<16xf32>
        %jit3A_756 = arith.constant 39 : i32
        %broadcast_in_dim3A_757 = vector.broadcast %jit3A_756 : i32 to vector<16xi32>
        %select_n3A_758 = arith.select %gt3A_744, %broadcast_in_dim3A_757, %select_n3A_740 : vector<16xi1>, vector<16xi32>
        %broadcast_in_dim3A_759 = arith.constant 40 : i32
        %broadcast_in_dim3A_760 = vector.broadcast %broadcast_in_dim3A_759 : i32 to vector<16xi32>
        %gather3A_761 = tpu.vector_load_idx %arg5[%add3A_36, %broadcast_in_dim3A_760] : memref<128x64xf32, #tpu.memory_space<vmem>>[vector<16xi32>, vector<16xi32>], vector<16xf32>,
        %gt3A_762 = arith.cmpf ogt, %gather3A_761, %select_n3A_755 : vector<16xf32>
        %not3A_763 = arith.constant dense<true> : vector<16xi1>
        %not3A_764 = arith.xori %gt3A_762, %not3A_763 : vector<16xi1>
        %gt3A_765 = arith.cmpf ogt, %gather3A_761, %select_n3A_750 : vector<16xf32>
        %and3A_766 = arith.andi %not3A_764, %gt3A_765 : vector<16xi1>
        %select_n3A_767 = arith.select %and3A_766, %gather3A_761, %select_n3A_750 : vector<16xi1>, vector<16xf32>
        %select_n3A_768 = arith.select %gt3A_762, %select_n3A_755, %select_n3A_767 : vector<16xi1>, vector<16xf32>
        %jit3A_769 = arith.constant 40 : i32
        %broadcast_in_dim3A_770 = vector.broadcast %jit3A_769 : i32 to vector<16xi32>
        %select_n3A_771 = arith.select %and3A_766, %broadcast_in_dim3A_770, %select_n3A_754 : vector<16xi1>, vector<16xi32>
        %select_n3A_772 = arith.select %gt3A_762, %select_n3A_758, %select_n3A_771 : vector<16xi1>, vector<16xi32>
        %select_n3A_773 = arith.select %gt3A_762, %gather3A_761, %select_n3A_755 : vector<16xi1>, vector<16xf32>
        %jit3A_774 = arith.constant 40 : i32
        %broadcast_in_dim3A_775 = vector.broadcast %jit3A_774 : i32 to vector<16xi32>
        %select_n3A_776 = arith.select %gt3A_762, %broadcast_in_dim3A_775, %select_n3A_758 : vector<16xi1>, vector<16xi32>
        %broadcast_in_dim3A_777 = arith.constant 41 : i32
        %broadcast_in_dim3A_778 = vector.broadcast %broadcast_in_dim3A_777 : i32 to vector<16xi32>
        %gather3A_779 = tpu.vector_load_idx %arg5[%add3A_36, %broadcast_in_dim3A_778] : memref<128x64xf32, #tpu.memory_space<vmem>>[vector<16xi32>, vector<16xi32>], vector<16xf32>,
        %gt3A_780 = arith.cmpf ogt, %gather3A_779, %select_n3A_773 : vector<16xf32>
        %not3A_781 = arith.constant dense<true> : vector<16xi1>
        %not3A_782 = arith.xori %gt3A_780, %not3A_781 : vector<16xi1>
        %gt3A_783 = arith.cmpf ogt, %gather3A_779, %select_n3A_768 : vector<16xf32>
        %and3A_784 = arith.andi %not3A_782, %gt3A_783 : vector<16xi1>
        %select_n3A_785 = arith.select %and3A_784, %gather3A_779, %select_n3A_768 : vector<16xi1>, vector<16xf32>
        %select_n3A_786 = arith.select %gt3A_780, %select_n3A_773, %select_n3A_785 : vector<16xi1>, vector<16xf32>
        %jit3A_787 = arith.constant 41 : i32
        %broadcast_in_dim3A_788 = vector.broadcast %jit3A_787 : i32 to vector<16xi32>
        %select_n3A_789 = arith.select %and3A_784, %broadcast_in_dim3A_788, %select_n3A_772 : vector<16xi1>, vector<16xi32>
        %select_n3A_790 = arith.select %gt3A_780, %select_n3A_776, %select_n3A_789 : vector<16xi1>, vector<16xi32>
        %select_n3A_791 = arith.select %gt3A_780, %gather3A_779, %select_n3A_773 : vector<16xi1>, vector<16xf32>
        %jit3A_792 = arith.constant 41 : i32
        %broadcast_in_dim3A_793 = vector.broadcast %jit3A_792 : i32 to vector<16xi32>
        %select_n3A_794 = arith.select %gt3A_780, %broadcast_in_dim3A_793, %select_n3A_776 : vector<16xi1>, vector<16xi32>
        %broadcast_in_dim3A_795 = arith.constant 42 : i32
        %broadcast_in_dim3A_796 = vector.broadcast %broadcast_in_dim3A_795 : i32 to vector<16xi32>
        %gather3A_797 = tpu.vector_load_idx %arg5[%add3A_36, %broadcast_in_dim3A_796] : memref<128x64xf32, #tpu.memory_space<vmem>>[vector<16xi32>, vector<16xi32>], vector<16xf32>,
        %gt3A_798 = arith.cmpf ogt, %gather3A_797, %select_n3A_791 : vector<16xf32>
        %not3A_799 = arith.constant dense<true> : vector<16xi1>
        %not3A_800 = arith.xori %gt3A_798, %not3A_799 : vector<16xi1>
        %gt3A_801 = arith.cmpf ogt, %gather3A_797, %select_n3A_786 : vector<16xf32>
        %and3A_802 = arith.andi %not3A_800, %gt3A_801 : vector<16xi1>
        %select_n3A_803 = arith.select %and3A_802, %gather3A_797, %select_n3A_786 : vector<16xi1>, vector<16xf32>
        %select_n3A_804 = arith.select %gt3A_798, %select_n3A_791, %select_n3A_803 : vector<16xi1>, vector<16xf32>
        %jit3A_805 = arith.constant 42 : i32
        %broadcast_in_dim3A_806 = vector.broadcast %jit3A_805 : i32 to vector<16xi32>
        %select_n3A_807 = arith.select %and3A_802, %broadcast_in_dim3A_806, %select_n3A_790 : vector<16xi1>, vector<16xi32>
        %select_n3A_808 = arith.select %gt3A_798, %select_n3A_794, %select_n3A_807 : vector<16xi1>, vector<16xi32>
        %select_n3A_809 = arith.select %gt3A_798, %gather3A_797, %select_n3A_791 : vector<16xi1>, vector<16xf32>
        %jit3A_810 = arith.constant 42 : i32
        %broadcast_in_dim3A_811 = vector.broadcast %jit3A_810 : i32 to vector<16xi32>
        %select_n3A_812 = arith.select %gt3A_798, %broadcast_in_dim3A_811, %select_n3A_794 : vector<16xi1>, vector<16xi32>
        %broadcast_in_dim3A_813 = arith.constant 43 : i32
        %broadcast_in_dim3A_814 = vector.broadcast %broadcast_in_dim3A_813 : i32 to vector<16xi32>
        %gather3A_815 = tpu.vector_load_idx %arg5[%add3A_36, %broadcast_in_dim3A_814] : memref<128x64xf32, #tpu.memory_space<vmem>>[vector<16xi32>, vector<16xi32>], vector<16xf32>,
        %gt3A_816 = arith.cmpf ogt, %gather3A_815, %select_n3A_809 : vector<16xf32>
        %not3A_817 = arith.constant dense<true> : vector<16xi1>
        %not3A_818 = arith.xori %gt3A_816, %not3A_817 : vector<16xi1>
        %gt3A_819 = arith.cmpf ogt, %gather3A_815, %select_n3A_804 : vector<16xf32>
        %and3A_820 = arith.andi %not3A_818, %gt3A_819 : vector<16xi1>
        %select_n3A_821 = arith.select %and3A_820, %gather3A_815, %select_n3A_804 : vector<16xi1>, vector<16xf32>
        %select_n3A_822 = arith.select %gt3A_816, %select_n3A_809, %select_n3A_821 : vector<16xi1>, vector<16xf32>
        %jit3A_823 = arith.constant 43 : i32
        %broadcast_in_dim3A_824 = vector.broadcast %jit3A_823 : i32 to vector<16xi32>
        %select_n3A_825 = arith.select %and3A_820, %broadcast_in_dim3A_824, %select_n3A_808 : vector<16xi1>, vector<16xi32>
        %select_n3A_826 = arith.select %gt3A_816, %select_n3A_812, %select_n3A_825 : vector<16xi1>, vector<16xi32>
        %select_n3A_827 = arith.select %gt3A_816, %gather3A_815, %select_n3A_809 : vector<16xi1>, vector<16xf32>
        %jit3A_828 = arith.constant 43 : i32
        %broadcast_in_dim3A_829 = vector.broadcast %jit3A_828 : i32 to vector<16xi32>
        %select_n3A_830 = arith.select %gt3A_816, %broadcast_in_dim3A_829, %select_n3A_812 : vector<16xi1>, vector<16xi32>
        %broadcast_in_dim3A_831 = arith.constant 44 : i32
        %broadcast_in_dim3A_832 = vector.broadcast %broadcast_in_dim3A_831 : i32 to vector<16xi32>
        %gather3A_833 = tpu.vector_load_idx %arg5[%add3A_36, %broadcast_in_dim3A_832] : memref<128x64xf32, #tpu.memory_space<vmem>>[vector<16xi32>, vector<16xi32>], vector<16xf32>,
        %gt3A_834 = arith.cmpf ogt, %gather3A_833, %select_n3A_827 : vector<16xf32>
        %not3A_835 = arith.constant dense<true> : vector<16xi1>
        %not3A_836 = arith.xori %gt3A_834, %not3A_835 : vector<16xi1>
        %gt3A_837 = arith.cmpf ogt, %gather3A_833, %select_n3A_822 : vector<16xf32>
        %and3A_838 = arith.andi %not3A_836, %gt3A_837 : vector<16xi1>
        %select_n3A_839 = arith.select %and3A_838, %gather3A_833, %select_n3A_822 : vector<16xi1>, vector<16xf32>
        %select_n3A_840 = arith.select %gt3A_834, %select_n3A_827, %select_n3A_839 : vector<16xi1>, vector<16xf32>
        %jit3A_841 = arith.constant 44 : i32
        %broadcast_in_dim3A_842 = vector.broadcast %jit3A_841 : i32 to vector<16xi32>
        %select_n3A_843 = arith.select %and3A_838, %broadcast_in_dim3A_842, %select_n3A_826 : vector<16xi1>, vector<16xi32>
        %select_n3A_844 = arith.select %gt3A_834, %select_n3A_830, %select_n3A_843 : vector<16xi1>, vector<16xi32>
        %select_n3A_845 = arith.select %gt3A_834, %gather3A_833, %select_n3A_827 : vector<16xi1>, vector<16xf32>
        %jit3A_846 = arith.constant 44 : i32
        %broadcast_in_dim3A_847 = vector.broadcast %jit3A_846 : i32 to vector<16xi32>
        %select_n3A_848 = arith.select %gt3A_834, %broadcast_in_dim3A_847, %select_n3A_830 : vector<16xi1>, vector<16xi32>
        %broadcast_in_dim3A_849 = arith.constant 45 : i32
        %broadcast_in_dim3A_850 = vector.broadcast %broadcast_in_dim3A_849 : i32 to vector<16xi32>
        %gather3A_851 = tpu.vector_load_idx %arg5[%add3A_36, %broadcast_in_dim3A_850] : memref<128x64xf32, #tpu.memory_space<vmem>>[vector<16xi32>, vector<16xi32>], vector<16xf32>,
        %gt3A_852 = arith.cmpf ogt, %gather3A_851, %select_n3A_845 : vector<16xf32>
        %not3A_853 = arith.constant dense<true> : vector<16xi1>
        %not3A_854 = arith.xori %gt3A_852, %not3A_853 : vector<16xi1>
        %gt3A_855 = arith.cmpf ogt, %gather3A_851, %select_n3A_840 : vector<16xf32>
        %and3A_856 = arith.andi %not3A_854, %gt3A_855 : vector<16xi1>
        %select_n3A_857 = arith.select %and3A_856, %gather3A_851, %select_n3A_840 : vector<16xi1>, vector<16xf32>
        %select_n3A_858 = arith.select %gt3A_852, %select_n3A_845, %select_n3A_857 : vector<16xi1>, vector<16xf32>
        %jit3A_859 = arith.constant 45 : i32
        %broadcast_in_dim3A_860 = vector.broadcast %jit3A_859 : i32 to vector<16xi32>
        %select_n3A_861 = arith.select %and3A_856, %broadcast_in_dim3A_860, %select_n3A_844 : vector<16xi1>, vector<16xi32>
        %select_n3A_862 = arith.select %gt3A_852, %select_n3A_848, %select_n3A_861 : vector<16xi1>, vector<16xi32>
        %select_n3A_863 = arith.select %gt3A_852, %gather3A_851, %select_n3A_845 : vector<16xi1>, vector<16xf32>
        %jit3A_864 = arith.constant 45 : i32
        %broadcast_in_dim3A_865 = vector.broadcast %jit3A_864 : i32 to vector<16xi32>
        %select_n3A_866 = arith.select %gt3A_852, %broadcast_in_dim3A_865, %select_n3A_848 : vector<16xi1>, vector<16xi32>
        %broadcast_in_dim3A_867 = arith.constant 46 : i32
        %broadcast_in_dim3A_868 = vector.broadcast %broadcast_in_dim3A_867 : i32 to vector<16xi32>
        %gather3A_869 = tpu.vector_load_idx %arg5[%add3A_36, %broadcast_in_dim3A_868] : memref<128x64xf32, #tpu.memory_space<vmem>>[vector<16xi32>, vector<16xi32>], vector<16xf32>,
        %gt3A_870 = arith.cmpf ogt, %gather3A_869, %select_n3A_863 : vector<16xf32>
        %not3A_871 = arith.constant dense<true> : vector<16xi1>
        %not3A_872 = arith.xori %gt3A_870, %not3A_871 : vector<16xi1>
        %gt3A_873 = arith.cmpf ogt, %gather3A_869, %select_n3A_858 : vector<16xf32>
        %and3A_874 = arith.andi %not3A_872, %gt3A_873 : vector<16xi1>
        %select_n3A_875 = arith.select %and3A_874, %gather3A_869, %select_n3A_858 : vector<16xi1>, vector<16xf32>
        %select_n3A_876 = arith.select %gt3A_870, %select_n3A_863, %select_n3A_875 : vector<16xi1>, vector<16xf32>
        %jit3A_877 = arith.constant 46 : i32
        %broadcast_in_dim3A_878 = vector.broadcast %jit3A_877 : i32 to vector<16xi32>
        %select_n3A_879 = arith.select %and3A_874, %broadcast_in_dim3A_878, %select_n3A_862 : vector<16xi1>, vector<16xi32>
        %select_n3A_880 = arith.select %gt3A_870, %select_n3A_866, %select_n3A_879 : vector<16xi1>, vector<16xi32>
        %select_n3A_881 = arith.select %gt3A_870, %gather3A_869, %select_n3A_863 : vector<16xi1>, vector<16xf32>
        %jit3A_882 = arith.constant 46 : i32
        %broadcast_in_dim3A_883 = vector.broadcast %jit3A_882 : i32 to vector<16xi32>
        %select_n3A_884 = arith.select %gt3A_870, %broadcast_in_dim3A_883, %select_n3A_866 : vector<16xi1>, vector<16xi32>
        %broadcast_in_dim3A_885 = arith.constant 47 : i32
        %broadcast_in_dim3A_886 = vector.broadcast %broadcast_in_dim3A_885 : i32 to vector<16xi32>
        %gather3A_887 = tpu.vector_load_idx %arg5[%add3A_36, %broadcast_in_dim3A_886] : memref<128x64xf32, #tpu.memory_space<vmem>>[vector<16xi32>, vector<16xi32>], vector<16xf32>,
        %gt3A_888 = arith.cmpf ogt, %gather3A_887, %select_n3A_881 : vector<16xf32>
        %not3A_889 = arith.constant dense<true> : vector<16xi1>
        %not3A_890 = arith.xori %gt3A_888, %not3A_889 : vector<16xi1>
        %gt3A_891 = arith.cmpf ogt, %gather3A_887, %select_n3A_876 : vector<16xf32>
        %and3A_892 = arith.andi %not3A_890, %gt3A_891 : vector<16xi1>
        %select_n3A_893 = arith.select %and3A_892, %gather3A_887, %select_n3A_876 : vector<16xi1>, vector<16xf32>
        %select_n3A_894 = arith.select %gt3A_888, %select_n3A_881, %select_n3A_893 : vector<16xi1>, vector<16xf32>
        %jit3A_895 = arith.constant 47 : i32
        %broadcast_in_dim3A_896 = vector.broadcast %jit3A_895 : i32 to vector<16xi32>
        %select_n3A_897 = arith.select %and3A_892, %broadcast_in_dim3A_896, %select_n3A_880 : vector<16xi1>, vector<16xi32>
        %select_n3A_898 = arith.select %gt3A_888, %select_n3A_884, %select_n3A_897 : vector<16xi1>, vector<16xi32>
        %select_n3A_899 = arith.select %gt3A_888, %gather3A_887, %select_n3A_881 : vector<16xi1>, vector<16xf32>
        %jit3A_900 = arith.constant 47 : i32
        %broadcast_in_dim3A_901 = vector.broadcast %jit3A_900 : i32 to vector<16xi32>
        %select_n3A_902 = arith.select %gt3A_888, %broadcast_in_dim3A_901, %select_n3A_884 : vector<16xi1>, vector<16xi32>
        %broadcast_in_dim3A_903 = arith.constant 48 : i32
        %broadcast_in_dim3A_904 = vector.broadcast %broadcast_in_dim3A_903 : i32 to vector<16xi32>
        %gather3A_905 = tpu.vector_load_idx %arg5[%add3A_36, %broadcast_in_dim3A_904] : memref<128x64xf32, #tpu.memory_space<vmem>>[vector<16xi32>, vector<16xi32>], vector<16xf32>,
        %gt3A_906 = arith.cmpf ogt, %gather3A_905, %select_n3A_899 : vector<16xf32>
        %not3A_907 = arith.constant dense<true> : vector<16xi1>
        %not3A_908 = arith.xori %gt3A_906, %not3A_907 : vector<16xi1>
        %gt3A_909 = arith.cmpf ogt, %gather3A_905, %select_n3A_894 : vector<16xf32>
        %and3A_910 = arith.andi %not3A_908, %gt3A_909 : vector<16xi1>
        %select_n3A_911 = arith.select %and3A_910, %gather3A_905, %select_n3A_894 : vector<16xi1>, vector<16xf32>
        %select_n3A_912 = arith.select %gt3A_906, %select_n3A_899, %select_n3A_911 : vector<16xi1>, vector<16xf32>
        %jit3A_913 = arith.constant 48 : i32
        %broadcast_in_dim3A_914 = vector.broadcast %jit3A_913 : i32 to vector<16xi32>
        %select_n3A_915 = arith.select %and3A_910, %broadcast_in_dim3A_914, %select_n3A_898 : vector<16xi1>, vector<16xi32>
        %select_n3A_916 = arith.select %gt3A_906, %select_n3A_902, %select_n3A_915 : vector<16xi1>, vector<16xi32>
        %select_n3A_917 = arith.select %gt3A_906, %gather3A_905, %select_n3A_899 : vector<16xi1>, vector<16xf32>
        %jit3A_918 = arith.constant 48 : i32
        %broadcast_in_dim3A_919 = vector.broadcast %jit3A_918 : i32 to vector<16xi32>
        %select_n3A_920 = arith.select %gt3A_906, %broadcast_in_dim3A_919, %select_n3A_902 : vector<16xi1>, vector<16xi32>
        %broadcast_in_dim3A_921 = arith.constant 49 : i32
        %broadcast_in_dim3A_922 = vector.broadcast %broadcast_in_dim3A_921 : i32 to vector<16xi32>
        %gather3A_923 = tpu.vector_load_idx %arg5[%add3A_36, %broadcast_in_dim3A_922] : memref<128x64xf32, #tpu.memory_space<vmem>>[vector<16xi32>, vector<16xi32>], vector<16xf32>,
        %gt3A_924 = arith.cmpf ogt, %gather3A_923, %select_n3A_917 : vector<16xf32>
        %not3A_925 = arith.constant dense<true> : vector<16xi1>
        %not3A_926 = arith.xori %gt3A_924, %not3A_925 : vector<16xi1>
        %gt3A_927 = arith.cmpf ogt, %gather3A_923, %select_n3A_912 : vector<16xf32>
        %and3A_928 = arith.andi %not3A_926, %gt3A_927 : vector<16xi1>
        %select_n3A_929 = arith.select %and3A_928, %gather3A_923, %select_n3A_912 : vector<16xi1>, vector<16xf32>
        %select_n3A_930 = arith.select %gt3A_924, %select_n3A_917, %select_n3A_929 : vector<16xi1>, vector<16xf32>
        %jit3A_931 = arith.constant 49 : i32
        %broadcast_in_dim3A_932 = vector.broadcast %jit3A_931 : i32 to vector<16xi32>
        %select_n3A_933 = arith.select %and3A_928, %broadcast_in_dim3A_932, %select_n3A_916 : vector<16xi1>, vector<16xi32>
        %select_n3A_934 = arith.select %gt3A_924, %select_n3A_920, %select_n3A_933 : vector<16xi1>, vector<16xi32>
        %select_n3A_935 = arith.select %gt3A_924, %gather3A_923, %select_n3A_917 : vector<16xi1>, vector<16xf32>
        %jit3A_936 = arith.constant 49 : i32
        %broadcast_in_dim3A_937 = vector.broadcast %jit3A_936 : i32 to vector<16xi32>
        %select_n3A_938 = arith.select %gt3A_924, %broadcast_in_dim3A_937, %select_n3A_920 : vector<16xi1>, vector<16xi32>
        %broadcast_in_dim3A_939 = arith.constant 50 : i32
        %broadcast_in_dim3A_940 = vector.broadcast %broadcast_in_dim3A_939 : i32 to vector<16xi32>
        %gather3A_941 = tpu.vector_load_idx %arg5[%add3A_36, %broadcast_in_dim3A_940] : memref<128x64xf32, #tpu.memory_space<vmem>>[vector<16xi32>, vector<16xi32>], vector<16xf32>,
        %gt3A_942 = arith.cmpf ogt, %gather3A_941, %select_n3A_935 : vector<16xf32>
        %not3A_943 = arith.constant dense<true> : vector<16xi1>
        %not3A_944 = arith.xori %gt3A_942, %not3A_943 : vector<16xi1>
        %gt3A_945 = arith.cmpf ogt, %gather3A_941, %select_n3A_930 : vector<16xf32>
        %and3A_946 = arith.andi %not3A_944, %gt3A_945 : vector<16xi1>
        %select_n3A_947 = arith.select %and3A_946, %gather3A_941, %select_n3A_930 : vector<16xi1>, vector<16xf32>
        %select_n3A_948 = arith.select %gt3A_942, %select_n3A_935, %select_n3A_947 : vector<16xi1>, vector<16xf32>
        %jit3A_949 = arith.constant 50 : i32
        %broadcast_in_dim3A_950 = vector.broadcast %jit3A_949 : i32 to vector<16xi32>
        %select_n3A_951 = arith.select %and3A_946, %broadcast_in_dim3A_950, %select_n3A_934 : vector<16xi1>, vector<16xi32>
        %select_n3A_952 = arith.select %gt3A_942, %select_n3A_938, %select_n3A_951 : vector<16xi1>, vector<16xi32>
        %select_n3A_953 = arith.select %gt3A_942, %gather3A_941, %select_n3A_935 : vector<16xi1>, vector<16xf32>
        %jit3A_954 = arith.constant 50 : i32
        %broadcast_in_dim3A_955 = vector.broadcast %jit3A_954 : i32 to vector<16xi32>
        %select_n3A_956 = arith.select %gt3A_942, %broadcast_in_dim3A_955, %select_n3A_938 : vector<16xi1>, vector<16xi32>
        %broadcast_in_dim3A_957 = arith.constant 51 : i32
        %broadcast_in_dim3A_958 = vector.broadcast %broadcast_in_dim3A_957 : i32 to vector<16xi32>
        %gather3A_959 = tpu.vector_load_idx %arg5[%add3A_36, %broadcast_in_dim3A_958] : memref<128x64xf32, #tpu.memory_space<vmem>>[vector<16xi32>, vector<16xi32>], vector<16xf32>,
        %gt3A_960 = arith.cmpf ogt, %gather3A_959, %select_n3A_953 : vector<16xf32>
        %not3A_961 = arith.constant dense<true> : vector<16xi1>
        %not3A_962 = arith.xori %gt3A_960, %not3A_961 : vector<16xi1>
        %gt3A_963 = arith.cmpf ogt, %gather3A_959, %select_n3A_948 : vector<16xf32>
        %and3A_964 = arith.andi %not3A_962, %gt3A_963 : vector<16xi1>
        %select_n3A_965 = arith.select %and3A_964, %gather3A_959, %select_n3A_948 : vector<16xi1>, vector<16xf32>
        %select_n3A_966 = arith.select %gt3A_960, %select_n3A_953, %select_n3A_965 : vector<16xi1>, vector<16xf32>
        %jit3A_967 = arith.constant 51 : i32
        %broadcast_in_dim3A_968 = vector.broadcast %jit3A_967 : i32 to vector<16xi32>
        %select_n3A_969 = arith.select %and3A_964, %broadcast_in_dim3A_968, %select_n3A_952 : vector<16xi1>, vector<16xi32>
        %select_n3A_970 = arith.select %gt3A_960, %select_n3A_956, %select_n3A_969 : vector<16xi1>, vector<16xi32>
        %select_n3A_971 = arith.select %gt3A_960, %gather3A_959, %select_n3A_953 : vector<16xi1>, vector<16xf32>
        %jit3A_972 = arith.constant 51 : i32
        %broadcast_in_dim3A_973 = vector.broadcast %jit3A_972 : i32 to vector<16xi32>
        %select_n3A_974 = arith.select %gt3A_960, %broadcast_in_dim3A_973, %select_n3A_956 : vector<16xi1>, vector<16xi32>
        %broadcast_in_dim3A_975 = arith.constant 52 : i32
        %broadcast_in_dim3A_976 = vector.broadcast %broadcast_in_dim3A_975 : i32 to vector<16xi32>
        %gather3A_977 = tpu.vector_load_idx %arg5[%add3A_36, %broadcast_in_dim3A_976] : memref<128x64xf32, #tpu.memory_space<vmem>>[vector<16xi32>, vector<16xi32>], vector<16xf32>,
        %gt3A_978 = arith.cmpf ogt, %gather3A_977, %select_n3A_971 : vector<16xf32>
        %not3A_979 = arith.constant dense<true> : vector<16xi1>
        %not3A_980 = arith.xori %gt3A_978, %not3A_979 : vector<16xi1>
        %gt3A_981 = arith.cmpf ogt, %gather3A_977, %select_n3A_966 : vector<16xf32>
        %and3A_982 = arith.andi %not3A_980, %gt3A_981 : vector<16xi1>
        %select_n3A_983 = arith.select %and3A_982, %gather3A_977, %select_n3A_966 : vector<16xi1>, vector<16xf32>
        %select_n3A_984 = arith.select %gt3A_978, %select_n3A_971, %select_n3A_983 : vector<16xi1>, vector<16xf32>
        %jit3A_985 = arith.constant 52 : i32
        %broadcast_in_dim3A_986 = vector.broadcast %jit3A_985 : i32 to vector<16xi32>
        %select_n3A_987 = arith.select %and3A_982, %broadcast_in_dim3A_986, %select_n3A_970 : vector<16xi1>, vector<16xi32>
        %select_n3A_988 = arith.select %gt3A_978, %select_n3A_974, %select_n3A_987 : vector<16xi1>, vector<16xi32>
        %select_n3A_989 = arith.select %gt3A_978, %gather3A_977, %select_n3A_971 : vector<16xi1>, vector<16xf32>
        %jit3A_990 = arith.constant 52 : i32
        %broadcast_in_dim3A_991 = vector.broadcast %jit3A_990 : i32 to vector<16xi32>
        %select_n3A_992 = arith.select %gt3A_978, %broadcast_in_dim3A_991, %select_n3A_974 : vector<16xi1>, vector<16xi32>
        %broadcast_in_dim3A_993 = arith.constant 53 : i32
        %broadcast_in_dim3A_994 = vector.broadcast %broadcast_in_dim3A_993 : i32 to vector<16xi32>
        %gather3A_995 = tpu.vector_load_idx %arg5[%add3A_36, %broadcast_in_dim3A_994] : memref<128x64xf32, #tpu.memory_space<vmem>>[vector<16xi32>, vector<16xi32>], vector<16xf32>,
        %gt3A_996 = arith.cmpf ogt, %gather3A_995, %select_n3A_989 : vector<16xf32>
        %not3A_997 = arith.constant dense<true> : vector<16xi1>
        %not3A_998 = arith.xori %gt3A_996, %not3A_997 : vector<16xi1>
        %gt3A_999 = arith.cmpf ogt, %gather3A_995, %select_n3A_984 : vector<16xf32>
        %and3A_1000 = arith.andi %not3A_998, %gt3A_999 : vector<16xi1>
        %select_n3A_1001 = arith.select %and3A_1000, %gather3A_995, %select_n3A_984 : vector<16xi1>, vector<16xf32>
        %select_n3A_1002 = arith.select %gt3A_996, %select_n3A_989, %select_n3A_1001 : vector<16xi1>, vector<16xf32>
        %jit3A_1003 = arith.constant 53 : i32
        %broadcast_in_dim3A_1004 = vector.broadcast %jit3A_1003 : i32 to vector<16xi32>
        %select_n3A_1005 = arith.select %and3A_1000, %broadcast_in_dim3A_1004, %select_n3A_988 : vector<16xi1>, vector<16xi32>
        %select_n3A_1006 = arith.select %gt3A_996, %select_n3A_992, %select_n3A_1005 : vector<16xi1>, vector<16xi32>
        %select_n3A_1007 = arith.select %gt3A_996, %gather3A_995, %select_n3A_989 : vector<16xi1>, vector<16xf32>
        %jit3A_1008 = arith.constant 53 : i32
        %broadcast_in_dim3A_1009 = vector.broadcast %jit3A_1008 : i32 to vector<16xi32>
        %select_n3A_1010 = arith.select %gt3A_996, %broadcast_in_dim3A_1009, %select_n3A_992 : vector<16xi1>, vector<16xi32>
        %broadcast_in_dim3A_1011 = arith.constant 54 : i32
        %broadcast_in_dim3A_1012 = vector.broadcast %broadcast_in_dim3A_1011 : i32 to vector<16xi32>
        %gather3A_1013 = tpu.vector_load_idx %arg5[%add3A_36, %broadcast_in_dim3A_1012] : memref<128x64xf32, #tpu.memory_space<vmem>>[vector<16xi32>, vector<16xi32>], vector<16xf32>,
        %gt3A_1014 = arith.cmpf ogt, %gather3A_1013, %select_n3A_1007 : vector<16xf32>
        %not3A_1015 = arith.constant dense<true> : vector<16xi1>
        %not3A_1016 = arith.xori %gt3A_1014, %not3A_1015 : vector<16xi1>
        %gt3A_1017 = arith.cmpf ogt, %gather3A_1013, %select_n3A_1002 : vector<16xf32>
        %and3A_1018 = arith.andi %not3A_1016, %gt3A_1017 : vector<16xi1>
        %select_n3A_1019 = arith.select %and3A_1018, %gather3A_1013, %select_n3A_1002 : vector<16xi1>, vector<16xf32>
        %select_n3A_1020 = arith.select %gt3A_1014, %select_n3A_1007, %select_n3A_1019 : vector<16xi1>, vector<16xf32>
        %jit3A_1021 = arith.constant 54 : i32
        %broadcast_in_dim3A_1022 = vector.broadcast %jit3A_1021 : i32 to vector<16xi32>
        %select_n3A_1023 = arith.select %and3A_1018, %broadcast_in_dim3A_1022, %select_n3A_1006 : vector<16xi1>, vector<16xi32>
        %select_n3A_1024 = arith.select %gt3A_1014, %select_n3A_1010, %select_n3A_1023 : vector<16xi1>, vector<16xi32>
        %select_n3A_1025 = arith.select %gt3A_1014, %gather3A_1013, %select_n3A_1007 : vector<16xi1>, vector<16xf32>
        %jit3A_1026 = arith.constant 54 : i32
        %broadcast_in_dim3A_1027 = vector.broadcast %jit3A_1026 : i32 to vector<16xi32>
        %select_n3A_1028 = arith.select %gt3A_1014, %broadcast_in_dim3A_1027, %select_n3A_1010 : vector<16xi1>, vector<16xi32>
        %broadcast_in_dim3A_1029 = arith.constant 55 : i32
        %broadcast_in_dim3A_1030 = vector.broadcast %broadcast_in_dim3A_1029 : i32 to vector<16xi32>
        %gather3A_1031 = tpu.vector_load_idx %arg5[%add3A_36, %broadcast_in_dim3A_1030] : memref<128x64xf32, #tpu.memory_space<vmem>>[vector<16xi32>, vector<16xi32>], vector<16xf32>,
        %gt3A_1032 = arith.cmpf ogt, %gather3A_1031, %select_n3A_1025 : vector<16xf32>
        %not3A_1033 = arith.constant dense<true> : vector<16xi1>
        %not3A_1034 = arith.xori %gt3A_1032, %not3A_1033 : vector<16xi1>
        %gt3A_1035 = arith.cmpf ogt, %gather3A_1031, %select_n3A_1020 : vector<16xf32>
        %and3A_1036 = arith.andi %not3A_1034, %gt3A_1035 : vector<16xi1>
        %select_n3A_1037 = arith.select %and3A_1036, %gather3A_1031, %select_n3A_1020 : vector<16xi1>, vector<16xf32>
        %select_n3A_1038 = arith.select %gt3A_1032, %select_n3A_1025, %select_n3A_1037 : vector<16xi1>, vector<16xf32>
        %jit3A_1039 = arith.constant 55 : i32
        %broadcast_in_dim3A_1040 = vector.broadcast %jit3A_1039 : i32 to vector<16xi32>
        %select_n3A_1041 = arith.select %and3A_1036, %broadcast_in_dim3A_1040, %select_n3A_1024 : vector<16xi1>, vector<16xi32>
        %select_n3A_1042 = arith.select %gt3A_1032, %select_n3A_1028, %select_n3A_1041 : vector<16xi1>, vector<16xi32>
        %select_n3A_1043 = arith.select %gt3A_1032, %gather3A_1031, %select_n3A_1025 : vector<16xi1>, vector<16xf32>
        %jit3A_1044 = arith.constant 55 : i32
        %broadcast_in_dim3A_1045 = vector.broadcast %jit3A_1044 : i32 to vector<16xi32>
        %select_n3A_1046 = arith.select %gt3A_1032, %broadcast_in_dim3A_1045, %select_n3A_1028 : vector<16xi1>, vector<16xi32>
        %broadcast_in_dim3A_1047 = arith.constant 56 : i32
        %broadcast_in_dim3A_1048 = vector.broadcast %broadcast_in_dim3A_1047 : i32 to vector<16xi32>
        %gather3A_1049 = tpu.vector_load_idx %arg5[%add3A_36, %broadcast_in_dim3A_1048] : memref<128x64xf32, #tpu.memory_space<vmem>>[vector<16xi32>, vector<16xi32>], vector<16xf32>,
        %gt3A_1050 = arith.cmpf ogt, %gather3A_1049, %select_n3A_1043 : vector<16xf32>
        %not3A_1051 = arith.constant dense<true> : vector<16xi1>
        %not3A_1052 = arith.xori %gt3A_1050, %not3A_1051 : vector<16xi1>
        %gt3A_1053 = arith.cmpf ogt, %gather3A_1049, %select_n3A_1038 : vector<16xf32>
        %and3A_1054 = arith.andi %not3A_1052, %gt3A_1053 : vector<16xi1>
        %select_n3A_1055 = arith.select %and3A_1054, %gather3A_1049, %select_n3A_1038 : vector<16xi1>, vector<16xf32>
        %select_n3A_1056 = arith.select %gt3A_1050, %select_n3A_1043, %select_n3A_1055 : vector<16xi1>, vector<16xf32>
        %jit3A_1057 = arith.constant 56 : i32
        %broadcast_in_dim3A_1058 = vector.broadcast %jit3A_1057 : i32 to vector<16xi32>
        %select_n3A_1059 = arith.select %and3A_1054, %broadcast_in_dim3A_1058, %select_n3A_1042 : vector<16xi1>, vector<16xi32>
        %select_n3A_1060 = arith.select %gt3A_1050, %select_n3A_1046, %select_n3A_1059 : vector<16xi1>, vector<16xi32>
        %select_n3A_1061 = arith.select %gt3A_1050, %gather3A_1049, %select_n3A_1043 : vector<16xi1>, vector<16xf32>
        %jit3A_1062 = arith.constant 56 : i32
        %broadcast_in_dim3A_1063 = vector.broadcast %jit3A_1062 : i32 to vector<16xi32>
        %select_n3A_1064 = arith.select %gt3A_1050, %broadcast_in_dim3A_1063, %select_n3A_1046 : vector<16xi1>, vector<16xi32>
        %broadcast_in_dim3A_1065 = arith.constant 57 : i32
        %broadcast_in_dim3A_1066 = vector.broadcast %broadcast_in_dim3A_1065 : i32 to vector<16xi32>
        %gather3A_1067 = tpu.vector_load_idx %arg5[%add3A_36, %broadcast_in_dim3A_1066] : memref<128x64xf32, #tpu.memory_space<vmem>>[vector<16xi32>, vector<16xi32>], vector<16xf32>,
        %gt3A_1068 = arith.cmpf ogt, %gather3A_1067, %select_n3A_1061 : vector<16xf32>
        %not3A_1069 = arith.constant dense<true> : vector<16xi1>
        %not3A_1070 = arith.xori %gt3A_1068, %not3A_1069 : vector<16xi1>
        %gt3A_1071 = arith.cmpf ogt, %gather3A_1067, %select_n3A_1056 : vector<16xf32>
        %and3A_1072 = arith.andi %not3A_1070, %gt3A_1071 : vector<16xi1>
        %select_n3A_1073 = arith.select %and3A_1072, %gather3A_1067, %select_n3A_1056 : vector<16xi1>, vector<16xf32>
        %select_n3A_1074 = arith.select %gt3A_1068, %select_n3A_1061, %select_n3A_1073 : vector<16xi1>, vector<16xf32>
        %jit3A_1075 = arith.constant 57 : i32
        %broadcast_in_dim3A_1076 = vector.broadcast %jit3A_1075 : i32 to vector<16xi32>
        %select_n3A_1077 = arith.select %and3A_1072, %broadcast_in_dim3A_1076, %select_n3A_1060 : vector<16xi1>, vector<16xi32>
        %select_n3A_1078 = arith.select %gt3A_1068, %select_n3A_1064, %select_n3A_1077 : vector<16xi1>, vector<16xi32>
        %select_n3A_1079 = arith.select %gt3A_1068, %gather3A_1067, %select_n3A_1061 : vector<16xi1>, vector<16xf32>
        %jit3A_1080 = arith.constant 57 : i32
        %broadcast_in_dim3A_1081 = vector.broadcast %jit3A_1080 : i32 to vector<16xi32>
        %select_n3A_1082 = arith.select %gt3A_1068, %broadcast_in_dim3A_1081, %select_n3A_1064 : vector<16xi1>, vector<16xi32>
        %broadcast_in_dim3A_1083 = arith.constant 58 : i32
        %broadcast_in_dim3A_1084 = vector.broadcast %broadcast_in_dim3A_1083 : i32 to vector<16xi32>
        %gather3A_1085 = tpu.vector_load_idx %arg5[%add3A_36, %broadcast_in_dim3A_1084] : memref<128x64xf32, #tpu.memory_space<vmem>>[vector<16xi32>, vector<16xi32>], vector<16xf32>,
        %gt3A_1086 = arith.cmpf ogt, %gather3A_1085, %select_n3A_1079 : vector<16xf32>
        %not3A_1087 = arith.constant dense<true> : vector<16xi1>
        %not3A_1088 = arith.xori %gt3A_1086, %not3A_1087 : vector<16xi1>
        %gt3A_1089 = arith.cmpf ogt, %gather3A_1085, %select_n3A_1074 : vector<16xf32>
        %and3A_1090 = arith.andi %not3A_1088, %gt3A_1089 : vector<16xi1>
        %select_n3A_1091 = arith.select %and3A_1090, %gather3A_1085, %select_n3A_1074 : vector<16xi1>, vector<16xf32>
        %select_n3A_1092 = arith.select %gt3A_1086, %select_n3A_1079, %select_n3A_1091 : vector<16xi1>, vector<16xf32>
        %jit3A_1093 = arith.constant 58 : i32
        %broadcast_in_dim3A_1094 = vector.broadcast %jit3A_1093 : i32 to vector<16xi32>
        %select_n3A_1095 = arith.select %and3A_1090, %broadcast_in_dim3A_1094, %select_n3A_1078 : vector<16xi1>, vector<16xi32>
        %select_n3A_1096 = arith.select %gt3A_1086, %select_n3A_1082, %select_n3A_1095 : vector<16xi1>, vector<16xi32>
        %select_n3A_1097 = arith.select %gt3A_1086, %gather3A_1085, %select_n3A_1079 : vector<16xi1>, vector<16xf32>
        %jit3A_1098 = arith.constant 58 : i32
        %broadcast_in_dim3A_1099 = vector.broadcast %jit3A_1098 : i32 to vector<16xi32>
        %select_n3A_1100 = arith.select %gt3A_1086, %broadcast_in_dim3A_1099, %select_n3A_1082 : vector<16xi1>, vector<16xi32>
        %broadcast_in_dim3A_1101 = arith.constant 59 : i32
        %broadcast_in_dim3A_1102 = vector.broadcast %broadcast_in_dim3A_1101 : i32 to vector<16xi32>
        %gather3A_1103 = tpu.vector_load_idx %arg5[%add3A_36, %broadcast_in_dim3A_1102] : memref<128x64xf32, #tpu.memory_space<vmem>>[vector<16xi32>, vector<16xi32>], vector<16xf32>,
        %gt3A_1104 = arith.cmpf ogt, %gather3A_1103, %select_n3A_1097 : vector<16xf32>
        %not3A_1105 = arith.constant dense<true> : vector<16xi1>
        %not3A_1106 = arith.xori %gt3A_1104, %not3A_1105 : vector<16xi1>
        %gt3A_1107 = arith.cmpf ogt, %gather3A_1103, %select_n3A_1092 : vector<16xf32>
        %and3A_1108 = arith.andi %not3A_1106, %gt3A_1107 : vector<16xi1>
        %select_n3A_1109 = arith.select %and3A_1108, %gather3A_1103, %select_n3A_1092 : vector<16xi1>, vector<16xf32>
        %select_n3A_1110 = arith.select %gt3A_1104, %select_n3A_1097, %select_n3A_1109 : vector<16xi1>, vector<16xf32>
        %jit3A_1111 = arith.constant 59 : i32
        %broadcast_in_dim3A_1112 = vector.broadcast %jit3A_1111 : i32 to vector<16xi32>
        %select_n3A_1113 = arith.select %and3A_1108, %broadcast_in_dim3A_1112, %select_n3A_1096 : vector<16xi1>, vector<16xi32>
        %select_n3A_1114 = arith.select %gt3A_1104, %select_n3A_1100, %select_n3A_1113 : vector<16xi1>, vector<16xi32>
        %select_n3A_1115 = arith.select %gt3A_1104, %gather3A_1103, %select_n3A_1097 : vector<16xi1>, vector<16xf32>
        %jit3A_1116 = arith.constant 59 : i32
        %broadcast_in_dim3A_1117 = vector.broadcast %jit3A_1116 : i32 to vector<16xi32>
        %select_n3A_1118 = arith.select %gt3A_1104, %broadcast_in_dim3A_1117, %select_n3A_1100 : vector<16xi1>, vector<16xi32>
        %broadcast_in_dim3A_1119 = arith.constant 60 : i32
        %broadcast_in_dim3A_1120 = vector.broadcast %broadcast_in_dim3A_1119 : i32 to vector<16xi32>
        %gather3A_1121 = tpu.vector_load_idx %arg5[%add3A_36, %broadcast_in_dim3A_1120] : memref<128x64xf32, #tpu.memory_space<vmem>>[vector<16xi32>, vector<16xi32>], vector<16xf32>,
        %gt3A_1122 = arith.cmpf ogt, %gather3A_1121, %select_n3A_1115 : vector<16xf32>
        %not3A_1123 = arith.constant dense<true> : vector<16xi1>
        %not3A_1124 = arith.xori %gt3A_1122, %not3A_1123 : vector<16xi1>
        %gt3A_1125 = arith.cmpf ogt, %gather3A_1121, %select_n3A_1110 : vector<16xf32>
        %and3A_1126 = arith.andi %not3A_1124, %gt3A_1125 : vector<16xi1>
        %select_n3A_1127 = arith.select %and3A_1126, %gather3A_1121, %select_n3A_1110 : vector<16xi1>, vector<16xf32>
        %select_n3A_1128 = arith.select %gt3A_1122, %select_n3A_1115, %select_n3A_1127 : vector<16xi1>, vector<16xf32>
        %jit3A_1129 = arith.constant 60 : i32
        %broadcast_in_dim3A_1130 = vector.broadcast %jit3A_1129 : i32 to vector<16xi32>
        %select_n3A_1131 = arith.select %and3A_1126, %broadcast_in_dim3A_1130, %select_n3A_1114 : vector<16xi1>, vector<16xi32>
        %select_n3A_1132 = arith.select %gt3A_1122, %select_n3A_1118, %select_n3A_1131 : vector<16xi1>, vector<16xi32>
        %select_n3A_1133 = arith.select %gt3A_1122, %gather3A_1121, %select_n3A_1115 : vector<16xi1>, vector<16xf32>
        %jit3A_1134 = arith.constant 60 : i32
        %broadcast_in_dim3A_1135 = vector.broadcast %jit3A_1134 : i32 to vector<16xi32>
        %select_n3A_1136 = arith.select %gt3A_1122, %broadcast_in_dim3A_1135, %select_n3A_1118 : vector<16xi1>, vector<16xi32>
        %broadcast_in_dim3A_1137 = arith.constant 61 : i32
        %broadcast_in_dim3A_1138 = vector.broadcast %broadcast_in_dim3A_1137 : i32 to vector<16xi32>
        %gather3A_1139 = tpu.vector_load_idx %arg5[%add3A_36, %broadcast_in_dim3A_1138] : memref<128x64xf32, #tpu.memory_space<vmem>>[vector<16xi32>, vector<16xi32>], vector<16xf32>,
        %gt3A_1140 = arith.cmpf ogt, %gather3A_1139, %select_n3A_1133 : vector<16xf32>
        %not3A_1141 = arith.constant dense<true> : vector<16xi1>
        %not3A_1142 = arith.xori %gt3A_1140, %not3A_1141 : vector<16xi1>
        %gt3A_1143 = arith.cmpf ogt, %gather3A_1139, %select_n3A_1128 : vector<16xf32>
        %and3A_1144 = arith.andi %not3A_1142, %gt3A_1143 : vector<16xi1>
        %select_n3A_1145 = arith.select %and3A_1144, %gather3A_1139, %select_n3A_1128 : vector<16xi1>, vector<16xf32>
        %select_n3A_1146 = arith.select %gt3A_1140, %select_n3A_1133, %select_n3A_1145 : vector<16xi1>, vector<16xf32>
        %jit3A_1147 = arith.constant 61 : i32
        %broadcast_in_dim3A_1148 = vector.broadcast %jit3A_1147 : i32 to vector<16xi32>
        %select_n3A_1149 = arith.select %and3A_1144, %broadcast_in_dim3A_1148, %select_n3A_1132 : vector<16xi1>, vector<16xi32>
        %select_n3A_1150 = arith.select %gt3A_1140, %select_n3A_1136, %select_n3A_1149 : vector<16xi1>, vector<16xi32>
        %select_n3A_1151 = arith.select %gt3A_1140, %gather3A_1139, %select_n3A_1133 : vector<16xi1>, vector<16xf32>
        %jit3A_1152 = arith.constant 61 : i32
        %broadcast_in_dim3A_1153 = vector.broadcast %jit3A_1152 : i32 to vector<16xi32>
        %select_n3A_1154 = arith.select %gt3A_1140, %broadcast_in_dim3A_1153, %select_n3A_1136 : vector<16xi1>, vector<16xi32>
        %broadcast_in_dim3A_1155 = arith.constant 62 : i32
        %broadcast_in_dim3A_1156 = vector.broadcast %broadcast_in_dim3A_1155 : i32 to vector<16xi32>
        %gather3A_1157 = tpu.vector_load_idx %arg5[%add3A_36, %broadcast_in_dim3A_1156] : memref<128x64xf32, #tpu.memory_space<vmem>>[vector<16xi32>, vector<16xi32>], vector<16xf32>,
        %gt3A_1158 = arith.cmpf ogt, %gather3A_1157, %select_n3A_1151 : vector<16xf32>
        %not3A_1159 = arith.constant dense<true> : vector<16xi1>
        %not3A_1160 = arith.xori %gt3A_1158, %not3A_1159 : vector<16xi1>
        %gt3A_1161 = arith.cmpf ogt, %gather3A_1157, %select_n3A_1146 : vector<16xf32>
        %and3A_1162 = arith.andi %not3A_1160, %gt3A_1161 : vector<16xi1>
        %select_n3A_1163 = arith.select %and3A_1162, %gather3A_1157, %select_n3A_1146 : vector<16xi1>, vector<16xf32>
        %select_n3A_1164 = arith.select %gt3A_1158, %select_n3A_1151, %select_n3A_1163 : vector<16xi1>, vector<16xf32>
        %jit3A_1165 = arith.constant 62 : i32
        %broadcast_in_dim3A_1166 = vector.broadcast %jit3A_1165 : i32 to vector<16xi32>
        %select_n3A_1167 = arith.select %and3A_1162, %broadcast_in_dim3A_1166, %select_n3A_1150 : vector<16xi1>, vector<16xi32>
        %select_n3A_1168 = arith.select %gt3A_1158, %select_n3A_1154, %select_n3A_1167 : vector<16xi1>, vector<16xi32>
        %select_n3A_1169 = arith.select %gt3A_1158, %gather3A_1157, %select_n3A_1151 : vector<16xi1>, vector<16xf32>
        %jit3A_1170 = arith.constant 62 : i32
        %broadcast_in_dim3A_1171 = vector.broadcast %jit3A_1170 : i32 to vector<16xi32>
        %select_n3A_1172 = arith.select %gt3A_1158, %broadcast_in_dim3A_1171, %select_n3A_1154 : vector<16xi1>, vector<16xi32>
        %broadcast_in_dim3A_1173 = arith.constant 63 : i32
        %broadcast_in_dim3A_1174 = vector.broadcast %broadcast_in_dim3A_1173 : i32 to vector<16xi32>
        %gather3A_1175 = tpu.vector_load_idx %arg5[%add3A_36, %broadcast_in_dim3A_1174] : memref<128x64xf32, #tpu.memory_space<vmem>>[vector<16xi32>, vector<16xi32>], vector<16xf32>,
        %gt3A_1176 = arith.cmpf ogt, %gather3A_1175, %select_n3A_1169 : vector<16xf32>
        %not3A_1177 = arith.constant dense<true> : vector<16xi1>
        %not3A_1178 = arith.xori %gt3A_1176, %not3A_1177 : vector<16xi1>
        %gt3A_1179 = arith.cmpf ogt, %gather3A_1175, %select_n3A_1164 : vector<16xf32>
        %and3A_1180 = arith.andi %not3A_1178, %gt3A_1179 : vector<16xi1>
        %select_n3A_1181 = arith.select %and3A_1180, %gather3A_1175, %select_n3A_1164 : vector<16xi1>, vector<16xf32>
        %select_n3A_1182 = arith.select %gt3A_1176, %select_n3A_1169, %select_n3A_1181 : vector<16xi1>, vector<16xf32>
        %jit3A_1183 = arith.constant 63 : i32
        %broadcast_in_dim3A_1184 = vector.broadcast %jit3A_1183 : i32 to vector<16xi32>
        %select_n3A_1185 = arith.select %and3A_1180, %broadcast_in_dim3A_1184, %select_n3A_1168 : vector<16xi1>, vector<16xi32>
        %select_n3A_1186 = arith.select %gt3A_1176, %select_n3A_1172, %select_n3A_1185 : vector<16xi1>, vector<16xi32>
        %select_n3A_1187 = arith.select %gt3A_1176, %gather3A_1175, %select_n3A_1169 : vector<16xi1>, vector<16xf32>
        %jit3A_1188 = arith.constant 63 : i32
        %broadcast_in_dim3A_1189 = vector.broadcast %jit3A_1188 : i32 to vector<16xi32>
        %select_n3A_1190 = arith.select %gt3A_1176, %broadcast_in_dim3A_1189, %select_n3A_1172 : vector<16xi1>, vector<16xi32>
        tpu.vector_store_idx %arg6[%add3A_36, %broadcast_in_dim3A_3], %select_n3A_1187 : memref<128x2xf32, #tpu.memory_space<vmem>>[vector<16xi32>, vector<16xi32>], vector<16xf32>,
        tpu.vector_store_idx %arg6[%add3A_36, %broadcast_in_dim3A_5], %select_n3A_1182 : memref<128x2xf32, #tpu.memory_space<vmem>>[vector<16xi32>, vector<16xi32>], vector<16xf32>,
        tpu.vector_store_idx %arg7[%add3A_36, %broadcast_in_dim3A_3], %select_n3A_1190 : memref<128x2xi32, #tpu.memory_space<vmem>>[vector<16xi32>, vector<16xi32>], vector<16xi32>,
        tpu.vector_store_idx %arg7[%add3A_36, %broadcast_in_dim3A_5], %select_n3A_1186 : memref<128x2xi32, #tpu.memory_space<vmem>>[vector<16xi32>, vector<16xi32>], vector<16xi32>,
        %scan3A_1191 = arith.constant 0 : i32
        scf.yield %scan3A_1191 : i32
      }
      %scan3A_29 = arith.constant 8 : i32
      "tpu.region"() ({
        %run_scoped3A = tpu.sem_alloc : memref<!tpu.dma_semaphore, #tpu.memory_space<semaphore_mem>>
        %dma_start3A_31 = arith.constant 0 : i32
        %dma_start3A_32 = tpu.memref_slice %arg3[%add3A_16, %dma_start3A_31] : memref<32768x2xf32, #tpu.memory_space<hbm>> -> memref<128x2xf32, #tpu.memory_space<hbm>>
        %dma_start3A_33 = arith.constant 0 : i32
        %dma_start3A_34 = tpu.memref_slice %arg3[%add3A_16, %dma_start3A_33] : memref<32768x2xf32, #tpu.memory_space<hbm>> -> memref<128x2xf32, #tpu.memory_space<hbm>>
        tpu.enqueue_dma source(%arg6 : memref<128x2xf32, #tpu.memory_space<vmem>>) target(%dma_start3A_34 : memref<128x2xf32, #tpu.memory_space<hbm>>) target_semaphore(%run_scoped3A : memref<!tpu.dma_semaphore, #tpu.memory_space<semaphore_mem>>)
        %dma_wait3A_35 = arith.constant 0 : i32
        %dma_wait3A_36 = tpu.memref_slice %arg3[%add3A_16, %dma_wait3A_35] : memref<32768x2xf32, #tpu.memory_space<hbm>> -> memref<128x2xf32, #tpu.memory_space<hbm>>
        %dma_wait3A_37 = arith.constant 0 : i32
        %dma_wait3A_38 = tpu.memref_slice %arg3[%add3A_16, %dma_wait3A_37] : memref<32768x2xf32, #tpu.memory_space<hbm>> -> memref<128x2xf32, #tpu.memory_space<hbm>>
        tpu.wait_dma2 semaphore(%run_scoped3A : memref<!tpu.dma_semaphore, #tpu.memory_space<semaphore_mem>>) src(%arg6 : memref<128x2xf32, #tpu.memory_space<vmem>>) dst(%dma_wait3A_38 : memref<128x2xf32, #tpu.memory_space<hbm>>)
        tpu.yield
      }) : () -> ()
      "tpu.region"() ({
        %run_scoped3A = tpu.sem_alloc : memref<!tpu.dma_semaphore, #tpu.memory_space<semaphore_mem>>
        %dma_start3A_31 = arith.constant 0 : i32
        %dma_start3A_32 = tpu.memref_slice %arg4[%add3A_16, %dma_start3A_31] : memref<32768x2xi32, #tpu.memory_space<hbm>> -> memref<128x2xi32, #tpu.memory_space<hbm>>
        %dma_start3A_33 = arith.constant 0 : i32
        %dma_start3A_34 = tpu.memref_slice %arg4[%add3A_16, %dma_start3A_33] : memref<32768x2xi32, #tpu.memory_space<hbm>> -> memref<128x2xi32, #tpu.memory_space<hbm>>
        tpu.enqueue_dma source(%arg7 : memref<128x2xi32, #tpu.memory_space<vmem>>) target(%dma_start3A_34 : memref<128x2xi32, #tpu.memory_space<hbm>>) target_semaphore(%run_scoped3A : memref<!tpu.dma_semaphore, #tpu.memory_space<semaphore_mem>>)
        %dma_wait3A_35 = arith.constant 0 : i32
        %dma_wait3A_36 = tpu.memref_slice %arg4[%add3A_16, %dma_wait3A_35] : memref<32768x2xi32, #tpu.memory_space<hbm>> -> memref<128x2xi32, #tpu.memory_space<hbm>>
        %dma_wait3A_37 = arith.constant 0 : i32
        %dma_wait3A_38 = tpu.memref_slice %arg4[%add3A_16, %dma_wait3A_37] : memref<32768x2xi32, #tpu.memory_space<hbm>> -> memref<128x2xi32, #tpu.memory_space<hbm>>
        tpu.wait_dma2 semaphore(%run_scoped3A : memref<!tpu.dma_semaphore, #tpu.memory_space<semaphore_mem>>) src(%arg7 : memref<128x2xi32, #tpu.memory_space<vmem>>) dst(%dma_wait3A_38 : memref<128x2xi32, #tpu.memory_space<hbm>>)
        tpu.yield
      }) : () -> ()
      %scan3A_30 = arith.constant 0 : i32
      scf.yield %scan3A_30 : i32
    }
    %scan3A_11 = arith.constant 8 : i32
    return
  }
}

module attributes {stable_mosaic.version = 14 : i64} {
  func.func @_router_block(%arg0: i32, %arg1: memref<4096x384xf32, #tpu.memory_space<vmem>>, %arg2: memref<4096x384xf32, #tpu.memory_space<vmem>>, %arg3: memref<768x64xf32, #tpu.memory_space<vmem>>, %arg4: memref<1x64xf32, #tpu.memory_space<vmem>>, %arg5: memref<4096x64xf32, #tpu.memory_space<vmem>>) attributes {dimension_semantics = [#tpu.dimension_semantics<parallel>], iteration_bounds = array<i64: 8>, scalar_prefetch = 0 : i64, scratch_operands = 0 : i64, tpu.core_type = #tpu.core_type<tc>, window_params = [{transform_indices = @transform_0, window_bounds = array<i64: 4096, 384>}, {transform_indices = @transform_1, window_bounds = array<i64: 4096, 384>}, {pipeline_mode = #tpu.pipeline_mode<synchronous>, transform_indices = @transform_2, window_bounds = array<i64: 768, 64>}, {pipeline_mode = #tpu.pipeline_mode<synchronous>, transform_indices = @transform_3, window_bounds = array<i64: 1, 64>}, {transform_indices = @transform_4, window_bounds = array<i64: 4096, 64>}]} {
    %get3A = arith.constant 0 : index
    %get3A_0 = arith.constant 0 : index
    %get3A_1 = vector.load %arg1[%get3A, %get3A_0] : memref<4096x384xf32, #tpu.memory_space<vmem>>, vector<4096x384xf32>
    %get3A_2 = arith.constant 0 : index
    %get3A_3 = arith.constant 0 : index
    %get3A_4 = vector.load %arg3[%get3A_2, %get3A_3] : memref<768x64xf32, #tpu.memory_space<vmem>>, vector<384x64xf32>
    %dot_general3A = arith.constant dense<0.000000e+00> : vector<4096x64xf32>
    %dot_general3A_5 = tpu.matmul %get3A_1, %get3A_4, %dot_general3A {dimension_numbers = #tpu.dot_dimension_numbers<[1], [0], [0], [1], [0, 0, 1, 1], [], []>, transpose_lhs_hint = false} : vector<4096x384xf32>, vector<384x64xf32>, vector<4096x64xf32> -> vector<4096x64xf32>
    %get3A_6 = arith.constant 0 : index
    %get3A_7 = arith.constant 0 : index
    %get3A_8 = vector.load %arg2[%get3A_6, %get3A_7] : memref<4096x384xf32, #tpu.memory_space<vmem>>, vector<4096x384xf32>
    %get3A_9 = arith.constant 384 : index
    %get3A_10 = arith.constant 0 : index
    %get3A_11 = vector.load %arg3[%get3A_9, %get3A_10] : memref<768x64xf32, #tpu.memory_space<vmem>>, vector<384x64xf32>
    %dot_general3A_12 = arith.constant dense<0.000000e+00> : vector<4096x64xf32>
    %dot_general3A_13 = tpu.matmul %get3A_8, %get3A_11, %dot_general3A_12 {dimension_numbers = #tpu.dot_dimension_numbers<[1], [0], [0], [1], [0, 0, 1, 1], [], []>, transpose_lhs_hint = false} : vector<4096x384xf32>, vector<384x64xf32>, vector<4096x64xf32> -> vector<4096x64xf32>
    %add3A = arith.addf %dot_general3A_5, %dot_general3A_13 : vector<4096x64xf32>
    %get3A_14 = arith.constant 0 : index
    %get3A_15 = arith.constant 0 : index
    %get3A_16 = vector.load %arg4[%get3A_14, %get3A_15] : memref<1x64xf32, #tpu.memory_space<vmem>>, vector<1x64xf32>
    %add3A_17 = vector.broadcast %get3A_16 : vector<1x64xf32> to vector<4096x64xf32>
    %add3A_18 = arith.addf %add3A, %add3A_17 : vector<4096x64xf32>
    %reduce_max3A = arith.constant dense<0xFF800000> : vector<4096xf32>
    %reduce_max3A_19 = vector.multi_reduction <maximumf>, %add3A_18, %reduce_max3A [1] : vector<4096x64xf32> to vector<4096xf32>
    %broadcast_in_dim3A = vector.shape_cast %reduce_max3A_19 : vector<4096xf32> to vector<4096x1xf32>
    %sub3A = vector.broadcast %broadcast_in_dim3A : vector<4096x1xf32> to vector<4096x64xf32>
    %sub3A_20 = arith.subf %add3A_18, %sub3A : vector<4096x64xf32>
    %exp3A = math.exp %sub3A_20 : vector<4096x64xf32>
    %reduce_sum3A = arith.constant dense<0.000000e+00> : vector<4096xf32>
    %reduce_sum3A_21 = vector.multi_reduction <add>, %exp3A, %reduce_sum3A [1] : vector<4096x64xf32> to vector<4096xf32>
    %broadcast_in_dim3A_22 = vector.shape_cast %reduce_sum3A_21 : vector<4096xf32> to vector<4096x1xf32>
    %div3A = vector.broadcast %broadcast_in_dim3A_22 : vector<4096x1xf32> to vector<4096x64xf32>
    %div3A_23 = arith.divf %exp3A, %div3A : vector<4096x64xf32>
    %swap3A = arith.constant 0 : index
    %swap3A_24 = arith.constant 0 : index
    %swap3A_25 = vector.load %arg5[%swap3A, %swap3A_24] : memref<4096x64xf32, #tpu.memory_space<vmem>>, vector<4096x64xf32>
    tpu.vector_store %arg5[%swap3A, %swap3A_24], %div3A_23 {strides = array<i32>} : memref<4096x64xf32, #tpu.memory_space<vmem>>, vector<4096x64xf32>,
    return
  }
  func.func @transform_0(%arg0: i32) -> (i32, i32) {
    %c0_i32 = arith.constant 0 : i32
    %c0_i32_0 = arith.constant 0 : i32
    return %arg0, %c0_i32 : i32, i32
  }
  func.func @transform_1(%arg0: i32) -> (i32, i32) {
    %c1_i32 = arith.constant 1 : i32
    %c0_i32 = arith.constant 0 : i32
    return %arg0, %c1_i32 : i32, i32
  }
  func.func @transform_2(%arg0: i32) -> (i32, i32) {
    %c0_i32 = arith.constant 0 : i32
    %c0_i32_0 = arith.constant 0 : i32
    %c0_i32_1 = arith.constant 0 : i32
    return %c0_i32, %c0_i32_0 : i32, i32
  }
  func.func @transform_3(%arg0: i32) -> (i32, i32) {
    %c0_i32 = arith.constant 0 : i32
    %c0_i32_0 = arith.constant 0 : i32
    %c0_i32_1 = arith.constant 0 : i32
    return %c0_i32, %c0_i32_0 : i32, i32
  }
  func.func @transform_4(%arg0: i32) -> (i32, i32) {
    %c0_i32 = arith.constant 0 : i32
    %c0_i32_0 = arith.constant 0 : i32
    return %arg0, %c0_i32 : i32, i32
  }
}

</mosaic_0001>

<sc_bundles>
// kernel: kernel.4.cloned.1.call-start
scs
__scs_entry_jumppad:
0x0: {  	(pc) =	sbr.rel $0x88, $3  }
0x1: {  	(tag) =	ssettag $0x0;
	lr =	simm.s32 $0x1  }
0x2: {  	[smem:$0x3F9E] =	sst lr;
	_ =	strace $0xD0000000  }
0x3: {  	_ = 	snop  }
0x4: {  	_ = 	snop  }
0x5: {  	_ = 	snop  }
0x6: {  	_ = 	snop  }
0x7: {  	_ = 	snop  }
__scs_overlays_trampoline_lowered:
0x8: {  	[smem:$0x3FAD] =	sst s0  }
0x9: {  	[smem:$0x3FAE] =	sst s1  }
0xa: {  	[smem:$0x3FAF] =	sst s2  }
0xb: {  	[smem:$0x3FB0] =	sst s3  }
0xc: {  	[smem:$0x3FB1] =	sst s4  }
0xd: {  	[smem:$0x3FB2] =	sst s5  }
0xe: {  	[smem:$0x3FB3] =	sst s6  }
0xf: {  	[smem:$0x3FB4] =	sst s7  }
0x10: {  	[smem:$0x3FB5] =	sst s8  }
0x11: {  	[smem:$0x3FB6] =	sst s9;
	s0 =	simm.s32 @!p0 $0x0  }
0x12: {  	s1 =	sld [smem:$0x3F9C];
	s0 =	simm.s32 @p0 $0x1  }
0x13: {  	[smem:$0x3FB7] =	sst s0;
	s0 =	simm.s32 @!p1 $0x0  }
0x14: {  	s2 =	sld [smem:$0x3F9B];
	s0 =	simm.s32 @p1 $0x1  }
0x15: {  	[smem:$0x3FB8] =	sst s0;
	s0 =	simm.s32 @!p2 $0x0  }
0x16: {  	s3 =	sld [smem:$0x3FDB];
	s0 =	simm.s32 @p2 $0x1  }
0x17: {  	s4 =	simm.s32 $0x1BF5;
	[smem:$0x3FBA] =	sst s0  }
0x18: {  	s0 =	sld [smem:$0x3F9D];
	_ =	swait.ge [sflag:s4], $0x0  }
0x19: {  	s7 =	sld [smem:$0x3F9E]  }
0x1a: {  	s8 =	sadd.s32 $0xFFFFE003, lr  }
0x1b: {  	s9 =	sadd.s32 $0xFFFFFEF7, lr;
	s5 =	simm.s32 $0xFFFFFFFF;
	p2 =	slt.u32 s8, $0xFFFFF086  }
0x1c: {  	p1 =	slt.u32 s9, $0xF7A;
	s5 =	simm.s32 @!p2 $0x0  }
0x1d: {  	s5 =	simm.s32 @p1 $0x1;
	p0 =	seq.s32 s7, s2  }
0x1e: {  	s7 =	smul.u32 @!p0 $0xF7A, s2;
	p2 =	seq.s32 @!p0 s5, $0x0  }
0x1f: {  	s9 =	smul.u32 $0xF7A, s1;
	s8 =	simm.s32 @!p0 $0x1BF5;
	p2 =	por !p2, p0  }
0x20: {  	[sflag:s8] =	ssyncset.s32 @!p0 $0xFFFFF086;
	s6 =	sadd.s32 @!p0 s3, s7;
	s7 =	simm.s32 @!p0 $0x108  }
0x21: {  	s3 =	sadd.s32 s3, s9;
	s6 =	sadd.s32 @!p0 $0x88, s6;
	s7 =	simm.s32 @p2 $0x1082  }
0x22: {  	[simem:s7], [sflag:s8] =	dma.local @!p0 [hbm:s6], $0xF7A  }
0x23: {  	s9 =	sor.u32 $0xD0000000, s2;
	s6 =	simm.s32 $0x108;
	_ =	swait.ge @!p0 [sflag:s8], $0x0  }
0x24: {  	s3 =	sadd.s32 $0x88, s3;
	s6 =	simm.s32 @!p1 $0x1082;
	[sflag:s4] =	ssyncset.s32 $0xFFFFF086  }
0x25: {  	[simem:s6], [sflag:s4] =	dma.local [hbm:s3], $0xF7A  }
0x26: {  	[smem:$0x3F9E] =	sst s1;
	(tag) =	ssettag s2;
	_ =	strace s9  }
0x27: {  	s1 =	sld [smem:$0x3FAE]  }
0x28: {  	s2 =	sld [smem:$0x3FAF]  }
0x29: {  	s4 =	sld [smem:$0x3FB1]  }
0x2a: {  	p0 =	seq.s32 s5, $0x0;
	s5 =	sld [smem:$0x3FB2]  }
0x2b: {  	s6 =	sld [smem:$0x3FB3]  }
0x2c: {  	s7 =	sld [smem:$0x3FB4]  }
0x2d: {  	s3 =	simm.s32 $0x108;
	s8 =	sld [smem:$0x3FB5]  }
0x2e: {  	s3 =	simm.s32 @!p0 $0x1082;
	s9 =	sld [smem:$0x3FB6]  }
0x2f: {  	lr =	sadd.s32 s0, s3;
	s0 =	sld [smem:$0x3FAD]  }
0x30: {  	s3 =	sld [smem:$0x3FB0]  }
0x31: {  	[smem:$0x3FB9] =	sst s10  }
0x32: {  	s10 =	sld [smem:$0x3FB7];
	_ =	sdelay $0x3  }
0x33: {  	p0 =	seq.s32 s10, $0x1;
	s10 =	sld [smem:$0x3FB9];
	_ =	sdelay $0x3  }
0x34: {  	[smem:$0x3FB9] =	sst s10  }
0x35: {  	s10 =	sld [smem:$0x3FB8];
	_ =	sdelay $0x3  }
0x36: {  	p1 =	seq.s32 s10, $0x1;
	s10 =	sld [smem:$0x3FB9];
	_ =	sdelay $0x3  }
0x37: {  	[smem:$0x3FB9] =	sst s10  }
0x38: {  	s10 =	sld [smem:$0x3FBA]  }
0x39: {  	_ = 	snop;
	(pc) =	sbr.ind lr, $3  }
0x3a: {  	_ = 	snop  }
0x3b: {  	_ = 	snop  }
0x3c: {  	p2 =	seq.s32 s10, $0x1;
	s10 =	sld [smem:$0x3FB9]  }
0x3d: {  	_ =	shalt  }
0x3e: {  	_ =	shalt  }
0x3f: {  	_ =	shalt  }
0x40: {  	_ =	shalt  }
0x41: {  	_ =	shalt  }
0x42: {  	_ =	shalt  }
0x43: {  	_ =	shalt  }
0x44: {  	_ =	shalt  }
0x45: {  	_ =	shalt  }
0x46: {  	_ =	shalt  }
0x47: {  	_ =	shalt  }
0x48: {  	_ =	shalt  }
0x49: {  	_ =	shalt  }
0x4a: {  	_ =	shalt  }
0x4b: {  	_ =	shalt  }
0x4c: {  	_ =	shalt  }
0x4d: {  	_ =	shalt  }
0x4e: {  	_ =	shalt  }
0x4f: {  	_ =	shalt  }
0x50: {  	_ =	shalt  }
0x51: {  	_ =	shalt  }
0x52: {  	_ =	shalt  }
0x53: {  	_ =	shalt  }
0x54: {  	_ =	shalt  }
0x55: {  	_ =	shalt  }
0x56: {  	_ =	shalt  }
0x57: {  	_ =	shalt  }
0x58: {  	_ =	shalt  }
0x59: {  	_ =	shalt  }
0x5a: {  	_ =	shalt  }
0x5b: {  	_ =	shalt  }
0x5c: {  	_ =	shalt  }
0x5d: {  	_ =	shalt  }
0x5e: {  	_ =	shalt  }
0x5f: {  	_ =	shalt  }
0x60: {  	_ =	shalt  }
0x61: {  	_ =	shalt  }
0x62: {  	_ =	shalt  }
0x63: {  	_ =	shalt  }
0x64: {  	_ =	shalt  }
0x65: {  	_ =	shalt  }
0x66: {  	_ =	shalt  }
0x67: {  	_ =	shalt  }
0x68: {  	_ =	shalt  }
0x69: {  	_ =	shalt  }
0x6a: {  	_ =	shalt  }
0x6b: {  	_ =	shalt  }
0x6c: {  	_ =	shalt  }
0x6d: {  	_ =	shalt  }
0x6e: {  	_ =	shalt  }
0x6f: {  	_ =	shalt  }
0x70: {  	_ =	shalt  }
0x71: {  	_ =	shalt  }
0x72: {  	_ =	shalt  }
0x73: {  	_ =	shalt  }
0x74: {  	_ =	shalt  }
0x75: {  	_ =	shalt  }
0x76: {  	_ =	shalt  }
0x77: {  	_ =	shalt  }
0x78: {  	_ =	shalt  }
0x79: {  	_ =	shalt  }
0x7a: {  	_ =	shalt  }
0x7b: {  	_ =	shalt  }
0x7c: {  	_ =	shalt  }
0x7d: {  	_ =	shalt  }
0x7e: {  	_ =	shalt  }
0x7f: {  	_ =	shalt  }
0x80: {  	_ =	shalt  }
0x81: {  	_ =	shalt  }
0x82: {  	_ =	shalt  }
0x83: {  	_ =	shalt  }
0x84: {  	_ =	shalt  }
0x85: {  	_ =	shalt  }
0x86: {  	_ =	shalt  }
0x87: {  	_ =	shalt  }
.Lfunc_end0:
.L_simem_size_0:
called_computation_lowered:
.L_overlay_start_0:
0x88: {  	s2 =	sld [smem:$0x3FD9]  }
0x89: {  	s3 =	sld [smem:$0x3FFE];
	_ =	sdelay $0x1  }
0x8a: {  	s1 =	srdreg.scid  }
0x8b: {  	s0 =	sand.u32 $0x1, s1  }
0x8c: {  	s16 =	sshll.u32 s0, $0xA;
	s2 =	sadd.s32 s3, s2  }
0x8d: {  	s2 =	sadd.s32 s2, s16  }
0x8e: {  	[smem:$0x3FC5] =	sst s2  }
0x8f: {  	_ = 	snop  }
0x90: {  	(tm) =	ssettm $0x1  }
0x91: {  	s17 =	sld [smem:$0x3FFB];
	_ =	sdelay $0x3  }
0x92: {  	_ =	strace s17  }
0x93: {  	s2 =	sld [smem:$0x3FFC];
	_ =	sdelay $0x3  }
0x94: {  	_ =	strace s2  }
0x95: {  	s2 =	sld [smem:$0x3FFD];
	_ =	sdelay $0x3  }
0x96: {  	_ =	strace s2  }
0x97: {  	_ =	strace $0x8FFFFFFF  }
0x98: {  	s18 =	sld [smem:$0x3FDB];
	_ =	sdelay $0x1  }
0x99: {  	s19 =	simm.s32 $_scs_section_size  }
0x9a: {  	s4 =	simm.s32 $_size__tile_overlayer_lowered;
	s5 =	simm.s32 $_tile_overlayer_lowered  }
0x9b: {  	s22 =	simm.s32 $0x1BFF;
	s21 =	sshll.u32 s5, $0x1;
	s2 =	sadd.s32 s19, s18  }
0x9c: {  	s6 =	simm.s32 $0x0;
	s20 =	sshll.u32 s4, $0x1;
	s4 =	sadd.s32 s21, s2  }
0x9d: {  	[timem:s6], [sflag:s22] =	dma.local [hbm:s4], s20  }
0x9e: {  	_ =	swait.ge [sflag:s22], s20  }
0x9f: {  	s3 =	ssub.s32 $0x0, s20;
	[sflag:s22] =	ssyncset.done $0x0  }
0xa0: {  	[sflag:s22] =	ssyncadd.s32 s3;
	_ =	sdelay $0x1  }
0xa1: {  	s23 =	simm.s32 $0x1B8B  }
0xa2: {  	_ =	swait.ge [sflag:s23], $0x1  }
0xa3: {  	[sflag:s23] =	ssyncset.done $0x0  }
0xa4: {  	s25 =	simm.s32 $0x1B8E;
	s24 =	sld [smem:$0x3FFE];
	[sflag:s23] =	ssyncadd.s32 $0xFFFFFFFF  }
0xa5: {  	s26 =	simm.s32 $execute0_lowered;
	[smem:$0x3FD2] =	sst s25  }
0xa6: {  	s4 =	sshll.u32 s26, $0x1;
	_ =	strace $0x80000046;
	[dreg:$0x1] =	wrdreg $0xFFFFFFFF  }
0xa7: {  	s28 =	simm.s32 $_size_execute0_lowered;
	s2 =	sadd.s32 s2, s4;
	[dreg:$0x0] =	wrdreg $0x0  }
0xa8: {  	s4 =	sshll.u32 s28, $0x1;
	[dreg:$0x2] =	wrdreg s2  }
0xa9: {  	[dreg:$0x3] =	wrdreg s4  }
0xaa: {  	[dreg:$0x4] =	wrdreg $0xC0  }
0xab: {  	_ =	task [dreg:s6], $0x5FFFF  }
0xac: {  	[dreg:$0x1] =	wrdreg $0xFFFFFFFF  }
0xad: {  	[dreg:$0x0] =	wrdreg $0x60  }
0xae: {  	[dreg:$0x2] =	wrdreg s24  }
0xaf: {  	[dreg:$0x3] =	wrdreg $0x9  }
0xb0: {  	_ =	task.clear_ibuf [dreg:s6], $0x4FFFF;
	_ =	strace $0x90000046  }
0xb1: {  	s29 =	simm.s32 $0x9;
	_ =	strace $0x80000048  }
0xb2: {  	_ =	swait.ge [sflag:s29], $0x1  }
0xb3: {  	[sflag:s29] =	ssyncadd.s32 $0xFFFFFFFF  }
0xb4: {  	_ =	strace $0x90000048  }
0xb5: {  	_ =	sfence  }
0xb6: {  	s30 =	sld [smem:$0x0];
	_ =	sdelay $0x2  }
0xb7: {  	s31 =	sshll.u32 s1, $0xD;
	s1 =	sshrl.u32 s1, $0x2  }
0xb8: {  	s3 =	sand.u32 $0x4000, s31;
	s1 =	sadd.s32 s1, s30  }
0xb9: {  	s0 =	sor.u32 s3, s0;
	s1 =	sshll.u32 s1, $0x11  }
0xba: {  	s0 =	sor.u32 s1, s0  }
0xbb: {  	s0 =	sadd.s32 $0x8F2B, s0  }
0xbc: {  	[sflag:s0] =	ssyncadd.remote.s32 $0x1  }
0xbd: {  	_ =	sfence.sel $0xFFFF  }
0xbe: {  	[dreg:$0x0] =	wrdreg $0xFFFFFFFF;
	(pc) =	sbr.abs _section_cstart, $3  }
0xbf: {  	[dreg:$0x1] =	wrdreg $0xFFFFFFFF  }
0xc0: {  	_ =	task.clear_ibuf [dreg:s6], $0x2FFFF;
	_ =	strace $0x9FFFFFFF  }
0xc1: {  	(tm) =	ssettm $0x7FFFFFFF  }
tec
execute0_lowered:
.L_overlay_start_1:
0x0: {  	(tag) =	ssettag $0x1  }
0x1: {  	s5 =	rddreg [dreg:$0x0]  }
0x2: {  	s0 =	rddreg [dreg:$0x1]  }
0x3: {  	s1 =	simm.s32 $0x0;
	s2 =	srdreg.scid;
	s10 =	simm.s32 $0x8000  }
0x4: {  	s11 =	simm.s32 $0x2;
	s12 =	simm.s32 $0x0;
	[smem:$0x7FF] =	sst s1  }
0x5: {  	s3 =	sadd.s32 $0x1000, s5;
	s6 =	sand.u32 $0x1, s2;
	s4 =	sadd.s32 $0x81000, s5  }
0x6: {  	s2 =	stileid.u32;
	s5 =	sadd.s32 $0x101000, s5;
	s7 =	ssub.s32 $0x2, s6  }
0x7: {  	s9 =	sshll.u32 s2, $0xF;
	s6 =	sshll.u32 s6, $0xE;
	s8 =	sshrl.u32 s7, $0x1  }
0x8: {  	v0 =	vlaneseq.u32;
	_ =	strace $0x80000047;
	s6 =	sor.u32 s6, s9;
	s7 =	ssub.s32 s7, s8  }
0x9: {  	v1 =	vimm.s32 $0x0;
	v0 =	vmul.u32 $0x80, v0;
	s9 =	simm.s32 $0x4000;
	s8 =	simm.s32 $0x1;
	s7 =	smax.u32 s7, $0x1  }
.LBB2_1:
0xa: {  	s13 =	simm.s32 $0x0  }
.LBB2_2:
0xb: {  	s15 =	simm.s32 $0x0  }
0xc: {  	s14 =	sshll.u32 s13, $0xB;
	v2 =	vmov s15  }
0xd: {  	s14 =	sadd.s32 s6, s14;
	v2 =	vshll.u32 v2, $0x7  }
0xe: {  	s16 =	sadd.s32 s3, s14;
	v5 =	vor.u32 v0, v2  }
0xf: {  	[tilespmem:s15], [sflag:$0x1] =	stream.linear.gather [hbm4b:s16+s15], $0x4000, $0x38;
	[tilespmem:$0xC000] =	vst v63  }
0x10: {  	_ =	swait.ge [sflag:s8], $0x4000;
	v2 =	vor.u32 $0x1, v5  }
0x11: {  	[sflag:s8] =	ssyncset.done $0x0  }
0x12: {  	[sflag:s8] =	ssyncadd.s32 $0xFFFFC000  }
0x13: {  	v3 =	vld.idx.msk [tilespmem:v5+s1+$0x0], $0xffff  }
0x14: {  	v4 =	vor.u32 $0x2, v5  }
0x15: {  	v6 =	vld.idx.msk [tilespmem:v2+s1+$0x0], $0xffff;
	_ =	sdelay $0x2  }
0x16: {  	v7 =	vor.u32 $0x3, v5;
	vm0 =	vgt.f32 v3, $-1.000000000e+00  }
0x17: {  	v4 =	vld.idx.msk [tilespmem:v4+s1+$0x0], $0xffff;
	v3 =	vnsel vm0, $0xBF800000, v3  }
0x18: {  	v8 =	vimm.s32 $0x0;
	vm0 =	vgt.f32 v6, v3  }
0x19: {  	vm1 =	vgt.f32 v6, $-1.000000000e+00;
	v8 =	vsel vm0, $0xFFFFFFFF, v8;
	vm0 =	vmneg vm0  }
0x1a: {  	[tilespmem:$0x1FD70] =	vst v8;
	v8 =	vor.u32 $0x4, v5;
	vm1 =	vmand vm1, vm0  }
0x1b: {  	v7 =	vld.idx.msk [tilespmem:v7+s1+$0x0], $0xffff;
	v61 =	vsel vm0, v3, v6;
	v6 =	vnsel vm1, $0xBF800000, v6  }
0x1c: {  	vm4 =	vgt.f32 v4, v61;
	v3 =	vsel vm0, v6, v3  }
0x1d: {  	vm10 =	vmneg vm4;
	vm0 =	vgt.f32 v4, v3  }
0x1e: {  	v6 =	vor.u32 $0x5, v5;
	vm0 =	vmand vm10, vm0  }
0x1f: {  	v62 =	vsel vm10, v61, v4;
	v8 =	vld.idx.msk [tilespmem:v8+s1+$0x0], $0xffff;
	v3 =	vsel vm0, v4, v3  }
0x20: {  	vm5 =	vgt.f32 v7, v62;
	v3 =	vsel vm10, v3, v61  }
0x21: {  	v10 =	vimm.s32 $0x0;
	vm2 =	vmneg vm5;
	vm6 =	vgt.f32 v7, v3  }
0x22: {  	v10 =	vsel vm0, $0xFFFFFFFF, v10;
	v4 =	vor.u32 $0x6, v5;
	vm0 =	vmand vm2, vm6  }
0x23: {  	v18 =	vsel vm2, v62, v7;
	v6 =	vld.idx.msk [tilespmem:v6+s1+$0x0], $0xffff;
	v3 =	vsel vm0, v7, v3  }
0x24: {  	vm7 =	vgt.f32 v8, v18;
	v3 =	vsel vm2, v3, v62  }
0x25: {  	vm15 =	vmneg vm7;
	vm8 =	vgt.f32 v8, v3  }
0x26: {  	v7 =	vor.u32 $0x7, v5;
	vm9 =	vmand vm15, vm8  }
0x27: {  	v4 =	vld.idx.msk [tilespmem:v4+s1+$0x0], $0xffff;
	v20 =	vsel vm15, v18, v8;
	v3 =	vsel vm9, v8, v3  }
0x28: {  	v9 =	vimm.s32 $0x0;
	vm11 =	vgt.f32 v6, v20;
	v3 =	vsel vm15, v3, v18  }
0x29: {  	v63 =	vimm.s32 $0x0;
	vm13 =	vmneg vm11;
	vm12 =	vgt.f32 v6, v3  }
0x2a: {  	v21 =	vimm.s32 $0x0;
	v8 =	vor.u32 $0x8, v5;
	vm14 =	vmand vm13, vm12  }
0x2b: {  	v9 =	vsel vm1, $0xFFFFFFFF, v9;
	v7 =	vld.idx.msk [tilespmem:v7+s1+$0x0], $0xffff;
	v22 =	vsel vm13, v20, v6;
	v3 =	vsel vm14, v6, v3  }
0x2c: {  	[tilespmem:$0x1FD80] =	vst v9;
	v9 =	vsel vm0, $0xFFFFFFFF, v63;
	vm4 =	vgt.f32 v4, v22;
	v3 =	vsel vm13, v3, v20  }
0x2d: {  	[tilespmem:$0x1FDA0] =	vst v9;
	v9 =	vsel vm14, $0xFFFFFFFF, v21;
	vm14 =	vmneg vm4;
	vm5 =	vgt.f32 v4, v3  }
0x2e: {  	v6 =	vor.u32 $0x9, v5;
	vm6 =	vmand vm14, vm5  }
0x2f: {  	v24 =	vsel vm14, v22, v4;
	v8 =	vld.idx.msk [tilespmem:v8+s1+$0x0], $0xffff;
	v3 =	vsel vm6, v4, v3  }
0x30: {  	vm7 =	vgt.f32 v7, v24;
	v3 =	vsel vm14, v3, v22  }
0x31: {  	v19 =	vimm.s32 $0x0;
	vm4 =	vmneg vm7;
	vm8 =	vgt.f32 v7, v3  }
0x32: {  	[tilespmem:$0x1FD90] =	vst v10;
	v10 =	vsel vm9, $0xFFFFFFFF, v19;
	vm9 =	vmand vm4, vm8  }
0x33: {  	v4 =	vor.u32 $0xA, v5;
	v6 =	vld.idx.msk [tilespmem:v6+s1+$0x0], $0xffff;
	v3 =	vsel vm9, v7, v3;
	v7 =	vsel vm4, v24, v7  }
0x34: {  	v3 =	vsel vm4, v3, v24;
	vm11 =	vgt.f32 v8, v7  }
0x35: {  	vm11 =	vmneg vm11;
	vm12 =	vgt.f32 v8, v3  }
0x36: {  	v23 =	vimm.s32 $0x0;
	vm5 =	vmand vm11, vm12  }
0x37: {  	v26 =	vor.u32 $0xB, v5;
	v28 =	vsel vm11, v7, v8;
	v3 =	vsel vm5, v8, v3  }
0x38: {  	[tilespmem:$0x1FDB0] =	vst v10;
	v10 =	vsel vm6, $0xFFFFFFFF, v23;
	v4 =	vld.idx.msk [tilespmem:v4+s1+$0x0], $0xffff;
	vm6 =	vgt.f32 v6, v28;
	v3 =	vsel vm11, v3, v7  }
0x39: {  	v25 =	vimm.s32 $0x0;
	vm8 =	vmneg vm6;
	vm7 =	vgt.f32 v6, v3  }
0x3a: {  	[tilespmem:$0x1FDC0] =	vst v9;
	v9 =	vsel vm9, $0xFFFFFFFF, v25;
	v8 =	vimm.s32 $0x0;
	vm9 =	vmand vm8, vm7  }
0x3b: {  	v7 =	vor.u32 $0xC, v5;
	v8 =	vsel vm9, $0xFFFFFFFF, v8  }
0x3c: {  	v29 =	vsel vm8, v28, v6;
	v3 =	vsel vm9, v6, v3;
	[tilespmem:$0x1FE00] =	vst v8;
	v8 =	vld.idx.msk [tilespmem:v26+s1+$0x0], $0xffff  }
0x3d: {  	v27 =	vimm.s32 $0x0;
	vm12 =	vgt.f32 v4, v29;
	v3 =	vsel vm8, v3, v28  }
0x3e: {  	[tilespmem:$0x1FDD0] =	vst v10;
	v10 =	vsel vm5, $0xFFFFFFFF, v27;
	vm9 =	vmneg vm12;
	vm5 =	vgt.f32 v4, v3  }
0x3f: {  	v6 =	vor.u32 $0xD, v5;
	vm6 =	vmand vm9, vm5  }
0x40: {  	v31 =	vsel vm9, v29, v4;
	v7 =	vld.idx.msk [tilespmem:v7+s1+$0x0], $0xffff;
	v3 =	vsel vm6, v4, v3  }
0x41: {  	v3 =	vsel vm9, v3, v29;
	vm7 =	vgt.f32 v8, v31  }
0x42: {  	vm12 =	vgt.f32 v8, v3;
	vm7 =	vmneg vm7  }
0x43: {  	v30 =	vimm.s32 $0x0;
	vm5 =	vmand vm7, vm12  }
0x44: {  	v4 =	vor.u32 $0xE, v5;
	v6 =	vld.idx.msk [tilespmem:v6+s1+$0x0], $0xffff;
	v3 =	vsel vm5, v8, v3;
	v8 =	vsel vm7, v31, v8  }
0x45: {  	[tilespmem:$0x1FDF0] =	vst v10;
	v10 =	vsel vm6, $0xFFFFFFFF, v30;
	v3 =	vsel vm7, v3, v31;
	vm6 =	vgt.f32 v7, v8  }
0x46: {  	v32 =	vimm.s32 $0x0;
	vm6 =	vmneg vm6;
	vm12 =	vgt.f32 v7, v3  }
0x47: {  	v34 =	vimm.s32 $0x0;
	[tilespmem:$0x1FDE0] =	vst v9;
	v9 =	vsel vm5, $0xFFFFFFFF, v32;
	vm5 =	vmand vm6, vm12  }
0x48: {  	v33 =	vor.u32 $0xF, v5;
	v35 =	vsel vm6, v8, v7;
	v3 =	vsel vm5, v7, v3  }
0x49: {  	[tilespmem:$0x1FE10] =	vst v10;
	v4 =	vld.idx.msk [tilespmem:v4+s1+$0x0], $0xffff;
	v10 =	vsel vm5, $0xFFFFFFFF, v34;
	vm12 =	vgt.f32 v6, v35;
	v3 =	vsel vm6, v3, v8  }
0x4a: {  	v7 =	vimm.s32 $0x0;
	vm3 =	vmneg vm12;
	vm5 =	vgt.f32 v6, v3  }
0x4b: {  	v8 =	vimm.s32 $0x0;
	v7 =	vsel vm3, $0xFFFFFFFF, v7;
	vm12 =	vmand vm3, vm5  }
0x4c: {  	[tilespmem:$0x1FE50] =	vst v7;
	v7 =	vor.u32 $0x10, v5;
	v8 =	vsel vm12, $0xFFFFFFFF, v8  }
0x4d: {  	v3 =	vsel vm12, v6, v3;
	v6 =	vsel vm3, v35, v6;
	[tilespmem:$0x1FE40] =	vst v8;
	v8 =	vld.idx.msk [tilespmem:v33+s1+$0x0], $0xffff  }
0x4e: {  	v3 =	vsel vm3, v3, v35;
	vm5 =	vgt.f32 v4, v6  }
0x4f: {  	vm5 =	vmneg vm5;
	vm12 =	vgt.f32 v4, v3  }
0x50: {  	v37 =	vimm.s32 $0x0;
	vm12 =	vmand vm5, vm12  }
0x51: {  	v36 =	vor.u32 $0x11, v5;
	v7 =	vld.idx.msk [tilespmem:v7+s1+$0x0], $0xffff;
	v3 =	vsel vm12, v4, v3;
	v4 =	vsel vm5, v6, v4  }
0x52: {  	[tilespmem:$0x1FE30] =	vst v10;
	v10 =	vsel vm12, $0xFFFFFFFF, v37;
	v3 =	vsel vm5, v3, v6;
	vm12 =	vgt.f32 v8, v4  }
0x53: {  	vm3 =	vmneg vm12;
	vm12 =	vgt.f32 v8, v3  }
0x54: {  	vm12 =	vmand vm3, vm12  }
0x55: {  	v38 =	vimm.s32 $0x0;
	[tilespmem:$0x1FE20] =	vst v9;
	v39 =	vsel vm3, v4, v8;
	v3 =	vsel vm12, v8, v3  }
0x56: {  	v9 =	vld.idx.msk [tilespmem:v36+s1+$0x0], $0xffff;
	[tilespmem:$0x1FE60] =	vst v10;
	v10 =	vsel vm12, $0xFFFFFFFF, v38;
	vm12 =	vgt.f32 v7, v39;
	v3 =	vsel vm3, v3, v4  }
0x57: {  	v6 =	vimm.s32 $0x0;
	vm0 =	vmneg vm12;
	vm12 =	vgt.f32 v7, v3  }
0x58: {  	v6 =	vsel vm3, $0xFFFFFFFF, v6;
	v8 =	vimm.s32 $0x0;
	vm1 =	vmand vm0, vm12  }
0x59: {  	[tilespmem:$0x1FE80] =	vst v6;
	v6 =	vor.u32 $0x12, v5;
	v8 =	vsel vm1, $0xFFFFFFFF, v8  }
0x5a: {  	v3 =	vsel vm1, v7, v3;
	[tilespmem:$0x1FE90] =	vst v8;
	v8 =	vsel vm0, v39, v7  }
0x5b: {  	v4 =	vimm.s32 $0x0;
	v3 =	vsel vm0, v3, v39;
	vm12 =	vgt.f32 v9, v8  }
0x5c: {  	v41 =	vld [tilespmem:$0x1FD70];
	v4 =	vsel vm0, $0xFFFFFFFF, v4;
	vm0 =	vgt.f32 v9, v3;
	vm1 =	vmneg vm12  }
0x5d: {  	v42 =	vld [tilespmem:$0x1FD80];
	vm0 =	vmand vm1, vm0  }
0x5e: {  	v6 =	vld.idx.msk [tilespmem:v6+s1+$0x0], $0xffff;
	v3 =	vsel vm0, v9, v3  }
0x5f: {  	v11 =	vsel vm1, v8, v9;
	v3 =	vsel vm1, v3, v8;
	v8 =	vld [tilespmem:$0x1FD90];
	_ =	sdelay $0x1  }
0x60: {  	v40 =	vimm.s32 $0x0;
	[tilespmem:$0x1FE70] =	vst v10  }
0x61: {  	[tilespmem:$0x1FEA0] =	vst v4;
	v4 =	vor.u32 $0x13, v5;
	vm12 =	vnez.u8 v41;
	v10 =	vsel vm0, $0xFFFFFFFF, v40  }
0x62: {  	v7 =	vimm.s32 $0x0;
	[tilespmem:$0x1FEB0] =	vst v10;
	v10 =	vsel vm12, $0x1, v1;
	vm12 =	vnez.u8 v42  }
0x63: {  	vm0 =	vgt.f32 v6, v11;
	v9 =	vsel vm12, $0x1, v1;
	vm12 =	vnez.u8 v8  }
0x64: {  	vm0 =	vmneg vm0;
	v8 =	vsel vm12, $0x2, v9;
	vm12 =	vgt.f32 v6, v3  }
0x65: {  	v12 =	vimm.s32 $0x0;
	v7 =	vsel vm1, $0xFFFFFFFF, v7;
	vm1 =	vmand vm0, vm12  }
0x66: {  	v4 =	vld.idx.msk [tilespmem:v4+s1+$0x0], $0xffff;
	[tilespmem:$0x1FEC0] =	vst v7;
	v12 =	vsel vm1, $0xFFFFFFFF, v12  }
0x67: {  	v7 =	vor.u32 $0x14, v5;
	v3 =	vsel vm1, v6, v3;
	[tilespmem:$0x1FED0] =	vst v12;
	v12 =	vsel vm0, v11, v6;
	v6 =	vld [tilespmem:$0x1FDA0];
	_ =	sdelay $0x2  }
0x68: {  	v43 =	vimm.s32 $0x0;
	v46 =	vimm.s32 $0x0;
	v47 =	vld [tilespmem:$0x1FDB0]  }
0x69: {  	v44 =	vor.u32 $0x15, v5;
	v8 =	vsel vm10, v8, v10;
	v10 =	vnsel vm10, $0x2, v10  }
0x6a: {  	v7 =	vld.idx.msk [tilespmem:v7+s1+$0x0], $0xffff;
	v3 =	vsel vm0, v3, v11;
	vm10 =	vgt.f32 v4, v12;
	vm12 =	vnez.u8 v6  }
0x6b: {  	vm10 =	vmneg vm10;
	v6 =	vsel vm12, $0x3, v8;
	vm12 =	vgt.f32 v4, v3  }
0x6c: {  	v9 =	vsel vm0, $0xFFFFFFFF, v43;
	v8 =	vnsel vm2, $0x3, v10;
	vm0 =	vmand vm10, vm12  }
0x6d: {  	v6 =	vsel vm2, v6, v10;
	vm12 =	vnez.u8 v47;
	v11 =	vsel vm0, $0xFFFFFFFF, v46  }
0x6e: {  	v6 =	vsel vm12, $0x4, v6;
	v3 =	vsel vm0, v4, v3;
	v4 =	vsel vm10, v12, v4  }
0x6f: {  	v6 =	vsel vm15, v6, v8;
	v3 =	vsel vm10, v3, v12;
	vm12 =	vgt.f32 v7, v4  }
0x70: {  	v8 =	vnsel vm15, $0x4, v8;
	vm15 =	vmneg vm12;
	vm0 =	vgt.f32 v7, v3  }
0x71: {  	v48 =	vld [tilespmem:$0x1FDC0];
	vm0 =	vmand vm15, vm0  }
0x72: {  	v3 =	vsel vm0, v7, v3  }
0x73: {  	v7 =	vsel vm15, v4, v7;
	v3 =	vsel vm15, v3, v4;
	v4 =	vld [tilespmem:$0x1FDD0]  }
0x74: {  	v45 =	vor.u32 $0x16, v5  }
0x75: {  	[tilespmem:$0x1FEE0] =	vst v9;
	v9 =	vld.idx.msk [tilespmem:v44+s1+$0x0], $0xffff  }
0x76: {  	vm12 =	vnez.u8 v48  }
0x77: {  	v12 =	vimm.s32 $0x0;
	v6 =	vsel vm12, $0x5, v6  }
0x78: {  	v12 =	vsel vm0, $0xFFFFFFFF, v12;
	v6 =	vsel vm13, v6, v8;
	vm12 =	vnez.u8 v4  }
0x79: {  	v10 =	vld.idx.msk [tilespmem:v45+s1+$0x0], $0xffff;
	[tilespmem:$0x1FF00] =	vst v12;
	v12 =	vnsel vm13, $0x5, v8;
	v4 =	vsel vm12, $0x6, v6  }
0x7a: {  	vm13 =	vgt.f32 v9, v7;
	v8 =	vnsel vm14, $0x6, v12;
	v4 =	vsel vm14, v4, v12;
	v12 =	vld [tilespmem:$0x1FDE0]  }
0x7b: {  	vm12 =	vmneg vm13;
	vm13 =	vgt.f32 v9, v3  }
0x7c: {  	vm13 =	vmand vm12, vm13  }
0x7d: {  	v13 =	vimm.s32 $0x0;
	v49 =	vor.u32 $0x17, v5;
	v3 =	vsel vm13, v9, v3  }
0x7e: {  	v13 =	vsel vm13, $0xFFFFFFFF, v13;
	v9 =	vsel vm12, v7, v9;
	v3 =	vsel vm12, v3, v7  }
0x7f: {  	vm13 =	vgt.f32 v10, v9;
	v7 =	vnsel vm4, $0x7, v8;
	vm14 =	vnez.u8 v12  }
0x80: {  	vm13 =	vmneg vm13;
	v4 =	vsel vm14, $0x7, v4;
	vm14 =	vgt.f32 v10, v3  }
0x81: {  	v12 =	vimm.s32 $0x0;
	v4 =	vsel vm4, v4, v8;
	vm4 =	vmand vm13, vm14  }
0x82: {  	v12 =	vsel vm4, $0xFFFFFFFF, v12  }
0x83: {  	[tilespmem:$0x1FF20] =	vst v12;
	v12 =	vld [tilespmem:$0x1FDF0];
	_ =	sdelay $0x1  }
0x84: {  	[tilespmem:$0x1FEF0] =	vst v11;
	v11 =	vld.idx.msk [tilespmem:v49+s1+$0x0], $0xffff  }
0x85: {  	v50 =	vld [tilespmem:$0x1FE00]  }
0x86: {  	v6 =	vor.u32 $0x18, v5  }
0x87: {  	vm14 =	vnez.u8 v12  }
0x88: {  	v12 =	vsel vm13, v9, v10;
	v4 =	vsel vm14, $0x8, v4  }
0x89: {  	v3 =	vsel vm4, v10, v3;
	vm4 =	vgt.f32 v11, v12;
	v4 =	vsel vm11, v4, v7  }
0x8a: {  	v7 =	vnsel vm11, $0x8, v7;
	vm11 =	vmneg vm4;
	vm4 =	vnez.u8 v50  }
0x8b: {  	v6 =	vld.idx.msk [tilespmem:v6+s1+$0x0], $0xffff;
	v4 =	vsel vm4, $0x9, v4  }
0x8c: {  	v53 =	vnsel vm8, $0x9, v7;
	v4 =	vsel vm8, v4, v7;
	v7 =	vld [tilespmem:$0x1FE10]  }
0x8d: {  	v3 =	vsel vm13, v3, v9  }
0x8e: {  	vm14 =	vgt.f32 v11, v3  }
0x8f: {  	v52 =	vimm.s32 $0x0;
	v8 =	vor.u32 $0x19, v5;
	vm14 =	vmand vm11, vm14  }
0x90: {  	v10 =	vsel vm14, $0xFFFFFFFF, v52;
	v3 =	vsel vm14, v11, v3;
	v11 =	vsel vm11, v12, v11  }
0x91: {  	v3 =	vsel vm11, v3, v12;
	vm4 =	vgt.f32 v6, v11;
	vm8 =	vnez.u8 v7  }
0x92: {  	vm14 =	vgt.f32 v6, v3;
	v4 =	vsel vm8, $0xA, v4;
	vm8 =	vmneg vm4  }
0x93: {  	v12 =	vimm.s32 $0x0;
	vm4 =	vmand vm8, vm14  }
0x94: {  	v8 =	vld.idx.msk [tilespmem:v8+s1+$0x0], $0xffff;
	v12 =	vsel vm4, $0xFFFFFFFF, v12  }
0x95: {  	[tilespmem:$0x1FF40] =	vst v12;
	v12 =	vld [tilespmem:$0x1FE20];
	_ =	sdelay $0x2  }
0x96: {  	[tilespmem:$0x1FF30] =	vst v10;
	v10 =	vnsel vm9, $0xA, v53  }
0x97: {  	v4 =	vsel vm9, v4, v53;
	v3 =	vsel vm4, v6, v3;
	v6 =	vsel vm8, v11, v6  }
0x98: {  	v3 =	vsel vm8, v3, v11;
	vm14 =	vgt.f32 v8, v6;
	vm9 =	vnez.u8 v12  }
0x99: {  	vm4 =	vgt.f32 v8, v3;
	v4 =	vsel vm9, $0xB, v4;
	vm9 =	vmneg vm14  }
0x9a: {  	v51 =	vor.u32 $0x1A, v5;
	v12 =	vimm.s32 $0x0;
	vm2 =	vmand vm9, vm4  }
0x9b: {  	v12 =	vsel vm2, $0xFFFFFFFF, v12  }
0x9c: {  	[tilespmem:$0x1FF50] =	vst v12;
	v12 =	vld [tilespmem:$0x1FE30];
	_ =	sdelay $0x2  }
0x9d: {  	v9 =	vld.idx.msk [tilespmem:v51+s1+$0x0], $0xffff;
	_ =	sdelay $0x1  }
0x9e: {  	v3 =	vsel vm2, v8, v3;
	vm14 =	vnez.u8 v12;
	v12 =	vsel vm9, v6, v8;
	v8 =	vld [tilespmem:$0x1FE40];
	_ =	sdelay $0x1  }
0x9f: {  	v56 =	vld [tilespmem:$0x1FE50];
	v7 =	vor.u32 $0x1B, v5;
	v4 =	vsel vm7, v4, v10;
	v3 =	vsel vm9, v3, v6  }
0xa0: {  	v58 =	vld [tilespmem:$0x1FE60];
	v10 =	vnsel vm7, $0xB, v10;
	vm7 =	vgt.f32 v9, v3;
	v4 =	vsel vm14, $0xC, v4  }
0xa1: {  	v6 =	vnsel vm6, $0xC, v10;
	vm4 =	vgt.f32 v9, v12;
	v4 =	vsel vm6, v4, v10  }
0xa2: {  	vm6 =	vmneg vm4;
	vm14 =	vnez.u8 v8;
	v8 =	vor.u32 $0x1D, v5  }
0xa3: {  	v55 =	vimm.s32 $0x0;
	v54 =	vor.u32 $0x1C, v5;
	vm4 =	vmand vm6, vm7  }
0xa4: {  	vm7 =	vnez.u8 v56;
	v10 =	vsel vm4, $0xFFFFFFFF, v55;
	v4 =	vsel vm14, $0xD, v4  }
0xa5: {  	v3 =	vsel vm4, v9, v3;
	vm4 =	vnez.u8 v58;
	v4 =	vsel vm7, v4, v6  }
0xa6: {  	v7 =	vld.idx.msk [tilespmem:v7+s1+$0x0], $0xffff;
	v57 =	vsel vm6, v12, v9;
	v6 =	vnsel vm7, $0xD, v6;
	v4 =	vsel vm4, $0xE, v4  }
0xa7: {  	v3 =	vsel vm6, v3, v12;
	v12 =	vnsel vm5, $0xE, v6;
	v4 =	vsel vm5, v4, v6;
	v6 =	vld.idx.msk [tilespmem:v8+s1+$0x0], $0xffff  }
0xa8: {  	v8 =	vld [tilespmem:$0x1FE70];
	_ =	sdelay $0x2  }
0xa9: {  	v11 =	vld.idx.msk [tilespmem:v54+s1+$0x0], $0xffff  }
0xaa: {  	vm14 =	vgt.f32 v7, v57  }
0xab: {  	vm7 =	vgt.f32 v7, v3;
	vm4 =	vmneg vm14;
	vm5 =	vnez.u8 v8;
	v8 =	vld [tilespmem:$0x1FE80]  }
0xac: {  	vm14 =	vmand vm4, vm7  }
0xad: {  	v3 =	vsel vm14, v7, v3;
	v7 =	vsel vm4, v57, v7  }
0xae: {  	[tilespmem:$0x1FF10] =	vst v13;
	v13 =	vimm.s32 $0x0;
	v3 =	vsel vm4, v3, v57;
	vm7 =	vgt.f32 v11, v7  }
0xaf: {  	v4 =	vsel vm5, $0xF, v4;
	vm5 =	vmneg vm7;
	vm7 =	vgt.f32 v11, v3  }
0xb0: {  	v13 =	vsel vm14, $0xFFFFFFFF, v13;
	vm2 =	vmand vm5, vm7;
	vm14 =	vnez.u8 v8  }
0xb1: {  	v4 =	vsel vm14, v4, v12;
	v8 =	vnsel vm14, $0xF, v12;
	v12 =	vimm.s32 $0x0  }
0xb2: {  	v12 =	vsel vm2, $0xFFFFFFFF, v12  }
0xb3: {  	[tilespmem:$0x1FF80] =	vst v12;
	v12 =	vld [tilespmem:$0x1FE90];
	_ =	sdelay $0x4  }
0xb4: {  	vm14 =	vnez.u8 v12;
	v12 =	vld [tilespmem:$0x1FEA0];
	_ =	sdelay $0x3  }
0xb5: {  	v59 =	vor.u32 $0x1E, v5;
	v3 =	vsel vm2, v11, v3  }
0xb6: {  	v11 =	vsel vm5, v7, v11;
	v4 =	vsel vm14, $0x10, v4;
	vm7 =	vnez.u8 v12  }
0xb7: {  	v3 =	vsel vm5, v3, v7;
	v4 =	vsel vm7, v4, v8;
	v7 =	vnsel vm7, $0x10, v8;
	v8 =	vld [tilespmem:$0x1FEB0]  }
0xb8: {  	v12 =	vld [tilespmem:$0x1FEC0];
	_ =	sdelay $0x1  }
0xb9: {  	v61 =	vld [tilespmem:$0x1FED0]  }
0xba: {  	v9 =	vld.idx.msk [tilespmem:v59+s1+$0x0], $0xffff;
	vm14 =	vgt.f32 v6, v11  }
0xbb: {  	vm2 =	vmneg vm14;
	vm7 =	vgt.f32 v6, v3;
	vm14 =	vnez.u8 v8  }
0xbc: {  	v4 =	vsel vm14, $0x11, v4;
	vm14 =	vmand vm2, vm7;
	vm7 =	vnez.u8 v12;
	v12 =	vld [tilespmem:$0x1FEE0]  }
0xbd: {  	v60 =	vor.u32 $0x1F, v5;
	v4 =	vsel vm7, v4, v7  }
0xbe: {  	v3 =	vsel vm14, v6, v3;
	v6 =	vsel vm2, v11, v6;
	v7 =	vnsel vm7, $0x11, v7  }
0xbf: {  	vm7 =	vnez.u8 v61;
	v3 =	vsel vm2, v3, v11;
	vm1 =	vgt.f32 v9, v6  }
0xc0: {  	v4 =	vsel vm7, $0x12, v4;
	vm1 =	vmneg vm1;
	vm3 =	vgt.f32 v9, v3  }
0xc1: {  	vm0 =	vmand vm1, vm3;
	vm7 =	vnez.u8 v12;
	v12 =	vimm.s32 $0x0  }
0xc2: {  	v12 =	vsel vm0, $0xFFFFFFFF, v12  }
0xc3: {  	v8 =	vor.u32 $0x20, v5;
	[tilespmem:$0x1FF90] =	vst v12;
	v12 =	vld [tilespmem:$0x1FEF0]  }
0xc4: {  	[tilespmem:$0x1FF60] =	vst v10;
	v10 =	vld.idx.msk [tilespmem:v60+s1+$0x0], $0xffff;
	_ =	sdelay $0x1  }
0xc5: {  	v63 =	vimm.s32 $0x0;
	v62 =	vor.u32 $0x21, v5;
	v18 =	vld [tilespmem:$0x1FF00]  }
0xc6: {  	v3 =	vsel vm0, v9, v3;
	v4 =	vsel vm7, v4, v7;
	v7 =	vnsel vm7, $0x12, v7  }
0xc7: {  	v8 =	vld.idx.msk [tilespmem:v8+s1+$0x0], $0xffff;
	v3 =	vsel vm1, v3, v6;
	vm3 =	vnez.u8 v12;
	v12 =	vsel vm1, v6, v9  }
0xc8: {  	vm0 =	vgt.f32 v10, v3;
	v4 =	vsel vm3, $0x13, v4;
	vm7 =	vgt.f32 v10, v12  }
0xc9: {  	v20 =	vld [tilespmem:$0x1FF10];
	v6 =	vnsel vm10, $0x13, v7;
	v4 =	vsel vm10, v4, v7;
	vm3 =	vmneg vm7  }
0xca: {  	v7 =	vor.u32 $0x22, v5;
	vm10 =	vnez.u8 v18;
	vm0 =	vmand vm3, vm0  }
0xcb: {  	v4 =	vsel vm10, $0x14, v4;
	v3 =	vsel vm0, v10, v3;
	v10 =	vsel vm3, v12, v10  }
0xcc: {  	v9 =	vsel vm0, $0xFFFFFFFF, v63;
	v3 =	vsel vm3, v3, v12;
	vm10 =	vgt.f32 v8, v10  }
0xcd: {  	v4 =	vsel vm15, v4, v6;
	vm10 =	vmneg vm10;
	vm7 =	vgt.f32 v8, v3  }
0xce: {  	v19 =	vld.idx.msk [tilespmem:v62+s1+$0x0], $0xffff;
	vm0 =	vnez.u8 v20;
	v12 =	vimm.s32 $0x0;
	vm7 =	vmand vm10, vm7  }
0xcf: {  	v6 =	vnsel vm15, $0x14, v6;
	v4 =	vsel vm0, $0x15, v4;
	v12 =	vsel vm7, $0xFFFFFFFF, v12  }
0xd0: {  	v4 =	vsel vm12, v4, v6;
	[tilespmem:$0x1FFB0] =	vst v12;
	v12 =	vnsel vm12, $0x15, v6;
	v6 =	vld [tilespmem:$0x1FF20];
	_ =	sdelay $0x1  }
0xd1: {  	v24 =	vld [tilespmem:$0x1FF30];
	v3 =	vsel vm7, v8, v3;
	v8 =	vsel vm10, v10, v8  }
0xd2: {  	v7 =	vld.idx.msk [tilespmem:v7+s1+$0x0], $0xffff;
	v3 =	vsel vm10, v3, v10;
	vm15 =	vgt.f32 v19, v8  }
0xd3: {  	v21 =	vor.u32 $0x23, v5;
	vm0 =	vmneg vm15;
	vm15 =	vgt.f32 v19, v3  }
0xd4: {  	v22 =	vimm.s32 $0x0;
	v27 =	vld [tilespmem:$0x1FF40];
	vm7 =	vmand vm0, vm15;
	vm12 =	vnez.u8 v6  }
0xd5: {  	v23 =	vnsel vm13, $0x16, v12;
	v3 =	vsel vm7, v19, v3;
	v4 =	vsel vm12, $0x16, v4  }
0xd6: {  	v3 =	vsel vm0, v3, v8;
	v4 =	vsel vm13, v4, v12;
	v12 =	vsel vm0, v8, v19  }
0xd7: {  	v6 =	vor.u32 $0x24, v5;
	vm12 =	vnez.u8 v24;
	vm13 =	vgt.f32 v7, v12  }
0xd8: {  	v11 =	vld.idx.msk [tilespmem:v21+s1+$0x0], $0xffff;
	vm15 =	vgt.f32 v7, v3;
	v4 =	vsel vm12, $0x17, v4;
	vm13 =	vmneg vm13  }
0xd9: {  	v4 =	vsel vm11, v4, v23;
	vm12 =	vmand vm13, vm15;
	vm15 =	vnez.u8 v27  }
0xda: {  	v8 =	vnsel vm11, $0x17, v23;
	v28 =	vsel vm13, v12, v7;
	v4 =	vsel vm15, $0x18, v4  }
0xdb: {  	v3 =	vsel vm12, v7, v3;
	v7 =	vnsel vm8, $0x18, v8;
	v4 =	vsel vm8, v4, v8;
	v8 =	vld [tilespmem:$0x1FF50]  }
0xdc: {  	v26 =	vimm.s32 $0x0;
	v10 =	vsel vm7, $0xFFFFFFFF, v22  }
0xdd: {  	[tilespmem:$0x1FFC0] =	vst v10;
	v6 =	vld.idx.msk [tilespmem:v6+s1+$0x0], $0xffff;
	v10 =	vsel vm12, $0xFFFFFFFF, v26;
	vm12 =	vgt.f32 v11, v28;
	v3 =	vsel vm13, v3, v12  }
0xde: {  	vm8 =	vmneg vm12;
	vm15 =	vgt.f32 v11, v3  }
0xdf: {  	v12 =	vimm.s32 $0x0;
	vm7 =	vmand vm8, vm15  }
0xe0: {  	v12 =	vsel vm7, $0xFFFFFFFF, v12;
	vm12 =	vnez.u8 v8  }
0xe1: {  	v3 =	vsel vm7, v11, v3;
	v11 =	vsel vm8, v28, v11;
	v4 =	vsel vm12, $0x19, v4  }
0xe2: {  	v3 =	vsel vm8, v3, v28;
	vm15 =	vgt.f32 v6, v11;
	v4 =	vsel vm9, v4, v7  }
0xe3: {  	v7 =	vnsel vm9, $0x19, v7;
	vm9 =	vmneg vm15;
	vm15 =	vgt.f32 v6, v3  }
0xe4: {  	v25 =	vor.u32 $0x25, v5;
	[tilespmem:$0x1FFE0] =	vst v12;
	v12 =	vimm.s32 $0x0;
	vm7 =	vmand vm9, vm15  }
0xe5: {  	[tilespmem:$0x1FF70] =	vst v13;
	v12 =	vsel vm7, $0xFFFFFFFF, v12  }
0xe6: {  	[tilespmem:$0x1FFF0] =	vst v12;
	v12 =	vld [tilespmem:$0x1FF70]  }
0xe7: {  	v29 =	vld [tilespmem:$0x1FF60];
	_ =	sdelay $0x1  }
0xe8: {  	[tilespmem:$0x1FFA0] =	vst v9;
	v9 =	vld.idx.msk [tilespmem:v25+s1+$0x0], $0xffff  }
0xe9: {  	v8 =	vor.u32 $0x26, v5  }
0xea: {  	vm11 =	vnez.u8 v12;
	v12 =	vld [tilespmem:$0x1FF80]  }
0xeb: {  	v30 =	vor.u32 $0x27, v5;
	v31 =	vor.u32 $0x28, v5;
	vm12 =	vnez.u8 v29  }
0xec: {  	v4 =	vsel vm12, $0x1A, v4;
	v3 =	vsel vm7, v6, v3;
	v6 =	vsel vm9, v11, v6  }
0xed: {  	v4 =	vsel vm6, v4, v7;
	v7 =	vnsel vm6, $0x1A, v7;
	vm12 =	vgt.f32 v9, v6  }
0xee: {  	v8 =	vld.idx.msk [tilespmem:v8+s1+$0x0], $0xffff;
	v3 =	vsel vm9, v3, v11;
	vm6 =	vmneg vm12;
	v4 =	vsel vm11, $0x1B, v4  }
0xef: {  	vm15 =	vgt.f32 v9, v3;
	v4 =	vsel vm4, v4, v7;
	vm11 =	vnez.u8 v12  }
0xf0: {  	vm15 =	vmand vm6, vm15;
	v7 =	vnsel vm4, $0x1B, v7;
	v4 =	vsel vm11, $0x1C, v4  }
0xf1: {  	v3 =	vsel vm15, v9, v3;
	v9 =	vsel vm6, v6, v9;
	v4 =	vsel vm5, v4, v7  }
0xf2: {  	[tilespmem:$0x1FFD0] =	vst v10;
	v10 =	vld.idx.msk [tilespmem:v30+s1+$0x0], $0xffff;
	v3 =	vsel vm6, v3, v6;
	v6 =	vnsel vm5, $0x1C, v7;
	v4 =	vsel vm14, $0x1D, v4  }
0xf3: {  	vm12 =	vgt.f32 v8, v9;
	v12 =	vnsel vm2, $0x1D, v6;
	v4 =	vsel vm2, v4, v6;
	v6 =	vld [tilespmem:$0x1FF90]  }
0xf4: {  	vm4 =	vmneg vm12;
	vm11 =	vgt.f32 v8, v3  }
0xf5: {  	vm14 =	vmand vm4, vm11  }
0xf6: {  	v11 =	vld.idx.msk [tilespmem:v31+s1+$0x0], $0xffff;
	v13 =	vsel vm4, v9, v8;
	v7 =	vor.u32 $0x29, v5;
	v3 =	vsel vm14, v8, v3  }
0xf7: {  	v33 =	vld [tilespmem:$0x1FFA0];
	vm12 =	vgt.f32 v10, v13;
	v3 =	vsel vm4, v3, v9  }
0xf8: {  	vm2 =	vmneg vm12;
	vm12 =	vgt.f32 v10, v3;
	vm11 =	vnez.u8 v6  }
0xf9: {  	v8 =	vnsel vm1, $0x1E, v12;
	vm12 =	vmand vm2, vm12;
	v4 =	vsel vm11, $0x1E, v4  }
0xfa: {  	v32 =	vsel vm2, v13, v10;
	v3 =	vsel vm12, v10, v3;
	v4 =	vsel vm1, v4, v12;
	v12 =	vld [tilespmem:$0x1FFB0]  }
0xfb: {  	vm7 =	vgt.f32 v11, v32;
	v7 =	vld.idx.msk [tilespmem:v7+s1+$0x0], $0xffff;
	v3 =	vsel vm2, v3, v13  }
0xfc: {  	vm5 =	vnez.u8 v33;
	vm11 =	vgt.f32 v11, v3;
	vm1 =	vmneg vm7  }
0xfd: {  	v6 =	vor.u32 $0x2A, v5;
	v4 =	vsel vm5, $0x1F, v4;
	vm11 =	vmand vm1, vm11  }
0xfe: {  	v4 =	vsel vm3, v4, v8;
	v8 =	vnsel vm3, $0x1F, v8;
	v3 =	vsel vm11, v11, v3  }
0xff: {  	v35 =	vnsel vm10, $0x20, v8;
	vm7 =	vnez.u8 v12;
	v12 =	vsel vm1, v32, v11  }
0x100: {  	v3 =	vsel vm1, v3, v32;
	v4 =	vsel vm7, $0x20, v4;
	vm7 =	vgt.f32 v7, v12  }
0x101: {  	vm5 =	vgt.f32 v7, v3;
	v4 =	vsel vm10, v4, v8;
	vm3 =	vmneg vm7;
	v8 =	vld [tilespmem:$0x1FFC0]  }
0x102: {  	v6 =	vld.idx.msk [tilespmem:v6+s1+$0x0], $0xffff;
	vm7 =	vmand vm3, vm5  }
0x103: {  	v13 =	vsel vm3, v12, v7;
	v3 =	vsel vm7, v7, v3;
	v7 =	vld [tilespmem:$0x1FFD0];
	_ =	sdelay $0x2  }
0x104: {  	v34 =	vor.u32 $0x2B, v5;
	vm10 =	vnez.u8 v8  }
0x105: {  	v36 =	vnsel vm0, $0x21, v35;
	v3 =	vsel vm3, v3, v12;
	v4 =	vsel vm10, $0x21, v4  }
0x106: {  	v4 =	vsel vm0, v4, v35;
	vm0 =	vgt.f32 v6, v13;
	vm10 =	vnez.u8 v7  }
0x107: {  	v4 =	vsel vm10, $0x22, v4;
	vm0 =	vmneg vm0;
	vm10 =	vgt.f32 v6, v3  }
0x108: {  	vm5 =	vmand vm0, vm10  }
0x109: {  	v8 =	vor.u32 $0x2C, v5;
	v38 =	vsel vm0, v13, v6;
	v3 =	vsel vm5, v6, v3;
	v6 =	vld [tilespmem:$0x1FFE0]  }
0x10a: {  	v10 =	vld.idx.msk [tilespmem:v34+s1+$0x0], $0xffff;
	_ =	sdelay $0x2  }
0x10b: {  	v7 =	vor.u32 $0x2D, v5;
	v3 =	vsel vm0, v3, v13;
	v13 =	vld [tilespmem:$0x1FFF0]  }
0x10c: {  	v37 =	vnsel vm13, $0x22, v36;
	v4 =	vsel vm13, v4, v36;
	v8 =	vld.idx.msk [tilespmem:v8+s1+$0x0], $0xffff;
	vm13 =	vnez.u8 v6  }
0x10d: {  	v39 =	vor.u32 $0x2E, v5;
	v4 =	vsel vm13, $0x23, v4;
	vm13 =	vgt.f32 v10, v38  }
0x10e: {  	v6 =	vnsel vm8, $0x23, v37;
	vm10 =	vmneg vm13;
	vm13 =	vgt.f32 v10, v3  }
0x10f: {  	v12 =	vnsel vm9, $0x24, v6;
	v4 =	vsel vm8, v4, v37;
	vm13 =	vmand vm10, vm13  }
0x110: {  	v7 =	vld.idx.msk [tilespmem:v7+s1+$0x0], $0xffff;
	vm8 =	vnez.u8 v13;
	v3 =	vsel vm13, v10, v3;
	v10 =	vsel vm10, v38, v10  }
0x111: {  	v4 =	vsel vm8, $0x24, v4;
	v3 =	vsel vm10, v3, v38;
	vm8 =	vgt.f32 v8, v10  }
0x112: {  	v4 =	vsel vm9, v4, v6;
	vm8 =	vmneg vm8;
	vm9 =	vgt.f32 v8, v3  }
0x113: {  	v40 =	vnsel vm6, $0x25, v12;
	v6 =	vor.u32 $0x2F, v5;
	vm9 =	vmand vm8, vm9  }
0x114: {  	v11 =	vld.idx.msk [tilespmem:v39+s1+$0x0], $0xffff;
	v4 =	vsel vm15, $0x25, v4;
	v3 =	vsel vm9, v8, v3;
	v8 =	vsel vm8, v10, v8  }
0x115: {  	v4 =	vsel vm6, v4, v12;
	v3 =	vsel vm8, v3, v10;
	vm15 =	vgt.f32 v7, v8  }
0x116: {  	v4 =	vsel vm14, $0x26, v4;
	vm6 =	vmneg vm15;
	vm14 =	vgt.f32 v7, v3  }
0x117: {  	v41 =	vor.u32 $0x30, v5;
	v12 =	vnsel vm4, $0x26, v40;
	vm14 =	vmand vm6, vm14  }
0x118: {  	v42 =	vnsel vm2, $0x27, v12;
	v6 =	vld.idx.msk [tilespmem:v6+s1+$0x0], $0xffff;
	v3 =	vsel vm14, v7, v3;
	v7 =	vsel vm6, v8, v7  }
0x119: {  	v4 =	vsel vm4, v4, v40;
	v3 =	vsel vm6, v3, v8;
	vm15 =	vgt.f32 v11, v7  }
0x11a: {  	v4 =	vsel vm12, $0x27, v4;
	vm4 =	vmneg vm15;
	vm12 =	vgt.f32 v11, v3  }
0x11b: {  	v4 =	vsel vm2, v4, v12;
	v8 =	vor.u32 $0x31, v5;
	vm12 =	vmand vm4, vm12  }
0x11c: {  	v10 =	vld.idx.msk [tilespmem:v41+s1+$0x0], $0xffff;
	v4 =	vsel vm11, $0x28, v4;
	v12 =	vsel vm4, v7, v11;
	v3 =	vsel vm12, v11, v3  }
0x11d: {  	v4 =	vsel vm1, v4, v42;
	vm11 =	vgt.f32 v6, v12;
	v3 =	vsel vm4, v3, v7  }
0x11e: {  	v7 =	vnsel vm1, $0x28, v42;
	vm1 =	vmneg vm11;
	vm15 =	vgt.f32 v6, v3  }
0x11f: {  	v43 =	vor.u32 $0x32, v5;
	v4 =	vsel vm7, $0x29, v4;
	vm7 =	vmand vm1, vm15  }
0x120: {  	v4 =	vsel vm3, v4, v7;
	v8 =	vld.idx.msk [tilespmem:v8+s1+$0x0], $0xffff;
	v3 =	vsel vm7, v6, v3;
	v6 =	vsel vm1, v12, v6  }
0x121: {  	v7 =	vnsel vm3, $0x29, v7;
	v3 =	vsel vm1, v3, v12;
	vm11 =	vgt.f32 v10, v6  }
0x122: {  	v4 =	vsel vm5, $0x2A, v4;
	vm2 =	vmneg vm11;
	vm15 =	vgt.f32 v10, v3  }
0x123: {  	v44 =	vor.u32 $0x33, v5;
	v4 =	vsel vm0, v4, v7;
	vm3 =	vmand vm2, vm15  }
0x124: {  	v9 =	vld.idx.msk [tilespmem:v43+s1+$0x0], $0xffff;
	v7 =	vnsel vm0, $0x2A, v7;
	v3 =	vsel vm3, v10, v3;
	v10 =	vsel vm2, v6, v10  }
0x125: {  	v4 =	vsel vm13, $0x2B, v4;
	v3 =	vsel vm2, v3, v6;
	vm5 =	vgt.f32 v8, v10  }
0x126: {  	v4 =	vsel vm10, v4, v7;
	vm0 =	vmneg vm5;
	vm11 =	vgt.f32 v8, v3  }
0x127: {  	v6 =	vnsel vm10, $0x2B, v7;
	v7 =	vor.u32 $0x34, v5;
	vm10 =	vmand vm0, vm11  }
0x128: {  	v49 =	vor.u32 $0x37, v5;
	v11 =	vld.idx.msk [tilespmem:v44+s1+$0x0], $0xffff;
	v3 =	vsel vm10, v8, v3;
	v8 =	vsel vm0, v10, v8  }
0x129: {  	v4 =	vsel vm9, $0x2C, v4;
	v3 =	vsel vm0, v3, v10;
	vm13 =	vgt.f32 v9, v8  }
0x12a: {  	v12 =	vnsel vm8, $0x2C, v6;
	vm5 =	vmneg vm13;
	vm15 =	vgt.f32 v9, v3  }
0x12b: {  	v4 =	vsel vm8, v4, v6;
	v6 =	vor.u32 $0x35, v5;
	vm8 =	vmand vm5, vm15  }
0x12c: {  	v4 =	vsel vm14, $0x2D, v4;
	v7 =	vld.idx.msk [tilespmem:v7+s1+$0x0], $0xffff;
	v13 =	vsel vm5, v8, v9;
	v3 =	vsel vm8, v9, v3  }
0x12d: {  	v45 =	vnsel vm6, $0x2D, v12;
	vm11 =	vgt.f32 v11, v13;
	v3 =	vsel vm5, v3, v8  }
0x12e: {  	v4 =	vsel vm6, v4, v12;
	vm6 =	vmneg vm11;
	vm13 =	vgt.f32 v11, v3  }
0x12f: {  	v46 =	vnsel vm4, $0x2E, v45;
	v8 =	vor.u32 $0x36, v5;
	vm9 =	vmand vm6, vm13  }
0x130: {  	v4 =	vsel vm12, $0x2E, v4;
	v6 =	vld.idx.msk [tilespmem:v6+s1+$0x0], $0xffff;
	v47 =	vsel vm6, v13, v11;
	v3 =	vsel vm9, v11, v3  }
0x131: {  	v48 =	vnsel vm1, $0x2F, v46;
	vm14 =	vgt.f32 v7, v47;
	v3 =	vsel vm6, v3, v13  }
0x132: {  	v4 =	vsel vm4, v4, v45;
	vm4 =	vmneg vm14;
	vm15 =	vgt.f32 v7, v3  }
0x133: {  	v12 =	vnsel vm2, $0x30, v48;
	v4 =	vsel vm7, $0x2F, v4;
	vm7 =	vmand vm4, vm15  }
0x134: {  	v50 =	vnsel vm0, $0x31, v12;
	v13 =	vsel vm4, v47, v7;
	v8 =	vld.idx.msk [tilespmem:v8+s1+$0x0], $0xffff;
	v3 =	vsel vm7, v7, v3  }
0x135: {  	v4 =	vsel vm1, v4, v46;
	vm11 =	vgt.f32 v6, v13;
	v3 =	vsel vm4, v3, v47  }
0x136: {  	v4 =	vsel vm3, $0x30, v4;
	vm1 =	vmneg vm11;
	vm12 =	vgt.f32 v6, v3  }
0x137: {  	v4 =	vsel vm2, v4, v48;
	v7 =	vor.u32 $0x38, v5;
	vm3 =	vmand vm1, vm12  }
0x138: {  	v9 =	vld.idx.msk [tilespmem:v49+s1+$0x0], $0xffff;
	v4 =	vsel vm10, $0x31, v4;
	v51 =	vsel vm1, v13, v6;
	v3 =	vsel vm3, v6, v3  }
0x139: {  	v4 =	vsel vm0, v4, v12;
	vm13 =	vgt.f32 v8, v51;
	v3 =	vsel vm1, v3, v13  }
0x13a: {  	v12 =	vnsel vm5, $0x32, v50;
	vm0 =	vmneg vm13;
	vm14 =	vgt.f32 v8, v3  }
0x13b: {  	v4 =	vsel vm8, $0x32, v4;
	v6 =	vor.u32 $0x39, v5;
	vm15 =	vmand vm0, vm14  }
0x13c: {  	v4 =	vsel vm5, v4, v50;
	v52 =	vsel vm0, v51, v8;
	v7 =	vld.idx.msk [tilespmem:v7+s1+$0x0], $0xffff;
	v3 =	vsel vm15, v8, v3  }
0x13d: {  	v4 =	vsel vm9, $0x33, v4;
	vm10 =	vgt.f32 v9, v52;
	v3 =	vsel vm0, v3, v51  }
0x13e: {  	v4 =	vsel vm6, v4, v12;
	vm2 =	vmneg vm10;
	vm11 =	vgt.f32 v9, v3  }
0x13f: {  	v53 =	vor.u32 $0x3A, v5;
	v4 =	vsel vm7, $0x34, v4;
	vm5 =	vmand vm2, vm11  }
0x140: {  	v8 =	vnsel vm6, $0x33, v12;
	v12 =	vsel vm2, v52, v9;
	v6 =	vld.idx.msk [tilespmem:v6+s1+$0x0], $0xffff;
	v3 =	vsel vm5, v9, v3  }
0x141: {  	v4 =	vsel vm4, v4, v8;
	vm12 =	vgt.f32 v7, v12;
	v3 =	vsel vm2, v3, v52  }
0x142: {  	v4 =	vsel vm3, $0x35, v4;
	vm3 =	vmneg vm12;
	vm13 =	vgt.f32 v7, v3  }
0x143: {  	v54 =	vor.u32 $0x3B, v5;
	v8 =	vnsel vm4, $0x34, v8;
	vm14 =	vmand vm3, vm13  }
0x144: {  	v55 =	vld.idx.msk [tilespmem:v53+s1+$0x0], $0xffff;
	v4 =	vsel vm1, v4, v8;
	v56 =	vsel vm3, v12, v7;
	v3 =	vsel vm14, v7, v3  }
0x145: {  	v4 =	vsel vm15, $0x36, v4;
	vm15 =	vgt.f32 v6, v56;
	v3 =	vsel vm3, v3, v12  }
0x146: {  	v7 =	vnsel vm1, $0x35, v8;
	vm1 =	vmneg vm15;
	vm9 =	vgt.f32 v6, v3  }
0x147: {  	v8 =	vor.u32 $0x3C, v5;
	v4 =	vsel vm0, v4, v7;
	vm6 =	vmand vm1, vm9  }
0x148: {  	v9 =	vld.idx.msk [tilespmem:v54+s1+$0x0], $0xffff;
	v7 =	vnsel vm0, $0x36, v7;
	v12 =	vsel vm1, v56, v6;
	v3 =	vsel vm6, v6, v3  }
0x149: {  	vm10 =	vgt.f32 v55, v12;
	v4 =	vsel vm5, $0x37, v4;
	v3 =	vsel vm1, v3, v56  }
0x14a: {  	vm0 =	vmneg vm10;
	v4 =	vsel vm2, v4, v7;
	vm11 =	vgt.f32 v55, v3  }
0x14b: {  	v6 =	vnsel vm2, $0x37, v7;
	v7 =	vor.u32 $0x3D, v5;
	vm12 =	vmand vm0, vm11  }
0x14c: {  	v13 =	vsel vm0, v12, v55;
	v8 =	vld.idx.msk [tilespmem:v8+s1+$0x0], $0xffff;
	v3 =	vsel vm12, v55, v3  }
0x14d: {  	v4 =	vsel vm14, $0x38, v4;
	vm13 =	vgt.f32 v9, v13;
	v3 =	vsel vm0, v3, v12  }
0x14e: {  	v57 =	vnsel vm3, $0x38, v6;
	vm14 =	vmneg vm13;
	vm15 =	vgt.f32 v9, v3  }
0x14f: {  	v4 =	vsel vm3, v4, v6;
	v6 =	vor.u32 $0x3E, v5;
	vm4 =	vmand vm14, vm15  }
0x150: {  	v4 =	vsel vm6, $0x39, v4;
	v7 =	vld.idx.msk [tilespmem:v7+s1+$0x0], $0xffff;
	v3 =	vsel vm4, v9, v3;
	v9 =	vsel vm14, v13, v9  }
0x151: {  	v58 =	vnsel vm1, $0x39, v57;
	v3 =	vsel vm14, v3, v13;
	vm7 =	vgt.f32 v8, v9  }
0x152: {  	v4 =	vsel vm1, v4, v57;
	vm1 =	vmneg vm7;
	vm8 =	vgt.f32 v8, v3  }
0x153: {  	v59 =	vor.u32 $0x3F, v5;
	v10 =	vnsel vm0, $0x3A, v58;
	vm2 =	vmand vm1, vm8  }
0x154: {  	v4 =	vsel vm12, $0x3A, v4;
	v6 =	vld.idx.msk [tilespmem:v6+s1+$0x0], $0xffff;
	v12 =	vsel vm1, v9, v8;
	v3 =	vsel vm2, v8, v3  }
0x155: {  	v4 =	vsel vm0, v4, v58;
	vm9 =	vgt.f32 v7, v12;
	v3 =	vsel vm1, v3, v9  }
0x156: {  	v4 =	vsel vm4, $0x3B, v4;
	vm0 =	vmneg vm9;
	vm10 =	vgt.f32 v7, v3  }
0x157: {  	v4 =	vsel vm14, v4, v10;
	v8 =	vnsel vm14, $0x3B, v10;
	vm11 =	vmand vm0, vm10  }
0x158: {  	v60 =	vld.idx.msk [tilespmem:v59+s1+$0x0], $0xffff;
	v4 =	vsel vm2, $0x3C, v4;
	v61 =	vsel vm0, v12, v7;
	v3 =	vsel vm11, v7, v3  }
0x159: {  	v4 =	vsel vm1, v4, v8;
	vm12 =	vgt.f32 v6, v61;
	v3 =	vsel vm0, v3, v12  }
0x15a: {  	v7 =	vnsel vm1, $0x3C, v8;
	vm1 =	vmneg vm12;
	vm13 =	vgt.f32 v6, v3  }
0x15b: {  	v4 =	vsel vm11, $0x3D, v4;
	vm2 =	vmand vm1, vm13  }
0x15c: {  	v4 =	vsel vm0, v4, v7;
	v8 =	vsel vm1, v61, v6;
	v3 =	vsel vm2, v6, v3  }
0x15d: {  	v7 =	vnsel vm0, $0x3D, v7;
	vm14 =	vgt.f32 v60, v8;
	v3 =	vsel vm1, v3, v61  }
0x15e: {  	vm0 =	vmneg vm14;
	v4 =	vsel vm2, $0x3E, v4;
	vm15 =	vgt.f32 v60, v3  }
0x15f: {  	s31 =	simm.s32 $0x10;
	v6 =	vnsel vm1, $0x3E, v7;
	v4 =	vsel vm1, v4, v7;
	vm1 =	vmand vm0, vm15  }
0x160: {  	v62 =	vsel vm0, v8, v60;
	v7 =	vmov s31;
	v9 =	vsel vm1, v60, v3  }
0x161: {  	[tilespmem:v5+s9+$0x0] =	vst.idx.msk $0xffff, v62;
	v7 =	vshll.u32 v7, $0x7;
	v63 =	vsel vm1, $0x3F, v4;
	v4 =	vsel vm0, v9, v8  }
0x162: {  	v3 =	vor.u32 v0, v7;
	v7 =	vnsel vm0, $0x3F, v6;
	[tilespmem:v2+s9+$0x0] =	vst.idx.msk $0xffff, v4  }
0x163: {  	[tilespmem:v5+s10+$0x0] =	vst.idx.msk $0xffff, v7;
	v5 =	vmov v3  }
0x164: {  	v15 =	vor.u32 $0x2, v3;
	v14 =	vor.u32 $0x3, v3;
	v13 =	vor.u32 $0x4, v3  }
0x165: {  	s15 =	simm.s32 $0x20;
	v12 =	vor.u32 $0x5, v3;
	v6 =	vsel vm0, v63, v6;
	v4 =	vor.u32 $0x1, v3  }
.LBB2_3:
0x166: {  	p0 =	sne.s32 s15, $0x70;
	v16 =	vor.u32 $0x6, v3;
	v17 =	vor.u32 $0x7, v3;
	v11 =	vor.u32 $0x8, v3;
	[tilespmem:v2+s10+$0x0] =	vst.idx.msk $0xffff, v6;
	v2 =	vmovc v4;
	s16 =	smov.u32 s15;
	s15 =	sadd.s32 $0x10, s15  }
0x167: {  	v10 =	vor.u32 $0x9, v3;
	v9 =	vor.u32 $0xA, v3;
	v8 =	vor.u32 $0xB, v3  }
0x168: {  	v7 =	vor.u32 $0xC, v3;
	v6 =	vor.u32 $0xD, v3;
	v18 =	vld.idx.msk [tilespmem:v5+s1+$0x0], $0xffff;
	v5 =	vor.u32 $0xE, v3  }
0x169: {  	v52 =	vor.u32 $0xF, v3;
	v51 =	vor.u32 $0x10, v3;
	v50 =	vor.u32 $0x11, v3  }
0x16a: {  	v49 =	vor.u32 $0x12, v3;
	v48 =	vor.u32 $0x13, v3;
	v47 =	vor.u32 $0x14, v3;
	v4 =	vld.idx.msk [tilespmem:v4+s1+$0x0], $0xffff  }
0x16b: {  	v46 =	vor.u32 $0x15, v3;
	v45 =	vor.u32 $0x16, v3;
	v44 =	vor.u32 $0x17, v3  }
0x16c: {  	v43 =	vor.u32 $0x18, v3;
	v42 =	vor.u32 $0x19, v3;
	v41 =	vor.u32 $0x1A, v3  }
0x16d: {  	v40 =	vor.u32 $0x1B, v3;
	v39 =	vor.u32 $0x1C, v3;
	v38 =	vor.u32 $0x1D, v3;
	v15 =	vld.idx.msk [tilespmem:v15+s1+$0x0], $0xffff  }
0x16e: {  	v37 =	vor.u32 $0x1E, v3;
	v36 =	vor.u32 $0x1F, v3;
	vm0 =	vgt.f32 v18, $-1.000000000e+00  }
0x16f: {  	v35 =	vor.u32 $0x20, v3;
	v34 =	vor.u32 $0x21, v3;
	v18 =	vnsel vm0, $0xBF800000, v18  }
0x170: {  	v33 =	vor.u32 $0x22, v3;
	v32 =	vor.u32 $0x23, v3;
	vm0 =	vgt.f32 v4, v18  }
0x171: {  	v31 =	vor.u32 $0x24, v3;
	vm2 =	vgt.f32 v4, $-1.000000000e+00;
	vm1 =	vmneg vm0;
	v14 =	vld.idx.msk [tilespmem:v14+s1+$0x0], $0xffff  }
0x172: {  	v30 =	vor.u32 $0x25, v3;
	vm2 =	vmand vm2, vm1;
	v19 =	vsel vm1, v18, v4  }
0x173: {  	v29 =	vor.u32 $0x26, v3;
	v4 =	vnsel vm2, $0xBF800000, v4;
	vm3 =	vgt.f32 v15, v19  }
0x174: {  	v28 =	vor.u32 $0x27, v3;
	v26 =	vor.u32 $0x28, v3;
	v4 =	vsel vm1, v4, v18  }
0x175: {  	v18 =	vsel vm0, $0x1, v1;
	vm0 =	vmneg vm3;
	vm1 =	vgt.f32 v15, v4;
	v13 =	vld.idx.msk [tilespmem:v13+s1+$0x0], $0xffff  }
0x176: {  	v20 =	vsel vm2, $0x1, v1;
	v21 =	vsel vm0, v19, v15;
	vm1 =	vmand vm0, vm1  }
0x177: {  	v4 =	vsel vm1, v15, v4;
	v15 =	vsel vm1, $0x2, v20;
	vm1 =	vgt.f32 v14, v21  }
0x178: {  	v27 =	vor.u32 $0x29, v3;
	v4 =	vsel vm0, v4, v19;
	v15 =	vsel vm0, v15, v18  }
0x179: {  	v25 =	vor.u32 $0x2A, v3;
	vm1 =	vmneg vm1;
	vm2 =	vgt.f32 v14, v4;
	v12 =	vld.idx.msk [tilespmem:v12+s1+$0x0], $0xffff  }
0x17a: {  	v18 =	vnsel vm0, $0x2, v18;
	v19 =	vsel vm1, v21, v14;
	vm0 =	vmand vm1, vm2  }
0x17b: {  	v4 =	vsel vm0, v14, v4;
	v14 =	vsel vm0, $0x3, v15;
	vm0 =	vgt.f32 v13, v19  }
0x17c: {  	v24 =	vor.u32 $0x2B, v3;
	v4 =	vsel vm1, v4, v21;
	v14 =	vsel vm1, v14, v18  }
0x17d: {  	v22 =	vor.u32 $0x2C, v3;
	vm0 =	vmneg vm0;
	vm2 =	vgt.f32 v13, v4;
	v15 =	vld.idx.msk [tilespmem:v16+s1+$0x0], $0xffff  }
0x17e: {  	v16 =	vnsel vm1, $0x3, v18;
	vm1 =	vmand vm0, vm2;
	v18 =	vsel vm0, v19, v13  }
0x17f: {  	v4 =	vsel vm1, v13, v4;
	v13 =	vsel vm1, $0x4, v14;
	vm1 =	vgt.f32 v12, v18  }
0x180: {  	v20 =	vor.u32 $0x2D, v3;
	v4 =	vsel vm0, v4, v19;
	v13 =	vsel vm0, v13, v16;
	v14 =	vld.idx.msk [tilespmem:v17+s1+$0x0], $0xffff  }
0x181: {  	v16 =	vnsel vm0, $0x4, v16;
	vm0 =	vmneg vm1;
	vm1 =	vgt.f32 v12, v4  }
0x182: {  	v17 =	vsel vm0, v18, v12;
	v19 =	vnsel vm0, $0x5, v16;
	vm1 =	vmand vm0, vm1  }
0x183: {  	v4 =	vsel vm1, v12, v4;
	v12 =	vsel vm1, $0x5, v13;
	vm1 =	vgt.f32 v15, v17  }
0x184: {  	v4 =	vsel vm0, v4, v18;
	v12 =	vsel vm0, v12, v16;
	vm0 =	vmneg vm1  }
0x185: {  	vm1 =	vgt.f32 v15, v4;
	v13 =	vsel vm0, v17, v15;
	v53 =	vnsel vm0, $0x6, v19  }
0x186: {  	v23 =	vor.u32 $0x2E, v3;
	vm1 =	vmand vm0, vm1;
	vm2 =	vgt.f32 v14, v13;
	v11 =	vld.idx.msk [tilespmem:v11+s1+$0x0], $0xffff  }
0x187: {  	v21 =	vor.u32 $0x2F, v3;
	v4 =	vsel vm1, v15, v4;
	v12 =	vsel vm1, $0x6, v12  }
0x188: {  	v4 =	vsel vm0, v4, v17;
	v12 =	vsel vm0, v12, v19;
	v19 =	vor.u32 $0x30, v3  }
0x189: {  	v18 =	vor.u32 $0x31, v3;
	vm0 =	vmneg vm2;
	vm1 =	vgt.f32 v14, v4;
	v10 =	vld.idx.msk [tilespmem:v10+s1+$0x0], $0xffff  }
0x18a: {  	v16 =	vor.u32 $0x32, v3;
	v54 =	vnsel vm0, $0x7, v53;
	vm1 =	vmand vm0, vm1  }
0x18b: {  	v4 =	vsel vm1, v14, v4;
	v12 =	vsel vm1, $0x7, v12;
	v14 =	vsel vm0, v13, v14  }
0x18c: {  	v4 =	vsel vm0, v4, v13;
	v12 =	vsel vm0, v12, v53;
	vm0 =	vgt.f32 v11, v14  }
0x18d: {  	v17 =	vor.u32 $0x33, v3;
	vm0 =	vmneg vm0;
	vm1 =	vgt.f32 v11, v4;
	v9 =	vld.idx.msk [tilespmem:v9+s1+$0x0], $0xffff  }
0x18e: {  	v15 =	vor.u32 $0x34, v3;
	vm1 =	vmand vm0, vm1;
	v53 =	vsel vm0, v14, v11  }
0x18f: {  	v4 =	vsel vm1, v11, v4;
	v11 =	vsel vm1, $0x8, v12;
	vm1 =	vgt.f32 v10, v53  }
0x190: {  	v4 =	vsel vm0, v4, v14;
	v11 =	vsel vm0, v11, v54;
	v14 =	vor.u32 $0x35, v3  }
0x191: {  	v13 =	vor.u32 $0x36, v3;
	vm1 =	vmneg vm1;
	vm2 =	vgt.f32 v10, v4;
	v55 =	vld.idx.msk [tilespmem:v8+s1+$0x0], $0xffff  }
0x192: {  	v12 =	vor.u32 $0x37, v3;
	vm2 =	vmand vm1, vm2;
	v8 =	vsel vm1, v53, v10  }
0x193: {  	v54 =	vnsel vm0, $0x8, v54;
	v4 =	vsel vm2, v10, v4;
	vm0 =	vgt.f32 v9, v8  }
0x194: {  	v10 =	vor.u32 $0x38, v3;
	v4 =	vsel vm1, v4, v53;
	v53 =	vnsel vm1, $0x9, v54  }
0x195: {  	v11 =	vsel vm2, $0x9, v11;
	vm0 =	vmneg vm0;
	vm2 =	vgt.f32 v9, v4  }
0x196: {  	v11 =	vsel vm1, v11, v54;
	v54 =	vsel vm0, v8, v9;
	vm1 =	vmand vm0, vm2;
	v56 =	vld.idx.msk [tilespmem:v7+s1+$0x0], $0xffff  }
0x197: {  	v4 =	vsel vm1, v9, v4;
	v7 =	vsel vm1, $0xA, v11;
	vm1 =	vgt.f32 v55, v54  }
0x198: {  	v11 =	vor.u32 $0x39, v3;
	v4 =	vsel vm0, v4, v8;
	v7 =	vsel vm0, v7, v53  }
0x199: {  	v9 =	vor.u32 $0x3A, v3;
	vm1 =	vmneg vm1;
	vm2 =	vgt.f32 v55, v4;
	v57 =	vld.idx.msk [tilespmem:v6+s1+$0x0], $0xffff  }
0x19a: {  	v8 =	vor.u32 $0x3B, v3;
	v6 =	vnsel vm0, $0xA, v53;
	vm0 =	vmand vm1, vm2  }
0x19b: {  	v53 =	vsel vm1, v54, v55;
	v4 =	vsel vm0, v55, v4;
	v7 =	vsel vm0, $0xB, v7  }
0x19c: {  	v4 =	vsel vm1, v4, v54;
	v54 =	vsel vm1, v7, v6;
	vm0 =	vgt.f32 v56, v53  }
0x19d: {  	v55 =	vnsel vm1, $0xB, v6;
	vm0 =	vmneg vm0;
	vm1 =	vgt.f32 v56, v4  }
0x19e: {  	v7 =	vor.u32 $0x3C, v3;
	vm1 =	vmand vm0, vm1;
	v58 =	vsel vm0, v53, v56;
	v59 =	vld.idx.msk [tilespmem:v5+s1+$0x0], $0xffff  }
0x19f: {  	v4 =	vsel vm1, v56, v4;
	v5 =	vsel vm1, $0xC, v54;
	vm1 =	vgt.f32 v57, v58  }
0x1a0: {  	v6 =	vor.u32 $0x3D, v3;
	v53 =	vsel vm0, v4, v53;
	v54 =	vsel vm0, v5, v55  }
0x1a1: {  	vm1 =	vmneg vm1;
	v5 =	vor.u32 $0x3E, v3;
	vm2 =	vgt.f32 v57, v53  }
0x1a2: {  	v55 =	vnsel vm0, $0xC, v55;
	v4 =	vor.u32 $0x3F, v3;
	vm0 =	vmand vm1, vm2;
	v52 =	vld.idx.msk [tilespmem:v52+s1+$0x0], $0xffff  }
0x1a3: {  	v56 =	vsel vm1, v58, v57;
	v53 =	vsel vm0, v57, v53;
	v54 =	vsel vm0, $0xD, v54  }
0x1a4: {  	v53 =	vsel vm1, v53, v58;
	v54 =	vsel vm1, v54, v55;
	vm0 =	vgt.f32 v59, v56  }
0x1a5: {  	v55 =	vnsel vm1, $0xD, v55;
	vm0 =	vmneg vm0;
	vm1 =	vgt.f32 v59, v53;
	v51 =	vld.idx.msk [tilespmem:v51+s1+$0x0], $0xffff  }
0x1a6: {  	vm1 =	vmand vm0, vm1;
	v57 =	vnsel vm0, $0xE, v55  }
0x1a7: {  	v58 =	vsel vm0, v56, v59;
	v53 =	vsel vm1, v59, v53;
	v54 =	vsel vm1, $0xE, v54  }
0x1a8: {  	v53 =	vsel vm0, v53, v56;
	v54 =	vsel vm0, v54, v55;
	vm0 =	vgt.f32 v52, v58  }
0x1a9: {  	vm0 =	vmneg vm0;
	vm1 =	vgt.f32 v52, v53;
	v50 =	vld.idx.msk [tilespmem:v50+s1+$0x0], $0xffff  }
0x1aa: {  	vm1 =	vmand vm0, vm1;
	v55 =	vsel vm0, v58, v52  }
0x1ab: {  	v52 =	vsel vm1, v52, v53;
	v53 =	vsel vm1, $0xF, v54;
	vm1 =	vgt.f32 v51, v55  }
0x1ac: {  	v52 =	vsel vm0, v52, v58;
	v53 =	vsel vm0, v53, v57;
	v49 =	vld.idx.msk [tilespmem:v49+s1+$0x0], $0xffff  }
0x1ad: {  	vm1 =	vmneg vm1;
	vm2 =	vgt.f32 v51, v52  }
0x1ae: {  	v54 =	vnsel vm0, $0xF, v57;
	v56 =	vsel vm1, v55, v51;
	vm0 =	vmand vm1, vm2  }
0x1af: {  	v51 =	vsel vm0, v51, v52;
	v52 =	vsel vm0, $0x10, v53;
	vm0 =	vgt.f32 v50, v56  }
0x1b0: {  	v51 =	vsel vm1, v51, v55;
	v52 =	vsel vm1, v52, v54;
	vm0 =	vmneg vm0  }
0x1b1: {  	vm2 =	vgt.f32 v50, v51;
	v53 =	vsel vm0, v56, v50;
	v48 =	vld.idx.msk [tilespmem:v48+s1+$0x0], $0xffff  }
0x1b2: {  	vm2 =	vmand vm0, vm2;
	vm3 =	vgt.f32 v49, v53  }
0x1b3: {  	v54 =	vnsel vm1, $0x10, v54;
	v50 =	vsel vm2, v50, v51;
	v51 =	vsel vm2, $0x11, v52  }
0x1b4: {  	v50 =	vsel vm0, v50, v56;
	v51 =	vsel vm0, v51, v54  }
0x1b5: {  	vm1 =	vmneg vm3;
	vm2 =	vgt.f32 v49, v50  }
0x1b6: {  	v52 =	vnsel vm0, $0x11, v54;
	v54 =	vsel vm1, v53, v49;
	vm0 =	vmand vm1, vm2;
	v47 =	vld.idx.msk [tilespmem:v47+s1+$0x0], $0xffff  }
0x1b7: {  	v49 =	vsel vm0, v49, v50;
	v50 =	vsel vm0, $0x12, v51;
	vm0 =	vgt.f32 v48, v54  }
0x1b8: {  	v49 =	vsel vm1, v49, v53;
	v50 =	vsel vm1, v50, v52  }
0x1b9: {  	vm0 =	vmneg vm0;
	vm2 =	vgt.f32 v48, v49  }
0x1ba: {  	vm2 =	vmand vm0, vm2;
	v46 =	vld.idx.msk [tilespmem:v46+s1+$0x0], $0xffff  }
0x1bb: {  	v49 =	vsel vm2, v48, v49;
	v50 =	vsel vm2, $0x13, v50;
	v48 =	vsel vm0, v54, v48  }
0x1bc: {  	v49 =	vsel vm0, v49, v54;
	vm2 =	vgt.f32 v47, v48  }
0x1bd: {  	v51 =	vnsel vm1, $0x12, v52;
	vm1 =	vmneg vm2;
	vm2 =	vgt.f32 v47, v49  }
0x1be: {  	v50 =	vsel vm0, v50, v51;
	v51 =	vnsel vm0, $0x13, v51;
	vm0 =	vmand vm1, vm2;
	v45 =	vld.idx.msk [tilespmem:v45+s1+$0x0], $0xffff  }
0x1bf: {  	v49 =	vsel vm0, v47, v49;
	v50 =	vsel vm0, $0x14, v50;
	v47 =	vsel vm1, v48, v47  }
0x1c0: {  	v48 =	vsel vm1, v49, v48;
	v49 =	vsel vm1, v50, v51;
	vm0 =	vgt.f32 v46, v47  }
0x1c1: {  	vm0 =	vmneg vm0;
	vm2 =	vgt.f32 v46, v48;
	v44 =	vld.idx.msk [tilespmem:v44+s1+$0x0], $0xffff  }
0x1c2: {  	vm2 =	vmand vm0, vm2  }
0x1c3: {  	v50 =	vnsel vm1, $0x14, v51;
	v48 =	vsel vm2, v46, v48;
	v46 =	vsel vm0, v47, v46  }
0x1c4: {  	v47 =	vsel vm0, v48, v47;
	v48 =	vsel vm2, $0x15, v49;
	vm1 =	vgt.f32 v45, v46  }
0x1c5: {  	v49 =	vnsel vm0, $0x15, v50;
	vm1 =	vmneg vm1;
	vm2 =	vgt.f32 v45, v47  }
0x1c6: {  	v48 =	vsel vm0, v48, v50;
	vm0 =	vmand vm1, vm2;
	v50 =	vsel vm1, v46, v45;
	v43 =	vld.idx.msk [tilespmem:v43+s1+$0x0], $0xffff  }
0x1c7: {  	v45 =	vsel vm0, v45, v47;
	v47 =	vsel vm0, $0x16, v48;
	vm0 =	vgt.f32 v44, v50  }
0x1c8: {  	v45 =	vsel vm1, v45, v46;
	v46 =	vsel vm1, v47, v49  }
0x1c9: {  	vm0 =	vmneg vm0;
	vm2 =	vgt.f32 v44, v45  }
0x1ca: {  	v47 =	vnsel vm1, $0x16, v49;
	vm1 =	vmand vm0, vm2;
	v42 =	vld.idx.msk [tilespmem:v42+s1+$0x0], $0xffff  }
0x1cb: {  	v45 =	vsel vm1, v44, v45;
	v46 =	vsel vm1, $0x17, v46;
	v44 =	vsel vm0, v50, v44  }
0x1cc: {  	v45 =	vsel vm0, v45, v50;
	v46 =	vsel vm0, v46, v47;
	vm1 =	vgt.f32 v43, v44  }
0x1cd: {  	vm1 =	vmneg vm1;
	vm2 =	vgt.f32 v43, v45;
	v41 =	vld.idx.msk [tilespmem:v41+s1+$0x0], $0xffff  }
0x1ce: {  	v47 =	vnsel vm0, $0x17, v47;
	vm0 =	vmand vm1, vm2  }
0x1cf: {  	v45 =	vsel vm0, v43, v45;
	v46 =	vsel vm0, $0x18, v46;
	v43 =	vsel vm1, v44, v43  }
0x1d0: {  	v44 =	vsel vm1, v45, v44;
	v45 =	vsel vm1, v46, v47;
	vm0 =	vgt.f32 v42, v43  }
0x1d1: {  	v46 =	vnsel vm1, $0x18, v47;
	vm0 =	vmneg vm0;
	vm1 =	vgt.f32 v42, v44;
	v40 =	vld.idx.msk [tilespmem:v40+s1+$0x0], $0xffff  }
0x1d2: {  	vm1 =	vmand vm0, vm1;
	v47 =	vsel vm0, v43, v42  }
0x1d3: {  	v42 =	vsel vm1, v42, v44;
	v44 =	vsel vm1, $0x19, v45;
	vm1 =	vgt.f32 v41, v47  }
0x1d4: {  	v42 =	vsel vm0, v42, v43;
	v43 =	vsel vm0, v44, v46  }
0x1d5: {  	vm1 =	vmneg vm1;
	vm2 =	vgt.f32 v41, v42  }
0x1d6: {  	v44 =	vnsel vm0, $0x19, v46;
	v45 =	vsel vm1, v47, v41;
	vm0 =	vmand vm1, vm2;
	v39 =	vld.idx.msk [tilespmem:v39+s1+$0x0], $0xffff  }
0x1d7: {  	v41 =	vsel vm0, v41, v42;
	v42 =	vsel vm0, $0x1A, v43;
	vm0 =	vgt.f32 v40, v45  }
0x1d8: {  	v41 =	vsel vm1, v41, v47;
	v42 =	vsel vm1, v42, v44  }
0x1d9: {  	vm0 =	vmneg vm0;
	vm2 =	vgt.f32 v40, v41  }
0x1da: {  	v43 =	vnsel vm1, $0x1A, v44;
	vm1 =	vmand vm0, vm2;
	v38 =	vld.idx.msk [tilespmem:v38+s1+$0x0], $0xffff  }
0x1db: {  	v41 =	vsel vm1, v40, v41;
	v42 =	vsel vm1, $0x1B, v42;
	v40 =	vsel vm0, v45, v40  }
0x1dc: {  	v41 =	vsel vm0, v41, v45;
	v42 =	vsel vm0, v42, v43;
	vm1 =	vgt.f32 v39, v40  }
0x1dd: {  	v43 =	vnsel vm0, $0x1B, v43;
	vm0 =	vmneg vm1;
	vm1 =	vgt.f32 v39, v41  }
0x1de: {  	vm1 =	vmand vm0, vm1;
	v37 =	vld.idx.msk [tilespmem:v37+s1+$0x0], $0xffff  }
0x1df: {  	v41 =	vsel vm1, v39, v41;
	v42 =	vsel vm1, $0x1C, v42;
	v39 =	vsel vm0, v40, v39  }
0x1e0: {  	v40 =	vsel vm0, v41, v40;
	v41 =	vsel vm0, v42, v43;
	vm1 =	vgt.f32 v38, v39  }
0x1e1: {  	vm1 =	vmneg vm1;
	vm2 =	vgt.f32 v38, v40;
	v36 =	vld.idx.msk [tilespmem:v36+s1+$0x0], $0xffff  }
0x1e2: {  	vm2 =	vmand vm1, vm2  }
0x1e3: {  	v40 =	vsel vm2, v38, v40;
	v41 =	vsel vm2, $0x1D, v41;
	v38 =	vsel vm1, v39, v38  }
0x1e4: {  	v42 =	vnsel vm0, $0x1C, v43;
	v39 =	vsel vm1, v40, v39;
	vm0 =	vgt.f32 v37, v38  }
0x1e5: {  	v40 =	vnsel vm1, $0x1D, v42;
	vm0 =	vmneg vm0;
	vm2 =	vgt.f32 v37, v39  }
0x1e6: {  	v41 =	vsel vm1, v41, v42;
	vm1 =	vmand vm0, vm2;
	v42 =	vsel vm0, v38, v37;
	v35 =	vld.idx.msk [tilespmem:v35+s1+$0x0], $0xffff  }
0x1e7: {  	v37 =	vsel vm1, v37, v39;
	v39 =	vsel vm1, $0x1E, v41;
	vm1 =	vgt.f32 v36, v42  }
0x1e8: {  	v37 =	vsel vm0, v37, v38;
	v38 =	vsel vm0, v39, v40  }
0x1e9: {  	vm1 =	vmneg vm1;
	vm2 =	vgt.f32 v36, v37  }
0x1ea: {  	v39 =	vnsel vm0, $0x1E, v40;
	vm0 =	vmand vm1, vm2;
	v34 =	vld.idx.msk [tilespmem:v34+s1+$0x0], $0xffff  }
0x1eb: {  	v37 =	vsel vm0, v36, v37;
	v38 =	vsel vm0, $0x1F, v38;
	v36 =	vsel vm1, v42, v36  }
0x1ec: {  	v37 =	vsel vm1, v37, v42;
	v38 =	vsel vm1, v38, v39;
	vm0 =	vgt.f32 v35, v36  }
0x1ed: {  	v39 =	vnsel vm1, $0x1F, v39;
	vm0 =	vmneg vm0;
	vm1 =	vgt.f32 v35, v37;
	v33 =	vld.idx.msk [tilespmem:v33+s1+$0x0], $0xffff  }
0x1ee: {  	vm1 =	vmand vm0, vm1;
	v40 =	vnsel vm0, $0x20, v39  }
0x1ef: {  	v37 =	vsel vm1, v35, v37;
	v38 =	vsel vm1, $0x20, v38;
	v35 =	vsel vm0, v36, v35  }
0x1f0: {  	v36 =	vsel vm0, v37, v36;
	v37 =	vsel vm0, v38, v39;
	vm0 =	vgt.f32 v34, v35  }
0x1f1: {  	vm0 =	vmneg vm0;
	vm1 =	vgt.f32 v34, v36;
	v32 =	vld.idx.msk [tilespmem:v32+s1+$0x0], $0xffff  }
0x1f2: {  	vm1 =	vmand vm0, vm1;
	v38 =	vsel vm0, v35, v34;
	v39 =	vnsel vm0, $0x21, v40  }
0x1f3: {  	v34 =	vsel vm1, v34, v36;
	v36 =	vsel vm1, $0x21, v37;
	vm1 =	vgt.f32 v33, v38  }
0x1f4: {  	v34 =	vsel vm0, v34, v35;
	v35 =	vsel vm0, v36, v40  }
0x1f5: {  	vm0 =	vmneg vm1;
	vm1 =	vgt.f32 v33, v34  }
0x1f6: {  	v36 =	vsel vm0, v38, v33;
	v37 =	vnsel vm0, $0x22, v39;
	vm1 =	vmand vm0, vm1;
	v31 =	vld.idx.msk [tilespmem:v31+s1+$0x0], $0xffff  }
0x1f7: {  	v33 =	vsel vm1, v33, v34;
	v34 =	vsel vm1, $0x22, v35;
	vm1 =	vgt.f32 v32, v36  }
0x1f8: {  	v33 =	vsel vm0, v33, v38;
	v34 =	vsel vm0, v34, v39  }
0x1f9: {  	vm0 =	vmneg vm1;
	vm1 =	vgt.f32 v32, v33  }
0x1fa: {  	v35 =	vnsel vm0, $0x23, v37;
	vm1 =	vmand vm0, vm1;
	v30 =	vld.idx.msk [tilespmem:v30+s1+$0x0], $0xffff  }
0x1fb: {  	v33 =	vsel vm1, v32, v33;
	v34 =	vsel vm1, $0x23, v34;
	v32 =	vsel vm0, v36, v32  }
0x1fc: {  	v33 =	vsel vm0, v33, v36;
	v34 =	vsel vm0, v34, v37;
	vm0 =	vgt.f32 v31, v32  }
0x1fd: {  	vm0 =	vmneg vm0;
	vm1 =	vgt.f32 v31, v33  }
0x1fe: {  	vm1 =	vmand vm0, vm1;
	v36 =	vnsel vm0, $0x24, v35;
	v29 =	vld.idx.msk [tilespmem:v29+s1+$0x0], $0xffff  }
0x1ff: {  	v33 =	vsel vm1, v31, v33;
	v34 =	vsel vm1, $0x24, v34;
	v31 =	vsel vm0, v32, v31  }
0x200: {  	v32 =	vsel vm0, v33, v32;
	v33 =	vsel vm0, v34, v35;
	vm0 =	vgt.f32 v30, v31  }
0x201: {  	vm0 =	vmneg vm0;
	vm1 =	vgt.f32 v30, v32;
	v28 =	vld.idx.msk [tilespmem:v28+s1+$0x0], $0xffff  }
0x202: {  	vm1 =	vmand vm0, vm1;
	v34 =	vnsel vm0, $0x25, v36  }
0x203: {  	v32 =	vsel vm1, v30, v32;
	v33 =	vsel vm1, $0x25, v33;
	v30 =	vsel vm0, v31, v30  }
0x204: {  	v31 =	vsel vm0, v32, v31;
	v32 =	vsel vm0, v33, v36;
	vm0 =	vgt.f32 v29, v30  }
0x205: {  	vm0 =	vmneg vm0;
	vm1 =	vgt.f32 v29, v31  }
0x206: {  	vm1 =	vmand vm0, vm1;
	v33 =	vsel vm0, v30, v29;
	v35 =	vnsel vm0, $0x26, v34;
	v26 =	vld.idx.msk [tilespmem:v26+s1+$0x0], $0xffff  }
0x207: {  	v29 =	vsel vm1, v29, v31;
	v31 =	vsel vm1, $0x26, v32;
	vm1 =	vgt.f32 v28, v33  }
0x208: {  	v29 =	vsel vm0, v29, v30;
	v30 =	vsel vm0, v31, v34  }
0x209: {  	vm0 =	vmneg vm1;
	vm1 =	vgt.f32 v28, v29;
	v27 =	vld.idx.msk [tilespmem:v27+s1+$0x0], $0xffff  }
0x20a: {  	v31 =	vnsel vm0, $0x27, v35;
	vm1 =	vmand vm0, vm1  }
0x20b: {  	v29 =	vsel vm1, v28, v29;
	v30 =	vsel vm1, $0x27, v30;
	v28 =	vsel vm0, v33, v28  }
0x20c: {  	v29 =	vsel vm0, v29, v33;
	v30 =	vsel vm0, v30, v35;
	vm0 =	vgt.f32 v26, v28  }
0x20d: {  	vm0 =	vmneg vm0;
	vm1 =	vgt.f32 v26, v29;
	v25 =	vld.idx.msk [tilespmem:v25+s1+$0x0], $0xffff  }
0x20e: {  	vm1 =	vmand vm0, vm1;
	v32 =	vsel vm0, v28, v26  }
0x20f: {  	v26 =	vsel vm1, v26, v29;
	v29 =	vsel vm1, $0x28, v30;
	vm1 =	vgt.f32 v27, v32  }
0x210: {  	v26 =	vsel vm0, v26, v28;
	v28 =	vsel vm0, v29, v31  }
0x211: {  	vm1 =	vmneg vm1;
	vm2 =	vgt.f32 v27, v26;
	v24 =	vld.idx.msk [tilespmem:v24+s1+$0x0], $0xffff  }
0x212: {  	v29 =	vnsel vm0, $0x28, v31;
	v30 =	vsel vm1, v32, v27;
	vm0 =	vmand vm1, vm2  }
0x213: {  	v26 =	vsel vm0, v27, v26;
	v27 =	vsel vm0, $0x29, v28;
	vm0 =	vgt.f32 v25, v30  }
0x214: {  	v26 =	vsel vm1, v26, v32;
	v27 =	vsel vm1, v27, v29  }
0x215: {  	vm0 =	vmneg vm0;
	vm2 =	vgt.f32 v25, v26  }
0x216: {  	v28 =	vsel vm0, v30, v25;
	vm2 =	vmand vm0, vm2;
	v22 =	vld.idx.msk [tilespmem:v22+s1+$0x0], $0xffff  }
0x217: {  	v25 =	vsel vm2, v25, v26;
	v26 =	vsel vm2, $0x2A, v27;
	vm2 =	vgt.f32 v24, v28  }
0x218: {  	v25 =	vsel vm0, v25, v30  }
0x219: {  	v27 =	vnsel vm1, $0x29, v29;
	vm1 =	vmneg vm2;
	vm2 =	vgt.f32 v24, v25  }
0x21a: {  	v26 =	vsel vm0, v26, v27;
	v27 =	vnsel vm0, $0x2A, v27;
	vm0 =	vmand vm1, vm2;
	v20 =	vld.idx.msk [tilespmem:v20+s1+$0x0], $0xffff  }
0x21b: {  	v25 =	vsel vm0, v24, v25;
	v26 =	vsel vm0, $0x2B, v26;
	v24 =	vsel vm1, v28, v24  }
0x21c: {  	v25 =	vsel vm1, v25, v28;
	v26 =	vsel vm1, v26, v27;
	vm0 =	vgt.f32 v22, v24  }
0x21d: {  	v27 =	vnsel vm1, $0x2B, v27;
	vm0 =	vmneg vm0;
	vm1 =	vgt.f32 v22, v25  }
0x21e: {  	vm1 =	vmand vm0, vm1;
	v28 =	vnsel vm0, $0x2C, v27;
	v23 =	vld.idx.msk [tilespmem:v23+s1+$0x0], $0xffff  }
0x21f: {  	v25 =	vsel vm1, v22, v25;
	v26 =	vsel vm1, $0x2C, v26;
	v22 =	vsel vm0, v24, v22  }
0x220: {  	v24 =	vsel vm0, v25, v24;
	v25 =	vsel vm0, v26, v27;
	vm0 =	vgt.f32 v20, v22  }
0x221: {  	vm0 =	vmneg vm0;
	vm1 =	vgt.f32 v20, v24;
	v21 =	vld.idx.msk [tilespmem:v21+s1+$0x0], $0xffff  }
0x222: {  	vm1 =	vmand vm0, vm1;
	v26 =	vnsel vm0, $0x2D, v28  }
0x223: {  	v24 =	vsel vm1, v20, v24;
	v25 =	vsel vm1, $0x2D, v25;
	v20 =	vsel vm0, v22, v20  }
0x224: {  	v22 =	vsel vm0, v24, v22;
	v24 =	vsel vm0, v25, v28;
	vm0 =	vgt.f32 v23, v20  }
0x225: {  	vm0 =	vmneg vm0;
	vm1 =	vgt.f32 v23, v22  }
0x226: {  	vm1 =	vmand vm0, vm1;
	v25 =	vsel vm0, v20, v23;
	v19 =	vld.idx.msk [tilespmem:v19+s1+$0x0], $0xffff  }
0x227: {  	v22 =	vsel vm1, v23, v22;
	v23 =	vsel vm1, $0x2E, v24;
	vm1 =	vgt.f32 v21, v25  }
0x228: {  	v20 =	vsel vm0, v22, v20;
	v22 =	vsel vm0, v23, v26  }
0x229: {  	vm1 =	vmneg vm1;
	vm2 =	vgt.f32 v21, v20  }
0x22a: {  	vm2 =	vmand vm1, vm2;
	v18 =	vld.idx.msk [tilespmem:v18+s1+$0x0], $0xffff  }
0x22b: {  	v23 =	vnsel vm0, $0x2E, v26;
	v20 =	vsel vm2, v21, v20;
	v21 =	vsel vm1, v25, v21  }
0x22c: {  	v24 =	vnsel vm1, $0x2F, v23;
	v20 =	vsel vm1, v20, v25;
	vm0 =	vgt.f32 v19, v21  }
0x22d: {  	v22 =	vsel vm2, $0x2F, v22;
	vm0 =	vmneg vm0;
	vm2 =	vgt.f32 v19, v20  }
0x22e: {  	v22 =	vsel vm1, v22, v23;
	vm1 =	vmand vm0, vm2;
	v23 =	vnsel vm0, $0x30, v24;
	v16 =	vld.idx.msk [tilespmem:v16+s1+$0x0], $0xffff  }
0x22f: {  	v20 =	vsel vm1, v19, v20;
	v22 =	vsel vm1, $0x30, v22;
	v19 =	vsel vm0, v21, v19  }
0x230: {  	v20 =	vsel vm0, v20, v21;
	vm1 =	vgt.f32 v18, v19  }
0x231: {  	vm1 =	vmneg vm1;
	vm2 =	vgt.f32 v18, v20;
	v17 =	vld.idx.msk [tilespmem:v17+s1+$0x0], $0xffff  }
0x232: {  	v21 =	vsel vm0, v22, v24;
	vm0 =	vmand vm1, vm2;
	v22 =	vnsel vm1, $0x31, v23  }
0x233: {  	v20 =	vsel vm0, v18, v20;
	v21 =	vsel vm0, $0x31, v21;
	v18 =	vsel vm1, v19, v18  }
0x234: {  	v19 =	vsel vm1, v20, v19;
	v20 =	vsel vm1, v21, v23;
	vm0 =	vgt.f32 v16, v18  }
0x235: {  	vm0 =	vmneg vm0;
	vm1 =	vgt.f32 v16, v19  }
0x236: {  	vm1 =	vmand vm0, vm1;
	v21 =	vsel vm0, v18, v16;
	v23 =	vnsel vm0, $0x32, v22;
	v15 =	vld.idx.msk [tilespmem:v15+s1+$0x0], $0xffff  }
0x237: {  	v16 =	vsel vm1, v16, v19;
	v19 =	vsel vm1, $0x32, v20;
	vm1 =	vgt.f32 v17, v21  }
0x238: {  	v16 =	vsel vm0, v16, v18;
	v18 =	vsel vm0, v19, v22  }
0x239: {  	vm0 =	vmneg vm1;
	vm1 =	vgt.f32 v17, v16;
	v14 =	vld.idx.msk [tilespmem:v14+s1+$0x0], $0xffff  }
0x23a: {  	vm1 =	vmand vm0, vm1  }
0x23b: {  	v16 =	vsel vm1, v17, v16;
	v18 =	vsel vm1, $0x33, v18;
	v17 =	vsel vm0, v21, v17  }
0x23c: {  	v16 =	vsel vm0, v16, v21;
	vm1 =	vgt.f32 v15, v17;
	v13 =	vld.idx.msk [tilespmem:v13+s1+$0x0], $0xffff  }
0x23d: {  	v19 =	vnsel vm0, $0x33, v23;
	vm1 =	vmneg vm1;
	vm2 =	vgt.f32 v15, v16  }
0x23e: {  	v18 =	vsel vm0, v18, v23;
	vm0 =	vmand vm1, vm2;
	v20 =	vsel vm1, v17, v15  }
0x23f: {  	v15 =	vsel vm0, v15, v16;
	v16 =	vsel vm0, $0x34, v18;
	vm0 =	vgt.f32 v14, v20;
	v12 =	vld.idx.msk [tilespmem:v12+s1+$0x0], $0xffff  }
0x240: {  	v15 =	vsel vm1, v15, v17;
	v16 =	vsel vm1, v16, v19;
	vm0 =	vmneg vm0  }
0x241: {  	vm2 =	vgt.f32 v14, v15;
	v17 =	vsel vm0, v20, v14  }
0x242: {  	vm2 =	vmand vm0, vm2;
	vm3 =	vgt.f32 v13, v17  }
0x243: {  	v14 =	vsel vm2, v14, v15;
	v15 =	vsel vm2, $0x35, v16;
	vm2 =	vmneg vm3  }
0x244: {  	v14 =	vsel vm0, v14, v20;
	v16 =	vsel vm2, v17, v13  }
0x245: {  	v18 =	vnsel vm1, $0x34, v19;
	vm1 =	vgt.f32 v13, v14;
	vm3 =	vgt.f32 v12, v16  }
0x246: {  	v15 =	vsel vm0, v15, v18;
	vm1 =	vmand vm2, vm1;
	vm3 =	vmneg vm3;
	v10 =	vld.idx.msk [tilespmem:v10+s1+$0x0], $0xffff  }
0x247: {  	v13 =	vsel vm1, v13, v14;
	v14 =	vsel vm1, $0x36, v15;
	v15 =	vsel vm3, v16, v12  }
0x248: {  	v18 =	vnsel vm0, $0x35, v18;
	v13 =	vsel vm2, v13, v17  }
0x249: {  	v14 =	vsel vm2, v14, v18;
	v17 =	vnsel vm2, $0x36, v18;
	vm0 =	vgt.f32 v12, v13  }
0x24a: {  	v18 =	vnsel vm3, $0x37, v17;
	vm0 =	vmand vm3, vm0;
	v11 =	vld.idx.msk [tilespmem:v11+s1+$0x0], $0xffff  }
0x24b: {  	v12 =	vsel vm0, v12, v13;
	v13 =	vsel vm0, $0x37, v14  }
0x24c: {  	v12 =	vsel vm3, v12, v16;
	v13 =	vsel vm3, v13, v17;
	vm0 =	vgt.f32 v10, v15  }
0x24d: {  	vm0 =	vmneg vm0;
	vm1 =	vgt.f32 v10, v12;
	v9 =	vld.idx.msk [tilespmem:v9+s1+$0x0], $0xffff  }
0x24e: {  	vm1 =	vmand vm0, vm1;
	v14 =	vsel vm0, v15, v10;
	v16 =	vnsel vm0, $0x38, v18  }
0x24f: {  	v10 =	vsel vm1, v10, v12;
	v12 =	vsel vm1, $0x38, v13  }
0x250: {  	v10 =	vsel vm0, v10, v15;
	v12 =	vsel vm0, v12, v18;
	vm0 =	vgt.f32 v11, v14  }
0x251: {  	vm0 =	vmneg vm0;
	vm1 =	vgt.f32 v11, v10;
	v8 =	vld.idx.msk [tilespmem:v8+s1+$0x0], $0xffff  }
0x252: {  	vm1 =	vmand vm0, vm1;
	v13 =	vsel vm0, v14, v11;
	v15 =	vnsel vm0, $0x39, v16  }
0x253: {  	v10 =	vsel vm1, v11, v10;
	v11 =	vsel vm1, $0x39, v12;
	vm1 =	vgt.f32 v9, v13  }
0x254: {  	v10 =	vsel vm0, v10, v14;
	v11 =	vsel vm0, v11, v16  }
0x255: {  	vm0 =	vmneg vm1;
	vm1 =	vgt.f32 v9, v10  }
0x256: {  	v12 =	vsel vm0, v13, v9;
	vm1 =	vmand vm0, vm1;
	v7 =	vld.idx.msk [tilespmem:v7+s1+$0x0], $0xffff  }
0x257: {  	v9 =	vsel vm1, v9, v10;
	v10 =	vsel vm1, $0x3A, v11;
	vm1 =	vgt.f32 v8, v12  }
0x258: {  	v9 =	vsel vm0, v9, v13;
	v10 =	vsel vm0, v10, v15  }
0x259: {  	vm1 =	vmneg vm1;
	vm2 =	vgt.f32 v8, v9;
	v6 =	vld.idx.msk [tilespmem:v6+s1+$0x0], $0xffff  }
0x25a: {  	vm2 =	vmand vm1, vm2  }
0x25b: {  	v11 =	vnsel vm0, $0x3A, v15;
	v9 =	vsel vm2, v8, v9;
	v8 =	vsel vm1, v12, v8  }
0x25c: {  	v9 =	vsel vm1, v9, v12;
	v12 =	vnsel vm1, $0x3B, v11;
	vm0 =	vgt.f32 v7, v8;
	v5 =	vld.idx.msk [tilespmem:v5+s1+$0x0], $0xffff  }
0x25d: {  	v10 =	vsel vm2, $0x3B, v10;
	vm0 =	vmneg vm0;
	vm2 =	vgt.f32 v7, v9  }
0x25e: {  	v10 =	vsel vm1, v10, v11;
	vm1 =	vmand vm0, vm2;
	v11 =	vsel vm0, v8, v7  }
0x25f: {  	v7 =	vsel vm1, v7, v9;
	v9 =	vsel vm1, $0x3C, v10;
	vm1 =	vgt.f32 v6, v11;
	v4 =	vld.idx.msk [tilespmem:v4+s1+$0x0], $0xffff  }
0x260: {  	v7 =	vsel vm0, v7, v8;
	v8 =	vsel vm0, v9, v12;
	vm1 =	vmneg vm1  }
0x261: {  	vm2 =	vgt.f32 v6, v7;
	v9 =	vsel vm1, v11, v6  }
0x262: {  	v10 =	vnsel vm0, $0x3C, v12;
	vm0 =	vmand vm1, vm2;
	vm2 =	vgt.f32 v5, v9  }
0x263: {  	v6 =	vsel vm0, v6, v7;
	v7 =	vsel vm0, $0x3D, v8;
	vm0 =	vmneg vm2  }
0x264: {  	v6 =	vsel vm1, v6, v11;
	v7 =	vsel vm1, v7, v10;
	v8 =	vsel vm0, v9, v5  }
0x265: {  	v10 =	vnsel vm1, $0x3D, v10;
	vm1 =	vgt.f32 v5, v6;
	vm2 =	vgt.f32 v4, v8  }
0x266: {  	vm1 =	vmand vm0, vm1  }
0x267: {  	v5 =	vsel vm1, v5, v6;
	v6 =	vsel vm1, $0x3E, v7  }
0x268: {  	v5 =	vsel vm0, v5, v9;
	v6 =	vsel vm0, v6, v10  }
0x269: {  	v7 =	vnsel vm0, $0x3E, v10;
	vm0 =	vmneg vm2;
	vm1 =	vgt.f32 v4, v5  }
.Ltmp0:
0x26a: {  	v9 =	vmov s16;
	v10 =	vsel vm0, v8, v4;
	vm1 =	vmand vm0, vm1;
	(pc) =	sbr.rel @p0 .LBB2_3-.Ltmp0, $4  }
0x26b: {  	v9 =	vshll.u32 v9, $0x7;
	v4 =	vsel vm1, v4, v5;
	v6 =	vsel vm1, $0x3F, v6;
	[tilespmem:v3+s9+$0x0] =	vst.idx.msk $0xffff, v10  }
0x26c: {  	v5 =	vor.u32 v0, v9;
	v4 =	vsel vm0, v4, v8;
	v8 =	vnsel vm0, $0x3F, v7  }
0x26d: {  	v15 =	vor.u32 $0x2, v5;
	v14 =	vor.u32 $0x3, v5;
	v13 =	vor.u32 $0x4, v5;
	[tilespmem:v2+s9+$0x0] =	vst.idx.msk $0xffff, v4  }
0x26e: {  	v12 =	vor.u32 $0x5, v5;
	v6 =	vsel vm0, v6, v7;
	v4 =	vor.u32 $0x1, v5;
	[tilespmem:v3+s10+$0x0] =	vst.idx.msk $0xffff, v8;
	v3 =	vmovc v5  }
0x26f: {  	_ =	sdelay $0x3  }
0x270: {  	[tilespmem:v2+s10+$0x0] =	vst.idx.msk $0xffff, v6  }
0x271: {  	v2 =	vld.idx.msk [tilespmem:v5+s1+$0x0], $0xffff;
	_ =	sdelay $0x1  }
0x272: {  	v28 =	vld.idx.msk [tilespmem:v4+s1+$0x0], $0xffff;
	_ =	sdelay $0x2  }
0x273: {  	vm0 =	vgt.f32 v2, $-1.000000000e+00  }
0x274: {  	v6 =	vld.idx.msk [tilespmem:v15+s1+$0x0], $0xffff;
	v2 =	vnsel vm0, $0xBF800000, v2  }
0x275: {  	v7 =	vimm.s32 $0x0;
	vm0 =	vgt.f32 v28, v2  }
0x276: {  	vm1 =	vgt.f32 v28, $-1.000000000e+00;
	v7 =	vsel vm0, $0xFFFFFFFF, v7;
	vm0 =	vmneg vm0  }
0x277: {  	vm1 =	vmand vm1, vm0  }
0x278: {  	v30 =	vld.idx.msk [tilespmem:v14+s1+$0x0], $0xffff;
	v8 =	vsel vm0, v2, v28;
	v5 =	vnsel vm1, $0xBF800000, v28  }
0x279: {  	vm7 =	vgt.f32 v6, v8;
	v2 =	vsel vm0, v5, v2  }
0x27a: {  	vm9 =	vmneg vm7;
	vm0 =	vgt.f32 v6, v2  }
0x27b: {  	vm0 =	vmand vm9, vm0  }
0x27c: {  	v29 =	vimm.s32 $0x0;
	v32 =	vld.idx.msk [tilespmem:v13+s1+$0x0], $0xffff;
	v9 =	vsel vm9, v8, v6;
	v2 =	vsel vm0, v6, v2  }
0x27d: {  	v31 =	vimm.s32 $0x0;
	vm8 =	vgt.f32 v30, v9;
	v2 =	vsel vm9, v2, v8  }
0x27e: {  	v33 =	vor.u32 $0x6, v3;
	vm3 =	vmneg vm8;
	vm10 =	vgt.f32 v30, v2  }
0x27f: {  	v34 =	vimm.s32 $0x0;
	v5 =	vsel vm0, $0xFFFFFFFF, v31;
	vm0 =	vmand vm3, vm10  }
0x280: {  	v36 =	vor.u32 $0x7, v3;
	v35 =	vld.idx.msk [tilespmem:v12+s1+$0x0], $0xffff;
	v10 =	vsel vm3, v9, v30;
	v2 =	vsel vm0, v30, v2  }
0x281: {  	v37 =	vimm.s32 $0x0;
	vm11 =	vgt.f32 v32, v10;
	v2 =	vsel vm3, v2, v9  }
0x282: {  	v39 =	vor.u32 $0x8, v3;
	vm14 =	vmneg vm11;
	vm12 =	vgt.f32 v32, v2  }
0x283: {  	v40 =	vimm.s32 $0x0;
	v42 =	vor.u32 $0x9, v3;
	vm13 =	vmand vm14, vm12  }
0x284: {  	v43 =	vimm.s32 $0x0;
	v6 =	vld.idx.msk [tilespmem:v33+s1+$0x0], $0xffff;
	v38 =	vsel vm14, v10, v32;
	v2 =	vsel vm13, v32, v2  }
0x285: {  	v45 =	vor.u32 $0xA, v3;
	vm15 =	vgt.f32 v35, v38;
	v2 =	vsel vm14, v2, v10  }
0x286: {  	v46 =	vimm.s32 $0x0;
	vm15 =	vmneg vm15;
	vm4 =	vgt.f32 v35, v2  }
0x287: {  	v47 =	vor.u32 $0xB, v3;
	[tilespmem:$0x1FAA0] =	vst v7;
	v7 =	vsel vm1, $0xFFFFFFFF, v29;
	vm5 =	vmand vm15, vm4  }
0x288: {  	v48 =	vimm.s32 $0x0;
	[tilespmem:$0x1FAB0] =	vst v7;
	v7 =	vld.idx.msk [tilespmem:v36+s1+$0x0], $0xffff;
	v41 =	vsel vm15, v38, v35;
	v2 =	vsel vm5, v35, v2  }
0x289: {  	v50 =	vor.u32 $0xC, v3;
	vm6 =	vgt.f32 v6, v41;
	v2 =	vsel vm15, v2, v38  }
0x28a: {  	v10 =	vsel vm5, $0xFFFFFFFF, v40;
	vm5 =	vmneg vm6;
	vm2 =	vgt.f32 v6, v2  }
0x28b: {  	v51 =	vimm.s32 $0x0;
	v54 =	vor.u32 $0xD, v3;
	vm7 =	vmand vm5, vm2  }
0x28c: {  	v55 =	vimm.s32 $0x0;
	[tilespmem:$0x1FAC0] =	vst v5;
	v5 =	vld.idx.msk [tilespmem:v39+s1+$0x0], $0xffff;
	v44 =	vsel vm5, v41, v6;
	v2 =	vsel vm7, v6, v2  }
0x28d: {  	v57 =	vor.u32 $0xE, v3;
	vm8 =	vgt.f32 v7, v44;
	v2 =	vsel vm5, v2, v41  }
0x28e: {  	v9 =	vsel vm13, $0xFFFFFFFF, v37;
	vm13 =	vmneg vm8;
	vm10 =	vgt.f32 v7, v2  }
0x28f: {  	v58 =	vimm.s32 $0x0;
	v8 =	vsel vm0, $0xFFFFFFFF, v34;
	vm11 =	vmand vm13, vm10  }
0x290: {  	v59 =	vor.u32 $0xF, v3;
	[tilespmem:$0x1FAD0] =	vst v8;
	v8 =	vld.idx.msk [tilespmem:v42+s1+$0x0], $0xffff;
	v2 =	vsel vm11, v7, v2;
	v7 =	vsel vm13, v44, v7  }
0x291: {  	v60 =	vimm.s32 $0x0;
	v2 =	vsel vm13, v2, v44;
	vm12 =	vgt.f32 v5, v7  }
0x292: {  	v62 =	vimm.s32 $0x0;
	vm12 =	vmneg vm12;
	vm4 =	vgt.f32 v5, v2  }
0x293: {  	v63 =	vor.u32 $0x10, v3;
	v16 =	vimm.s32 $0x0;
	vm6 =	vmand vm12, vm4  }
0x294: {  	v17 =	vor.u32 $0x12, v3;
	v6 =	vld.idx.msk [tilespmem:v45+s1+$0x0], $0xffff;
	v49 =	vsel vm12, v7, v5;
	v2 =	vsel vm6, v5, v2  }
0x295: {  	[tilespmem:$0x1FAE0] =	vst v9;
	v9 =	vsel vm7, $0xFFFFFFFF, v43;
	vm7 =	vgt.f32 v8, v49;
	v2 =	vsel vm12, v2, v7  }
0x296: {  	v18 =	vimm.s32 $0x0;
	vm10 =	vmneg vm7;
	vm8 =	vgt.f32 v8, v2  }
0x297: {  	v20 =	vor.u32 $0x13, v3;
	[tilespmem:$0x1FAF0] =	vst v10;
	v10 =	vsel vm11, $0xFFFFFFFF, v46;
	vm11 =	vmand vm10, vm8  }
0x298: {  	v21 =	vimm.s32 $0x0;
	v52 =	vld.idx.msk [tilespmem:v47+s1+$0x0], $0xffff;
	v53 =	vsel vm10, v49, v8;
	v2 =	vsel vm11, v8, v2  }
0x299: {  	[tilespmem:$0x1FB10] =	vst v10;
	v10 =	vsel vm6, $0xFFFFFFFF, v48;
	vm4 =	vgt.f32 v6, v53;
	v2 =	vsel vm10, v2, v49  }
0x29a: {  	v7 =	vsel vm11, $0xFFFFFFFF, v51;
	vm11 =	vmneg vm4;
	vm6 =	vgt.f32 v6, v2  }
0x29b: {  	v24 =	vimm.s32 $0x0;
	v25 =	vor.u32 $0x14, v3;
	vm7 =	vmand vm11, vm6  }
0x29c: {  	v26 =	vimm.s32 $0x0;
	v5 =	vld.idx.msk [tilespmem:v50+s1+$0x0], $0xffff;
	v56 =	vsel vm11, v53, v6;
	v2 =	vsel vm7, v6, v2  }
0x29d: {  	v12 =	vimm.s32 $0x0;
	vm8 =	vgt.f32 v52, v56;
	v2 =	vsel vm11, v2, v53  }
0x29e: {  	v14 =	vor.u32 $0x11, v3;
	vm8 =	vmneg vm8;
	vm4 =	vgt.f32 v52, v2  }
0x29f: {  	v15 =	vimm.s32 $0x0;
	v47 =	vor.u32 $0x19, v3;
	vm6 =	vmand vm8, vm4  }
0x2a0: {  	v28 =	vimm.s32 $0x0;
	v8 =	vld.idx.msk [tilespmem:v54+s1+$0x0], $0xffff;
	[tilespmem:$0x1FB30] =	vst v7;
	v7 =	vsel vm8, v56, v52;
	v2 =	vsel vm6, v52, v2  }
0x2a1: {  	[tilespmem:$0x1FB20] =	vst v10;
	v10 =	vsel vm7, $0xFFFFFFFF, v55;
	vm7 =	vgt.f32 v5, v7;
	v2 =	vsel vm8, v2, v56  }
0x2a2: {  	v29 =	vor.u32 $0x15, v3;
	vm7 =	vmneg vm7;
	vm4 =	vgt.f32 v5, v2  }
0x2a3: {  	v36 =	vimm.s32 $0x0;
	[tilespmem:$0x1FB00] =	vst v9;
	v9 =	vsel vm6, $0xFFFFFFFF, v58;
	vm6 =	vmand vm7, vm4  }
0x2a4: {  	v39 =	vimm.s32 $0x0;
	v6 =	vld.idx.msk [tilespmem:v57+s1+$0x0], $0xffff;
	v61 =	vsel vm7, v7, v5;
	v2 =	vsel vm6, v5, v2  }
0x2a5: {  	v30 =	vimm.s32 $0x0;
	vm4 =	vgt.f32 v8, v61;
	v2 =	vsel vm7, v2, v7  }
0x2a6: {  	[tilespmem:$0x1FB40] =	vst v10;
	v10 =	vsel vm6, $0xFFFFFFFF, v60;
	vm0 =	vmneg vm4;
	vm6 =	vgt.f32 v8, v2  }
0x2a7: {  	v34 =	vimm.s32 $0x0;
	v35 =	vor.u32 $0x16, v3;
	vm4 =	vmand vm0, vm6  }
0x2a8: {  	v13 =	vld.idx.msk [tilespmem:v59+s1+$0x0], $0xffff;
	v38 =	vor.u32 $0x17, v3;
	v2 =	vsel vm4, v8, v2;
	v8 =	vsel vm0, v61, v8  }
0x2a9: {  	v43 =	vor.u32 $0x18, v3;
	v2 =	vsel vm0, v2, v61;
	vm6 =	vgt.f32 v6, v8  }
0x2aa: {  	v7 =	vsel vm4, $0xFFFFFFFF, v12;
	vm6 =	vmneg vm6;
	vm4 =	vgt.f32 v6, v2  }
0x2ab: {  	v44 =	vimm.s32 $0x0;
	v5 =	vsel vm0, $0xFFFFFFFF, v62;
	vm4 =	vmand vm6, vm4  }
0x2ac: {  	v57 =	vor.u32 $0x1B, v3;
	[tilespmem:$0x1FB80] =	vst v5;
	v5 =	vld.idx.msk [tilespmem:v63+s1+$0x0], $0xffff;
	v2 =	vsel vm4, v6, v2;
	v6 =	vsel vm6, v8, v6  }
0x2ad: {  	[tilespmem:$0x1FB60] =	vst v10;
	v10 =	vsel vm4, $0xFFFFFFFF, v15;
	v2 =	vsel vm6, v2, v8;
	vm4 =	vgt.f32 v13, v6  }
0x2ae: {  	v53 =	vimm.s32 $0x0;
	vm0 =	vmneg vm4;
	vm4 =	vgt.f32 v13, v2  }
0x2af: {  	v52 =	vor.u32 $0x1A, v3;
	v58 =	vimm.s32 $0x0;
	[tilespmem:$0x1FB50] =	vst v9;
	v9 =	vld.idx.msk [tilespmem:v14+s1+$0x0], $0xffff;
	vm4 =	vmand vm0, vm4  }
0x2b0: {  	v62 =	vimm.s32 $0x0;
	v19 =	vsel vm0, v6, v13;
	v2 =	vsel vm4, v13, v2  }
0x2b1: {  	[tilespmem:$0x1FB90] =	vst v10;
	v10 =	vsel vm4, $0xFFFFFFFF, v18;
	vm4 =	vgt.f32 v5, v19;
	v2 =	vsel vm0, v2, v6  }
0x2b2: {  	v8 =	vsel vm0, $0xFFFFFFFF, v16;
	vm2 =	vmneg vm4;
	vm0 =	vgt.f32 v5, v2  }
0x2b3: {  	v22 =	vld.idx.msk [tilespmem:v17+s1+$0x0], $0xffff;
	v61 =	vor.u32 $0x1C, v3;
	v23 =	vsel vm2, v19, v5;
	vm0 =	vmand vm2, vm0  }
0x2b4: {  	v6 =	vld.idx.msk [tilespmem:v20+s1+$0x0], $0xffff;
	v20 =	vimm.s32 $0x0;
	vm4 =	vgt.f32 v9, v23;
	v2 =	vsel vm0, v5, v2  }
0x2b5: {  	v31 =	vld [tilespmem:$0x1FAA0];
	[tilespmem:$0x1FB70] =	vst v7;
	v7 =	vsel vm0, $0xFFFFFFFF, v21;
	vm1 =	vmneg vm4;
	v2 =	vsel vm2, v2, v19  }
0x2b6: {  	v5 =	vsel vm1, $0xFFFFFFFF, v24;
	v27 =	vsel vm1, v23, v9;
	vm4 =	vgt.f32 v9, v2  }
0x2b7: {  	v32 =	vld [tilespmem:$0x1FAB0];
	v19 =	vor.u32 $0x1D, v3;
	v24 =	vor.u32 $0x1E, v3;
	vm0 =	vmand vm1, vm4  }
0x2b8: {  	[tilespmem:$0x1FBE0] =	vst v5;
	v5 =	vld.idx.msk [tilespmem:v25+s1+$0x0], $0xffff;
	v25 =	vimm.s32 $0x0;
	vm4 =	vgt.f32 v22, v27;
	v2 =	vsel vm0, v9, v2  }
0x2b9: {  	v33 =	vld [tilespmem:$0x1FAC0];
	[tilespmem:$0x1FBA0] =	vst v10;
	v10 =	vsel vm0, $0xFFFFFFFF, v26;
	vm0 =	vmneg vm4;
	v2 =	vsel vm1, v2, v23  }
0x2ba: {  	[tilespmem:$0x1FBB0] =	vst v8;
	vm4 =	vnez.u8 v31;
	v8 =	vsel vm0, $0xFFFFFFFF, v28;
	vm1 =	vgt.f32 v22, v2  }
0x2bb: {  	v11 =	vsel vm0, v27, v22;
	v28 =	vor.u32 $0x1F, v3;
	vm1 =	vmand vm0, vm1  }
0x2bc: {  	v37 =	vld [tilespmem:$0x1FAD0];
	v9 =	vsel vm1, $0xFFFFFFFF, v30;
	v2 =	vsel vm1, v22, v2;
	v30 =	vimm.s32 $0x0  }
0x2bd: {  	[tilespmem:$0x1FBF0] =	vst v9;
	v9 =	vsel vm4, $0x1, v1;
	vm4 =	vnez.u8 v32;
	v2 =	vsel vm0, v2, v27  }
0x2be: {  	[tilespmem:$0x1FBC0] =	vst v7;
	vm0 =	vgt.f32 v6, v11;
	v7 =	vsel vm4, $0x1, v1;
	vm4 =	vnez.u8 v33  }
0x2bf: {  	vm1 =	vmneg vm0;
	v7 =	vsel vm4, $0x2, v7;
	vm4 =	vgt.f32 v6, v2  }
0x2c0: {  	v40 =	vld [tilespmem:$0x1FAE0];
	[tilespmem:$0x1FBD0] =	vst v10;
	v10 =	vsel vm1, $0xFFFFFFFF, v34;
	v7 =	vsel vm9, v7, v9;
	vm0 =	vmand vm1, vm4  }
0x2c1: {  	[tilespmem:$0x1FC20] =	vst v10;
	v9 =	vnsel vm9, $0x2, v9;
	vm4 =	vnez.u8 v37;
	v10 =	vld.idx.msk [tilespmem:v35+s1+$0x0], $0xffff;
	v35 =	vor.u32 $0x20, v3  }
0x2c2: {  	v12 =	vsel vm0, $0xFFFFFFFF, v36;
	v2 =	vsel vm0, v6, v2;
	v6 =	vsel vm1, v11, v6  }
0x2c3: {  	v7 =	vsel vm4, $0x3, v7;
	v36 =	vimm.s32 $0x0;
	v2 =	vsel vm1, v2, v11  }
0x2c4: {  	[tilespmem:$0x1FC00] =	vst v8;
	v8 =	vld.idx.msk [tilespmem:v29+s1+$0x0], $0xffff;
	vm9 =	vgt.f32 v5, v6;
	v7 =	vsel vm3, v7, v9;
	v9 =	vnsel vm3, $0x3, v9  }
0x2c5: {  	v42 =	vld [tilespmem:$0x1FAF0];
	vm9 =	vmneg vm9;
	vm4 =	vgt.f32 v5, v2;
	v41 =	vnsel vm14, $0x4, v9  }
0x2c6: {  	vm0 =	vmand vm9, vm4;
	vm4 =	vnez.u8 v40;
	v45 =	vnsel vm15, $0x5, v41  }
0x2c7: {  	v46 =	vld [tilespmem:$0x1FB00];
	[tilespmem:$0x1FC10] =	vst v12;
	v40 =	vor.u32 $0x21, v3;
	v12 =	vsel vm0, $0xFFFFFFFF, v39;
	v7 =	vsel vm4, $0x4, v7  }
0x2c8: {  	v2 =	vsel vm0, v5, v2;
	v5 =	vsel vm9, v6, v5;
	v48 =	vnsel vm5, $0x6, v45  }
0x2c9: {  	v7 =	vsel vm14, v7, v9;
	v2 =	vsel vm9, v2, v6;
	vm4 =	vgt.f32 v8, v5  }
0x2ca: {  	vm14 =	vmneg vm4;
	vm0 =	vgt.f32 v8, v2;
	vm4 =	vnez.u8 v42  }
0x2cb: {  	v50 =	vld [tilespmem:$0x1FB10];
	v51 =	vnsel vm13, $0x7, v48;
	v7 =	vsel vm4, $0x5, v7;
	vm0 =	vmand vm14, vm0  }
0x2cc: {  	v54 =	vld [tilespmem:$0x1FB20];
	[tilespmem:$0x1FC30] =	vst v12;
	vm4 =	vnez.u8 v46;
	v46 =	vor.u32 $0x22, v3;
	v12 =	vsel vm0, $0xFFFFFFFF, v44  }
0x2cd: {  	v11 =	vld.idx.msk [tilespmem:v38+s1+$0x0], $0xffff;
	v2 =	vsel vm0, v8, v2;
	v8 =	vsel vm14, v5, v8;
	v6 =	vsel vm15, v7, v41  }
0x2ce: {  	v7 =	vld.idx.msk [tilespmem:v52+s1+$0x0], $0xffff;
	v41 =	vimm.s32 $0x0;
	v52 =	vor.u32 $0x23, v3;
	vm15 =	vgt.f32 v10, v8  }
0x2cf: {  	v2 =	vsel vm14, v2, v5;
	v5 =	vsel vm4, $0x6, v6;
	vm4 =	vmneg vm15  }
0x2d0: {  	v56 =	vld [tilespmem:$0x1FB30];
	vm15 =	vgt.f32 v10, v2;
	v5 =	vsel vm5, v5, v45;
	vm5 =	vnez.u8 v50  }
0x2d1: {  	vm15 =	vmand vm4, vm15;
	v49 =	vsel vm4, v8, v10;
	v5 =	vsel vm5, $0x7, v5  }
0x2d2: {  	v9 =	vld.idx.msk [tilespmem:v43+s1+$0x0], $0xffff;
	v2 =	vsel vm15, v10, v2;
	vm5 =	vgt.f32 v11, v49;
	v5 =	vsel vm13, v5, v48  }
0x2d3: {  	v60 =	vld [tilespmem:$0x1FB40];
	vm13 =	vnez.u8 v54;
	v48 =	vimm.s32 $0x0;
	v2 =	vsel vm4, v2, v8  }
0x2d4: {  	vm1 =	vmneg vm5;
	v5 =	vsel vm13, $0x8, v5;
	v8 =	vnsel vm12, $0x8, v51  }
0x2d5: {  	v34 =	vld [tilespmem:$0x1FBB0];
	vm13 =	vnez.u8 v56;
	v56 =	vor.u32 $0x24, v3;
	vm5 =	vgt.f32 v11, v2  }
0x2d6: {  	v55 =	vsel vm1, v49, v11;
	v5 =	vsel vm12, v5, v51;
	v59 =	vnsel vm10, $0x9, v8  }
0x2d7: {  	vm3 =	vmand vm1, vm5;
	vm5 =	vgt.f32 v9, v55;
	v5 =	vsel vm13, $0x9, v5  }
0x2d8: {  	vm13 =	vnez.u8 v60;
	v63 =	vnsel vm11, $0xA, v59;
	v60 =	vor.u32 $0x25, v3  }
0x2d9: {  	v17 =	vld [tilespmem:$0x1FB50];
	v10 =	vsel vm3, $0xFFFFFFFF, v53;
	v2 =	vsel vm3, v11, v2;
	vm12 =	vmneg vm5  }
0x2da: {  	v6 =	vld.idx.msk [tilespmem:v47+s1+$0x0], $0xffff;
	v5 =	vsel vm10, v5, v8;
	v18 =	vnsel vm8, $0xB, v63;
	vm3 =	vnez.u8 v34  }
0x2db: {  	v11 =	vld.idx.msk [tilespmem:v57+s1+$0x0], $0xffff;
	v53 =	vimm.s32 $0x0;
	v57 =	vimm.s32 $0x0;
	v2 =	vsel vm1, v2, v49  }
0x2dc: {  	v8 =	vld.idx.msk [tilespmem:v61+s1+$0x0], $0xffff;
	v61 =	vimm.s32 $0x0;
	v5 =	vsel vm13, $0xA, v5;
	vm0 =	vgt.f32 v9, v2  }
0x2dd: {  	v34 =	vor.u32 $0x2A, v3;
	v5 =	vsel vm11, v5, v59;
	vm0 =	vmand vm12, vm0  }
0x2de: {  	vm11 =	vnez.u8 v17;
	v2 =	vsel vm0, v9, v2;
	v9 =	vsel vm12, v55, v9  }
0x2df: {  	v5 =	vsel vm11, $0xB, v5;
	v2 =	vsel vm12, v2, v55;
	vm10 =	vgt.f32 v6, v9  }
0x2e0: {  	v21 =	vld [tilespmem:$0x1FB60];
	[tilespmem:$0x1FC40] =	vst v12;
	v12 =	vsel vm0, $0xFFFFFFFF, v58;
	vm10 =	vmneg vm10;
	vm5 =	vgt.f32 v6, v2  }
0x2e1: {  	v5 =	vsel vm8, v5, v63;
	vm0 =	vmand vm10, vm5;
	v16 =	vsel vm10, v9, v6  }
0x2e2: {  	[tilespmem:$0x1FC50] =	vst v10;
	v10 =	vsel vm0, $0xFFFFFFFF, v62;
	v2 =	vsel vm0, v6, v2;
	vm13 =	vgt.f32 v7, v16  }
0x2e3: {  	v23 =	vld [tilespmem:$0x1FB70];
	v6 =	vnsel vm7, $0xC, v18;
	v2 =	vsel vm10, v2, v9;
	vm11 =	vmneg vm13  }
0x2e4: {  	v9 =	vld.idx.msk [tilespmem:v19+s1+$0x0], $0xffff;
	v19 =	vimm.s32 $0x0;
	vm5 =	vgt.f32 v7, v2;
	v22 =	vsel vm11, v16, v7  }
0x2e5: {  	v26 =	vld [tilespmem:$0x1FB80];
	vm13 =	vmand vm11, vm5;
	vm5 =	vnez.u8 v21;
	vm8 =	vgt.f32 v11, v22  }
0x2e6: {  	v27 =	vld [tilespmem:$0x1FB90];
	[tilespmem:$0x1FC70] =	vst v10;
	v10 =	vsel vm13, $0xFFFFFFFF, v20;
	v5 =	vsel vm5, $0xC, v5;
	v2 =	vsel vm13, v7, v2  }
0x2e7: {  	v5 =	vsel vm7, v5, v18;
	v2 =	vsel vm11, v2, v16;
	vm7 =	vmneg vm8  }
0x2e8: {  	vm8 =	vnez.u8 v23;
	v18 =	vor.u32 $0x26, v3;
	v23 =	vimm.s32 $0x0  }
0x2e9: {  	[tilespmem:$0x1FC80] =	vst v10;
	v10 =	vld.idx.msk [tilespmem:v28+s1+$0x0], $0xffff;
	v28 =	vor.u32 $0x29, v3;
	vm13 =	vgt.f32 v11, v2;
	v5 =	vsel vm8, $0xD, v5  }
0x2ea: {  	v33 =	vld [tilespmem:$0x1FBA0];
	vm8 =	vnez.u8 v26;
	v26 =	vimm.s32 $0x0;
	vm13 =	vmand vm7, vm13  }
0x2eb: {  	v5 =	vsel vm8, v5, v6;
	v6 =	vnsel vm8, $0xD, v6;
	vm8 =	vnez.u8 v27  }
0x2ec: {  	[tilespmem:$0x1FC60] =	vst v12;
	v12 =	vsel vm13, $0xFFFFFFFF, v25;
	v2 =	vsel vm13, v11, v2;
	v11 =	vsel vm7, v22, v11  }
0x2ed: {  	v5 =	vsel vm8, $0xE, v5;
	v29 =	vnsel vm6, $0xE, v6;
	v25 =	vor.u32 $0x28, v3  }
0x2ee: {  	v49 =	vld [tilespmem:$0x1FC10];
	v2 =	vsel vm7, v2, v22;
	vm13 =	vgt.f32 v8, v11;
	v5 =	vsel vm6, v5, v6  }
0x2ef: {  	vm6 =	vnez.u8 v33;
	vm5 =	vmneg vm13;
	vm13 =	vgt.f32 v8, v2  }
0x2f0: {  	v37 =	vld [tilespmem:$0x1FBC0];
	v22 =	vor.u32 $0x27, v3;
	v5 =	vsel vm6, $0xF, v5;
	vm0 =	vmand vm5, vm13  }
0x2f1: {  	v32 =	vsel vm5, v11, v8;
	v5 =	vsel vm3, v5, v29;
	v13 =	vsel vm0, $0xFFFFFFFF, v30  }
0x2f2: {  	v31 =	vld.idx.msk [tilespmem:v24+s1+$0x0], $0xffff;
	v2 =	vsel vm0, v8, v2;
	vm8 =	vgt.f32 v9, v32;
	v8 =	vnsel vm3, $0xF, v29  }
0x2f3: {  	v39 =	vld [tilespmem:$0x1FBD0];
	vm0 =	vnez.u8 v49;
	v29 =	vimm.s32 $0x0;
	v2 =	vsel vm5, v2, v11  }
0x2f4: {  	v42 =	vld [tilespmem:$0x1FBE0];
	vm6 =	vmneg vm8;
	v38 =	vnsel vm2, $0x10, v8;
	vm13 =	vgt.f32 v9, v2  }
0x2f5: {  	v11 =	vld.idx.msk [tilespmem:v35+s1+$0x0], $0xffff;
	v35 =	vimm.s32 $0x0;
	vm8 =	vmand vm6, vm13;
	vm13 =	vnez.u8 v37  }
0x2f6: {  	v5 =	vsel vm13, $0x10, v5;
	v2 =	vsel vm8, v9, v2;
	v9 =	vsel vm6, v32, v9  }
0x2f7: {  	[tilespmem:$0x1FC90] =	vst v12;
	v12 =	vsel vm8, $0xFFFFFFFF, v36;
	v5 =	vsel vm2, v5, v8;
	vm8 =	vgt.f32 v31, v9  }
0x2f8: {  	v45 =	vld [tilespmem:$0x1FBF0];
	v2 =	vsel vm6, v2, v32;
	vm2 =	vmneg vm8;
	vm8 =	vnez.u8 v39  }
0x2f9: {  	v47 =	vld [tilespmem:$0x1FC00];
	vm13 =	vgt.f32 v31, v2;
	v39 =	vimm.s32 $0x0;
	v5 =	vsel vm8, $0x11, v5  }
0x2fa: {  	vm13 =	vmand vm2, vm13;
	vm8 =	vnez.u8 v42;
	v43 =	vsel vm2, v9, v31  }
0x2fb: {  	[tilespmem:$0x1FCB0] =	vst v12;
	v42 =	vor.u32 $0x2C, v3;
	v12 =	vsel vm13, $0xFFFFFFFF, v41;
	v5 =	vsel vm8, v5, v38  }
0x2fc: {  	v2 =	vsel vm13, v31, v2;
	v44 =	vnsel vm8, $0x11, v38;
	vm13 =	vgt.f32 v10, v43  }
0x2fd: {  	v51 =	vld [tilespmem:$0x1FC20];
	vm8 =	vnez.u8 v45;
	v38 =	vor.u32 $0x2B, v3;
	v2 =	vsel vm2, v2, v9  }
0x2fe: {  	v5 =	vsel vm8, $0x12, v5;
	vm3 =	vmneg vm13;
	vm8 =	vnez.u8 v47  }
0x2ff: {  	v54 =	vld [tilespmem:$0x1FC30];
	v47 =	vor.u32 $0x2D, v3;
	vm13 =	vgt.f32 v10, v2;
	v5 =	vsel vm8, v5, v44  }
0x300: {  	v50 =	vsel vm3, v43, v10;
	v6 =	vnsel vm8, $0x12, v44;
	vm13 =	vmand vm3, vm13  }
0x301: {  	v5 =	vsel vm0, $0x13, v5;
	vm8 =	vgt.f32 v11, v50;
	v2 =	vsel vm13, v10, v2  }
0x302: {  	v8 =	vld.idx.msk [tilespmem:v40+s1+$0x0], $0xffff;
	v9 =	vsel vm13, $0xFFFFFFFF, v48;
	vm13 =	vnez.u8 v51;
	v2 =	vsel vm3, v2, v43  }
0x303: {  	v55 =	vld [tilespmem:$0x1FC40];
	vm0 =	vmneg vm8;
	v5 =	vsel vm13, v5, v6;
	vm8 =	vgt.f32 v11, v2  }
0x304: {  	v6 =	vnsel vm13, $0x13, v6;
	vm13 =	vmand vm0, vm8;
	vm8 =	vnez.u8 v54  }
0x305: {  	[tilespmem:$0x1FCC0] =	vst v12;
	v51 =	vor.u32 $0x2E, v3;
	v12 =	vsel vm13, $0xFFFFFFFF, v53;
	v5 =	vsel vm8, $0x14, v5  }
0x306: {  	v2 =	vsel vm13, v11, v2;
	v11 =	vsel vm0, v50, v11;
	v5 =	vsel vm9, v5, v6  }
0x307: {  	v7 =	vld.idx.msk [tilespmem:v46+s1+$0x0], $0xffff;
	v2 =	vsel vm0, v2, v50;
	vm13 =	vgt.f32 v8, v11;
	v6 =	vnsel vm9, $0x14, v6  }
0x308: {  	v16 =	vld [tilespmem:$0x1FC50];
	vm9 =	vmneg vm13;
	vm8 =	vgt.f32 v8, v2;
	vm13 =	vnez.u8 v55  }
0x309: {  	v58 =	vnsel vm14, $0x15, v6;
	v55 =	vor.u32 $0x2F, v3;
	v5 =	vsel vm13, $0x15, v5  }
0x30a: {  	v20 =	vld [tilespmem:$0x1FC60];
	vm8 =	vmand vm9, vm8;
	v59 =	vsel vm9, v11, v8;
	v62 =	vnsel vm4, $0x16, v58  }
0x30b: {  	v10 =	vld.idx.msk [tilespmem:v52+s1+$0x0], $0xffff;
	[tilespmem:$0x1FCE0] =	vst v12;
	v12 =	vsel vm8, $0xFFFFFFFF, v57;
	v2 =	vsel vm8, v8, v2;
	v5 =	vsel vm14, v5, v6  }
0x30c: {  	vm14 =	vgt.f32 v7, v59;
	v17 =	vnsel vm1, $0x17, v62;
	v2 =	vsel vm9, v2, v11  }
0x30d: {  	v5 =	vsel vm15, $0x16, v5;
	vm14 =	vmneg vm14;
	vm15 =	vnez.u8 v16  }
0x30e: {  	v21 =	vld [tilespmem:$0x1FC70];
	vm13 =	vgt.f32 v7, v2;
	v5 =	vsel vm4, v5, v58;
	v63 =	vsel vm14, v59, v7  }
0x30f: {  	v24 =	vld [tilespmem:$0x1FC80];
	vm8 =	vmand vm14, vm13;
	v5 =	vsel vm15, $0x17, v5;
	vm15 =	vnez.u8 v20  }
0x310: {  	v8 =	vsel vm8, $0xFFFFFFFF, v61;
	v2 =	vsel vm8, v7, v2;
	vm8 =	vgt.f32 v10, v63  }
0x311: {  	[tilespmem:$0x1FCD0] =	vst v9;
	v9 =	vld.idx.msk [tilespmem:v56+s1+$0x0], $0xffff;
	v5 =	vsel vm1, v5, v62;
	v7 =	vnsel vm12, $0x18, v17;
	v2 =	vsel vm14, v2, v59  }
0x312: {  	vm4 =	vmneg vm8;
	v5 =	vsel vm15, $0x18, v5;
	vm13 =	vgt.f32 v10, v2  }
0x313: {  	v5 =	vsel vm12, v5, v17;
	vm12 =	vnez.u8 v21;
	vm8 =	vmand vm4, vm13  }
0x314: {  	[tilespmem:$0x1FCF0] =	vst v12;
	v5 =	vsel vm12, $0x19, v5;
	vm12 =	vnez.u8 v24;
	v12 =	vsel vm8, $0xFFFFFFFF, v19  }
0x315: {  	v6 =	vld.idx.msk [tilespmem:v60+s1+$0x0], $0xffff;
	v2 =	vsel vm8, v10, v2;
	v10 =	vsel vm4, v63, v10;
	v5 =	vsel vm10, v5, v7  }
0x316: {  	v27 =	vld [tilespmem:$0x1FC90];
	[tilespmem:$0x1FCA0] =	vst v13;
	v7 =	vnsel vm10, $0x19, v7;
	v2 =	vsel vm4, v2, v63;
	vm13 =	vgt.f32 v9, v10  }
0x317: {  	v30 =	vld [tilespmem:$0x1FCA0];
	v5 =	vsel vm12, $0x1A, v5;
	vm1 =	vmneg vm13;
	vm8 =	vgt.f32 v9, v2  }
0x318: {  	v62 =	vor.u32 $0x31, v3;
	v5 =	vsel vm11, v5, v7;
	vm8 =	vmand vm1, vm8  }
0x319: {  	[tilespmem:$0x1FD00] =	vst v8;
	v7 =	vnsel vm11, $0x1A, v7;
	v2 =	vsel vm8, v9, v2;
	v9 =	vsel vm1, v10, v9  }
0x31a: {  	v8 =	vld.idx.msk [tilespmem:v18+s1+$0x0], $0xffff;
	[tilespmem:$0x1FD10] =	vst v12;
	v12 =	vsel vm8, $0xFFFFFFFF, v23;
	v2 =	vsel vm1, v2, v10;
	vm15 =	vgt.f32 v6, v9  }
0x31b: {  	vm10 =	vmneg vm15;
	vm13 =	vgt.f32 v6, v2;
	vm15 =	vnez.u8 v27  }
0x31c: {  	v32 =	vld [tilespmem:$0x1FCB0];
	vm8 =	vmand vm10, vm13;
	v5 =	vsel vm15, $0x1B, v5;
	vm15 =	vnez.u8 v30  }
0x31d: {  	v11 =	vld.idx.msk [tilespmem:v22+s1+$0x0], $0xffff;
	[tilespmem:$0x1FD20] =	vst v12;
	v12 =	vsel vm8, $0xFFFFFFFF, v26;
	v2 =	vsel vm8, v6, v2;
	v6 =	vsel vm10, v9, v6  }
0x31e: {  	v37 =	vld [tilespmem:$0x1FCC0];
	v5 =	vsel vm7, v5, v7;
	v7 =	vnsel vm7, $0x1B, v7;
	v2 =	vsel vm10, v2, v9  }
0x31f: {  	vm12 =	vgt.f32 v8, v6;
	v5 =	vsel vm15, $0x1C, v5;
	v33 =	vnsel vm5, $0x1C, v7  }
0x320: {  	vm11 =	vmneg vm12;
	vm13 =	vgt.f32 v8, v2;
	v5 =	vsel vm5, v5, v7  }
0x321: {  	v36 =	vnsel vm6, $0x1D, v33;
	vm8 =	vmand vm11, vm13;
	v31 =	vsel vm11, v6, v8  }
0x322: {  	v43 =	vld [tilespmem:$0x1FCE0];
	vm13 =	vnez.u8 v32;
	v2 =	vsel vm8, v8, v2;
	vm12 =	vgt.f32 v11, v31  }
0x323: {  	v10 =	vld.idx.msk [tilespmem:v25+s1+$0x0], $0xffff;
	v5 =	vsel vm13, $0x1D, v5;
	vm13 =	vnez.u8 v37;
	v2 =	vsel vm11, v2, v6  }
0x324: {  	v41 =	vld [tilespmem:$0x1FCD0];
	vm7 =	vmneg vm12;
	v5 =	vsel vm6, v5, v33;
	vm15 =	vgt.f32 v11, v2  }
0x325: {  	[tilespmem:$0x1FD30] =	vst v12;
	v12 =	vsel vm8, $0xFFFFFFFF, v29;
	v5 =	vsel vm13, $0x1E, v5;
	vm8 =	vmand vm7, vm15  }
0x326: {  	v59 =	vor.u32 $0x30, v3;
	v9 =	vld.idx.msk [tilespmem:v28+s1+$0x0], $0xffff;
	v5 =	vsel vm2, v5, v36;
	v8 =	vsel vm8, $0xFFFFFFFF, v35  }
0x327: {  	v2 =	vsel vm8, v11, v2;
	v11 =	vsel vm7, v31, v11;
	vm8 =	vnez.u8 v43  }
0x328: {  	[tilespmem:$0x1FD50] =	vst v8;
	v2 =	vsel vm7, v2, v31;
	vm12 =	vgt.f32 v10, v11;
	v8 =	vnsel vm2, $0x1E, v36  }
0x329: {  	v46 =	vld [tilespmem:$0x1FCF0];
	vm5 =	vmneg vm12;
	vm15 =	vgt.f32 v10, v2;
	vm12 =	vnez.u8 v41  }
0x32a: {  	vm6 =	vmand vm5, vm15;
	v40 =	vsel vm5, v11, v10;
	v5 =	vsel vm12, $0x1F, v5  }
0x32b: {  	v7 =	vld.idx.msk [tilespmem:v34+s1+$0x0], $0xffff;
	[tilespmem:$0x1FD40] =	vst v12;
	v12 =	vsel vm6, $0xFFFFFFFF, v39;
	v2 =	vsel vm6, v10, v2;
	vm13 =	vgt.f32 v9, v40  }
0x32c: {  	v5 =	vsel vm3, v5, v8;
	v8 =	vnsel vm3, $0x1F, v8;
	v2 =	vsel vm5, v2, v11  }
0x32d: {  	vm2 =	vmneg vm13;
	v5 =	vsel vm8, $0x20, v5;
	vm15 =	vgt.f32 v9, v2  }
0x32e: {  	v50 =	vld [tilespmem:$0x1FD00];
	v45 =	vnsel vm0, $0x20, v8;
	vm8 =	vnez.u8 v46;
	vm13 =	vmand vm2, vm15  }
0x32f: {  	v6 =	vld.idx.msk [tilespmem:v38+s1+$0x0], $0xffff;
	v44 =	vsel vm2, v40, v9;
	v5 =	vsel vm0, v5, v8;
	v2 =	vsel vm13, v9, v2  }
0x330: {  	v48 =	vnsel vm9, $0x21, v45;
	vm12 =	vgt.f32 v7, v44;
	v2 =	vsel vm2, v2, v40  }
0x331: {  	v53 =	vld [tilespmem:$0x1FD10];
	v5 =	vsel vm8, $0x21, v5;
	vm6 =	vmneg vm12;
	vm15 =	vgt.f32 v7, v2  }
0x332: {  	v52 =	vnsel vm14, $0x22, v48;
	v5 =	vsel vm9, v5, v45;
	vm15 =	vmand vm6, vm15  }
0x333: {  	v10 =	vld.idx.msk [tilespmem:v42+s1+$0x0], $0xffff;
	vm12 =	vnez.u8 v50;
	v49 =	vsel vm6, v44, v7;
	v2 =	vsel vm15, v7, v2  }
0x334: {  	v54 =	vnsel vm4, $0x23, v52;
	vm9 =	vgt.f32 v6, v49;
	v2 =	vsel vm6, v2, v44  }
0x335: {  	v56 =	vld [tilespmem:$0x1FD20];
	v5 =	vsel vm12, $0x22, v5;
	vm3 =	vmneg vm9;
	vm0 =	vgt.f32 v6, v2  }
0x336: {  	v58 =	vld [tilespmem:$0x1FD30];
	vm12 =	vnez.u8 v53;
	v57 =	vnsel vm1, $0x24, v54;
	vm8 =	vmand vm3, vm0  }
0x337: {  	v8 =	vld.idx.msk [tilespmem:v47+s1+$0x0], $0xffff;
	v5 =	vsel vm14, v5, v48;
	v2 =	vsel vm8, v6, v2;
	v6 =	vsel vm3, v49, v6  }
0x338: {  	v60 =	vnsel vm10, $0x25, v57;
	v2 =	vsel vm3, v2, v49;
	vm14 =	vgt.f32 v10, v6  }
0x339: {  	v5 =	vsel vm12, $0x23, v5;
	vm9 =	vmneg vm14;
	vm0 =	vgt.f32 v10, v2  }
0x33a: {  	v61 =	vld [tilespmem:$0x1FD40];
	v5 =	vsel vm4, v5, v52;
	vm14 =	vnez.u8 v56;
	vm12 =	vmand vm9, vm0  }
0x33b: {  	v7 =	vld.idx.msk [tilespmem:v51+s1+$0x0], $0xffff;
	v5 =	vsel vm14, $0x24, v5;
	v2 =	vsel vm12, v10, v2;
	v10 =	vsel vm9, v6, v10  }
0x33c: {  	vm14 =	vnez.u8 v58;
	v2 =	vsel vm9, v2, v6;
	vm0 =	vgt.f32 v8, v10  }
0x33d: {  	v5 =	vsel vm1, v5, v54;
	vm1 =	vmneg vm0;
	vm4 =	vgt.f32 v8, v2  }
0x33e: {  	v17 =	vld [tilespmem:$0x1FD50];
	v63 =	vnsel vm11, $0x26, v60;
	v5 =	vsel vm14, $0x25, v5;
	vm14 =	vmand vm1, vm4  }
0x33f: {  	v9 =	vld.idx.msk [tilespmem:v55+s1+$0x0], $0xffff;
	v5 =	vsel vm10, v5, v57;
	v2 =	vsel vm14, v8, v2;
	v8 =	vsel vm1, v10, v8  }
0x340: {  	vm10 =	vnez.u8 v61;
	v2 =	vsel vm1, v2, v10;
	vm4 =	vgt.f32 v7, v8  }
0x341: {  	[tilespmem:$0x1FD60] =	vst v12;
	v5 =	vsel vm10, $0x26, v5;
	vm10 =	vmneg vm4;
	vm0 =	vgt.f32 v7, v2  }
0x342: {  	v19 =	vor.u32 $0x32, v3;
	v20 =	vld [tilespmem:$0x1FD60];
	v18 =	vnsel vm7, $0x27, v63;
	vm4 =	vmand vm10, vm0  }
0x343: {  	v6 =	vld.idx.msk [tilespmem:v59+s1+$0x0], $0xffff;
	v5 =	vsel vm11, v5, v60;
	v16 =	vsel vm10, v8, v7;
	v2 =	vsel vm4, v7, v2  }
0x344: {  	vm11 =	vnez.u8 v17;
	vm0 =	vgt.f32 v9, v16;
	v2 =	vsel vm10, v2, v8  }
0x345: {  	v5 =	vsel vm11, $0x27, v5;
	vm11 =	vmneg vm0;
	vm0 =	vgt.f32 v9, v2  }
0x346: {  	v5 =	vsel vm7, v5, v63;
	v7 =	vnsel vm5, $0x28, v18;
	vm7 =	vmand vm11, vm0  }
0x347: {  	v10 =	vld.idx.msk [tilespmem:v62+s1+$0x0], $0xffff;
	vm0 =	vnez.u8 v20;
	v2 =	vsel vm7, v9, v2;
	v9 =	vsel vm11, v16, v9  }
0x348: {  	v5 =	vsel vm0, $0x28, v5;
	v2 =	vsel vm11, v2, v16;
	vm0 =	vgt.f32 v6, v9  }
0x349: {  	v5 =	vsel vm5, v5, v18;
	vm5 =	vmneg vm0;
	vm0 =	vgt.f32 v6, v2  }
0x34a: {  	v21 =	vor.u32 $0x33, v3;
	v5 =	vsel vm13, $0x29, v5;
	vm13 =	vmand vm5, vm0  }
0x34b: {  	v8 =	vld.idx.msk [tilespmem:v19+s1+$0x0], $0xffff;
	v5 =	vsel vm2, v5, v7;
	v2 =	vsel vm13, v6, v2;
	v6 =	vsel vm5, v9, v6  }
0x34c: {  	v5 =	vsel vm15, $0x2A, v5;
	v2 =	vsel vm5, v2, v9;
	vm15 =	vgt.f32 v10, v6  }
0x34d: {  	v7 =	vnsel vm2, $0x29, v7;
	vm2 =	vmneg vm15;
	vm15 =	vgt.f32 v10, v2  }
0x34e: {  	v22 =	vor.u32 $0x34, v3;
	v24 =	vor.u32 $0x35, v3;
	vm15 =	vmand vm2, vm15  }
0x34f: {  	v11 =	vld.idx.msk [tilespmem:v21+s1+$0x0], $0xffff;
	v5 =	vsel vm6, v5, v7;
	v2 =	vsel vm15, v10, v2;
	v10 =	vsel vm2, v6, v10  }
0x350: {  	v5 =	vsel vm8, $0x2B, v5;
	v2 =	vsel vm2, v2, v6;
	vm8 =	vgt.f32 v8, v10  }
0x351: {  	v7 =	vnsel vm6, $0x2A, v7;
	vm0 =	vmneg vm8;
	vm6 =	vgt.f32 v8, v2  }
0x352: {  	v27 =	vor.u32 $0x36, v3;
	v30 =	vor.u32 $0x37, v3;
	vm8 =	vmand vm0, vm6  }
0x353: {  	v9 =	vld.idx.msk [tilespmem:v22+s1+$0x0], $0xffff;
	v23 =	vnsel vm3, $0x2B, v7;
	v26 =	vsel vm0, v10, v8;
	v2 =	vsel vm8, v8, v2  }
0x354: {  	v5 =	vsel vm3, v5, v7;
	vm6 =	vgt.f32 v11, v26;
	v2 =	vsel vm0, v2, v10  }
0x355: {  	v5 =	vsel vm12, $0x2C, v5;
	vm3 =	vmneg vm6;
	vm12 =	vgt.f32 v11, v2  }
0x356: {  	v25 =	vnsel vm9, $0x2C, v23;
	v5 =	vsel vm9, v5, v23;
	vm9 =	vmand vm3, vm12  }
0x357: {  	v7 =	vld.idx.msk [tilespmem:v24+s1+$0x0], $0xffff;
	v28 =	vnsel vm1, $0x2D, v25;
	v29 =	vsel vm3, v26, v11;
	v2 =	vsel vm9, v11, v2  }
0x358: {  	v5 =	vsel vm14, $0x2D, v5;
	vm6 =	vgt.f32 v9, v29;
	v2 =	vsel vm3, v2, v26  }
0x359: {  	v5 =	vsel vm1, v5, v25;
	vm1 =	vmneg vm6;
	vm12 =	vgt.f32 v9, v2  }
0x35a: {  	v33 =	vor.u32 $0x38, v3;
	v5 =	vsel vm4, $0x2E, v5;
	vm12 =	vmand vm1, vm12  }
0x35b: {  	v6 =	vld.idx.msk [tilespmem:v27+s1+$0x0], $0xffff;
	v8 =	vnsel vm10, $0x2E, v28;
	v31 =	vsel vm1, v29, v9;
	v2 =	vsel vm12, v9, v2  }
0x35c: {  	v5 =	vsel vm10, v5, v28;
	vm14 =	vgt.f32 v7, v31;
	v2 =	vsel vm1, v2, v29  }
0x35d: {  	v32 =	vnsel vm11, $0x2F, v8;
	vm4 =	vmneg vm14;
	vm10 =	vgt.f32 v7, v2  }
0x35e: {  	v5 =	vsel vm7, $0x2F, v5;
	v34 =	vnsel vm5, $0x30, v32;
	vm7 =	vmand vm4, vm10  }
0x35f: {  	v5 =	vsel vm11, v5, v8;
	v11 =	vld.idx.msk [tilespmem:v30+s1+$0x0], $0xffff;
	v35 =	vsel vm4, v31, v7;
	v2 =	vsel vm7, v7, v2  }
0x360: {  	v5 =	vsel vm13, $0x30, v5;
	vm14 =	vgt.f32 v6, v35;
	v2 =	vsel vm4, v2, v31  }
0x361: {  	v5 =	vsel vm5, v5, v32;
	vm5 =	vmneg vm14;
	vm10 =	vgt.f32 v6, v2  }
0x362: {  	v43 =	vor.u32 $0x3B, v3;
	v36 =	vor.u32 $0x39, v3;
	vm10 =	vmand vm5, vm10  }
0x363: {  	v37 =	vnsel vm2, $0x31, v34;
	v8 =	vld.idx.msk [tilespmem:v33+s1+$0x0], $0xffff;
	v38 =	vsel vm5, v35, v6;
	v2 =	vsel vm10, v6, v2  }
0x364: {  	v5 =	vsel vm15, $0x31, v5;
	vm11 =	vgt.f32 v11, v38;
	v2 =	vsel vm5, v2, v35  }
0x365: {  	v5 =	vsel vm2, v5, v34;
	vm2 =	vmneg vm11;
	vm13 =	vgt.f32 v11, v2  }
0x366: {  	v39 =	vor.u32 $0x3A, v3;
	v46 =	vor.u32 $0x3C, v3;
	vm6 =	vmand vm2, vm13  }
0x367: {  	v40 =	vnsel vm0, $0x32, v37;
	v7 =	vld.idx.msk [tilespmem:v36+s1+$0x0], $0xffff;
	v41 =	vsel vm2, v38, v11;
	v2 =	vsel vm6, v11, v2  }
0x368: {  	v5 =	vsel vm8, $0x32, v5;
	vm14 =	vgt.f32 v8, v41;
	v2 =	vsel vm2, v2, v38  }
0x369: {  	v5 =	vsel vm0, v5, v37;
	vm0 =	vmneg vm14;
	vm15 =	vgt.f32 v8, v2  }
0x36a: {  	v42 =	vnsel vm3, $0x33, v40;
	v5 =	vsel vm9, $0x33, v5;
	vm8 =	vmand vm0, vm15  }
0x36b: {  	v5 =	vsel vm3, v5, v40;
	v6 =	vld.idx.msk [tilespmem:v39+s1+$0x0], $0xffff;
	v44 =	vsel vm0, v41, v8;
	v2 =	vsel vm8, v8, v2  }
0x36c: {  	v5 =	vsel vm12, $0x34, v5;
	vm13 =	vgt.f32 v7, v44;
	v2 =	vsel vm0, v2, v41  }
0x36d: {  	v5 =	vsel vm1, v5, v42;
	vm3 =	vmneg vm13;
	vm14 =	vgt.f32 v7, v2  }
0x36e: {  	v52 =	vor.u32 $0x3E, v3;
	v5 =	vsel vm7, $0x35, v5;
	vm7 =	vmand vm3, vm14  }
0x36f: {  	v49 =	vor.u32 $0x3D, v3;
	v10 =	vld.idx.msk [tilespmem:v43+s1+$0x0], $0xffff;
	v47 =	vsel vm3, v44, v7;
	v2 =	vsel vm7, v7, v2  }
0x370: {  	v54 =	vor.u32 $0x3F, v3;
	vm15 =	vgt.f32 v6, v47;
	v2 =	vsel vm3, v2, v44  }
0x371: {  	v45 =	vnsel vm1, $0x34, v42;
	vm1 =	vmneg vm15;
	vm9 =	vgt.f32 v6, v2  }
0x372: {  	v48 =	vnsel vm4, $0x35, v45;
	v5 =	vsel vm4, v5, v45;
	vm9 =	vmand vm1, vm9  }
0x373: {  	v9 =	vld.idx.msk [tilespmem:v46+s1+$0x0], $0xffff;
	v5 =	vsel vm10, $0x36, v5;
	v50 =	vsel vm1, v47, v6;
	v2 =	vsel vm9, v6, v2  }
0x374: {  	v5 =	vsel vm5, v5, v48;
	vm10 =	vgt.f32 v10, v50;
	v2 =	vsel vm1, v2, v47  }
0x375: {  	vm4 =	vmneg vm10;
	v7 =	vnsel vm5, $0x36, v48;
	vm11 =	vgt.f32 v10, v2  }
0x376: {  	v5 =	vsel vm6, $0x37, v5;
	v51 =	vnsel vm2, $0x37, v7;
	vm12 =	vmand vm4, vm11  }
0x377: {  	v8 =	vld.idx.msk [tilespmem:v49+s1+$0x0], $0xffff;
	v5 =	vsel vm2, v5, v7;
	v2 =	vsel vm12, v10, v2;
	v10 =	vsel vm4, v50, v10  }
0x378: {  	v53 =	vnsel vm0, $0x38, v51;
	v2 =	vsel vm4, v2, v50;
	vm13 =	vgt.f32 v9, v10  }
0x379: {  	v5 =	vsel vm8, $0x38, v5;
	vm14 =	vmneg vm13;
	vm15 =	vgt.f32 v9, v2  }
0x37a: {  	v5 =	vsel vm0, v5, v51;
	v55 =	vnsel vm3, $0x39, v53;
	vm5 =	vmand vm14, vm15  }
0x37b: {  	v7 =	vld.idx.msk [tilespmem:v52+s1+$0x0], $0xffff;
	v5 =	vsel vm7, $0x39, v5;
	v56 =	vsel vm14, v10, v9;
	v2 =	vsel vm5, v9, v2  }
0x37c: {  	v57 =	vnsel vm1, $0x3A, v55;
	vm8 =	vgt.f32 v8, v56;
	v2 =	vsel vm14, v2, v10  }
0x37d: {  	v5 =	vsel vm3, v5, v53;
	vm3 =	vmneg vm8;
	vm10 =	vgt.f32 v8, v2  }
0x37e: {  	v59 =	vnsel vm4, $0x3B, v57;
	vm6 =	vmand vm3, vm10  }
0x37f: {  	v6 =	vld.idx.msk [tilespmem:v54+s1+$0x0], $0xffff;
	v5 =	vsel vm9, $0x3A, v5;
	v58 =	vsel vm3, v56, v8;
	v2 =	vsel vm6, v8, v2  }
0x380: {  	v5 =	vsel vm1, v5, v55;
	vm11 =	vgt.f32 v7, v58;
	v2 =	vsel vm3, v2, v56  }
0x381: {  	v5 =	vsel vm12, $0x3B, v5;
	vm1 =	vmneg vm11;
	vm12 =	vgt.f32 v7, v2  }
0x382: {  	v5 =	vsel vm4, v5, v57;
	v61 =	vnsel vm14, $0x3C, v59;
	vm2 =	vmand vm1, vm12  }
0x383: {  	v5 =	vsel vm5, $0x3C, v5;
	v60 =	vsel vm1, v58, v7;
	v2 =	vsel vm2, v7, v2  }
0x384: {  	v5 =	vsel vm14, v5, v59;
	vm13 =	vgt.f32 v6, v60;
	v2 =	vsel vm1, v2, v58  }
0x385: {  	v5 =	vsel vm6, $0x3D, v5;
	vm0 =	vmneg vm13;
	vm14 =	vgt.f32 v6, v2  }
0x386: {  	v5 =	vsel vm3, v5, v61;
	v7 =	vnsel vm3, $0x3D, v61;
	vm15 =	vmand vm0, vm14  }
0x387: {  	v5 =	vsel vm2, $0x3E, v5;
	v62 =	vsel vm0, v60, v6;
	v2 =	vsel vm15, v6, v2  }
0x388: {  	v5 =	vsel vm1, v5, v7;
	v63 =	vnsel vm1, $0x3E, v7;
	[tilespmem:v3+s9+$0x0] =	vst.idx.msk $0xffff, v62;
	v2 =	vsel vm0, v2, v60  }
0x389: {  	v7 =	vnsel vm0, $0x3F, v63;
	v5 =	vsel vm15, $0x3F, v5;
	[tilespmem:v4+s9+$0x0] =	vst.idx.msk $0xffff, v2  }
0x38a: {  	v2 =	vsel vm0, v5, v63;
	[tilespmem:v3+s10+$0x0] =	vst.idx.msk $0xffff, v7  }
0x38b: {  	s15 =	sadd.s32 s4, s14;
	[tilespmem:v4+s10+$0x0] =	vst.idx.msk $0xffff, v2  }
0x38c: {  	[hbm4b:s15+s1] =	stream.linear.scatter [tilespmem:s9], [sflag:$0x2], $0x4000, $0x38;
	[tilespmem:$0xC000] =	vst v63  }
0x38d: {  	s13 =	sadd.s32 $0x1, s13;
	_ =	swait.ge [sflag:s11], $0x4000  }
0x38e: {  	p0 =	sne.s32 s13, $0x8;
	[sflag:s11] =	ssyncset.done $0x0  }
.Ltmp1:
0x38f: {  	s31 =	sadd.s32 s5, s14;
	[sflag:s11] =	ssyncadd.s32 $0xFFFFC000;
	(pc) =	sbr.rel @p0 .LBB2_2-.Ltmp1, $4  }
0x390: {  	[hbm4b:s31+s1] =	stream.linear.scatter [tilespmem:s10], [sflag:$0x2], $0x4000, $0x38;
	[tilespmem:$0xC000] =	vst v63  }
0x391: {  	_ =	swait.ge [sflag:s11], $0x4000  }
0x392: {  	[sflag:s11] =	ssyncset.done $0x0  }
0x393: {  	[sflag:s11] =	ssyncadd.s32 $0xFFFFC000  }
0x394: {  	s12 =	sadd.s32 $0x1, s12  }
0x395: {  	p0 =	sne.s32 s12, s7  }
.Ltmp2:
0x396: {  	_ = 	snop;
	(pc) =	sbr.rel @p0 .LBB2_1-.Ltmp2, $1  }
0x397: {  	_ =	sdelay $0x3  }
0x398: {  	_ =	sfence.sel $0x180000  }
0x399: {  	[bflag:$0x0] =	sbarrier.arrive $0xFFFF  }
0x39a: {  	p0 =	sne.s32 s2, $0x0;
	_ =	strace $0x90000047  }
0x39b: {  	s0 =	sadd.s32 @!p0 $0x100000, s0;
	[bflag:$0x2] =	sbarrier.arrive $0xFFFF  }
0x39c: {  	[sflag:s0] =	ssyncadd.tile.s32 @!p0 $0x1;
	_ =	shalt  }
.Lfunc_end2:
_tile_overlayer_lowered:
.L_overlay_start_2:
0x39d: {  	(tag) =	ssettag $0x2  }
0x39e: {  	s0 =	rddreg [dreg:$0x0];
	s2 =	stileid.u32  }
0x39f: {  	s1 =	rddreg [dreg:$0x1];
	p0 =	sne.s32 s2, $0x0  }
0x3a0: {  	s3 =	rddreg [dreg:$0x2];
	[bflag:$0x3] =	sbarrier.arrive $0xFFFF;
	s2 =	simm.s32 @!p0 $0x1C02  }
0x3a1: {  	[timem:s3], [sflag:s2] =	dma.local @!p0 [hbm:s0], s1  }
0x3a2: {  	s0 =	simm.s32 @!p0 $0x2  }
0x3a3: {  	_ =	swait.ge @!p0 [sflag:s0], s1  }
0x3a4: {  	s1 =	ssub.s32 @!p0 $0x0, s1;
	[sflag:s0] =	ssyncset.done @!p0 $0x0  }
0x3a5: {  	[sflag:s0] =	ssyncadd.s32 @!p0 s1  }
0x3a6: {  	[bflag:$0x3] =	sbarrier.arrive $0xFFFF  }
0x3a7: {  	_ =	shalt  }

</sc_bundles>
